<compile_context>
chip_gen: v7x
topology: tpu7x:2x2x1
jax: 0.10.2.dev20260603
libtpu: 0.0.44.dev20260713+nightly
codegen_flags: <defaults>
</compile_context>

<pallas_src>
import functools

import jax
import jax.numpy as jnp
from jax import lax
from jax.experimental import pallas as pl
from jax.experimental.pallas import tpu as pltpu
from jax.experimental.pallas import tpu_sc as plsc

NN = 10000
NP = 10240
NA = 10240
EE = 160000
EP = 163840
NSUB = 16
WIN = 128
NWIN = EP // (NSUB * WIN)
GG = 64
HH = 512
NB = 512
RPS = NA // NSUB


HW = NWIN // 2


def _pipelined_accumulate(load, load_idx, out_view, acc, z128, dst_buf,
                          dbuf, ssem, sid, nhalves):
    r0 = sid * RPS
    pltpu.sync_copy(z128.at[pl.ds(r0, RPS)], acc.at[pl.ds(r0, RPS)])
    plsc.subcore_barrier()

    def make_scat(wl, b):
        return pltpu.make_async_copy(dbuf.at[b], acc.at[dst_buf.at[wl]],
                                     ssem.at[b])

    for half in range(nhalves):
        load_idx(half)

        @pl.loop(0, HW)
        def _(wl):
            b = lax.rem(wl, 2)

            @pl.when(wl >= 2)
            def _():
                make_scat(wl - 2, b).wait()

            load(half * HW + wl, wl, b)
            make_scat(wl, b).start(add=True)

        @pl.loop(0, 2)
        def _(k):
            wl = HW - 2 + k
            make_scat(wl, lax.rem(wl, 2)).wait()

    plsc.subcore_barrier()
    pltpu.sync_copy(acc.at[pl.ds(r0, RPS)], out_view.at[pl.ds(r0, RPS)])
    plsc.subcore_barrier()


def _seg_chunk(h_view, s_view, acc, z128, src_hbm, dst_hbm, src_buf,
               dst_buf, dbuf, ssem, sid):
    def load_idx(half):
        pltpu.sync_copy(src_hbm.at[sid, pl.ds(half * HW, HW)], src_buf)
        pltpu.sync_copy(dst_hbm.at[sid, pl.ds(half * HW, HW)], dst_buf)

    def load(w, wl, b):
        pltpu.sync_copy(h_view.at[src_buf.at[wl]], dbuf.at[b])

    _pipelined_accumulate(load, load_idx, s_view, acc, z128, dst_buf,
                          dbuf, ssem, sid, 2)


_SC_SCRATCH = [
    pltpu.VMEM((HW, WIN), jnp.int32),
    pltpu.VMEM((HW, WIN), jnp.int32),
    pltpu.VMEM((2, WIN, 128), jnp.float32),
    pltpu.VMEM_SHARED((NA, 128), jnp.float32),
    pltpu.SemaphoreType.DMA((2,)),
]


def _sc_ea(ea128, dstR, z128):
    mesh = plsc.VectorSubcoreMesh(core_axis_name="c", subcore_axis_name="s")

    @functools.partial(
        pl.kernel, mesh=mesh,
        out_type=jax.ShapeDtypeStruct((2, NP, 128), jnp.float32),
        scratch_types=list(_SC_SCRATCH),
    )
    def k(ea_hbm, dst_hbm, z128_hbm, eax_hbm,
          src_buf, dst_buf, dbuf, acc, ssem):
        core = lax.axis_index("c")
        sid = lax.axis_index("s")

        def load_idx(half):
            pltpu.sync_copy(dst_hbm.at[sid, pl.ds(core * HW, HW)], dst_buf)

        def load(w, wl, b):
            pltpu.sync_copy(
                ea_hbm.at[pl.ds(sid * (NWIN * WIN) + (core * HW + wl) * WIN,
                                WIN)],
                dbuf.at[b])

        _pipelined_accumulate(load, load_idx, eax_hbm.at[core], acc,
                              z128_hbm, dst_buf, dbuf, ssem, sid, 1)

    return k(ea128, dstR, z128)


def _sc_layer0(x2, srcR, dstR, z128):
    mesh = plsc.VectorSubcoreMesh(core_axis_name="c", subcore_axis_name="s")

    @functools.partial(
        pl.kernel, mesh=mesh,
        out_type=jax.ShapeDtypeStruct((2, NP, 128), jnp.float32),
        scratch_types=list(_SC_SCRATCH),
    )
    def k(x_hbm, src_hbm, dst_hbm, z128_hbm, s_hbm,
          src_buf, dst_buf, dbuf, acc, ssem):
        core = lax.axis_index("c")
        sid = lax.axis_index("s")
        _seg_chunk(x_hbm.at[core], s_hbm.at[core], acc, z128_hbm,
                   src_hbm, dst_hbm, src_buf, dst_buf, dbuf, ssem, sid)

    return k(x2, srcR, dstR, z128)


def _sc_layer(h4, srcR, dstR, z128):
    mesh = plsc.VectorSubcoreMesh(core_axis_name="c", subcore_axis_name="s")

    @functools.partial(
        pl.kernel, mesh=mesh,
        out_type=jax.ShapeDtypeStruct((4, NP, 128), jnp.float32),
        scratch_types=list(_SC_SCRATCH),
    )
    def k(h_hbm, src_hbm, dst_hbm, z128_hbm, s_hbm,
          src_buf, dst_buf, dbuf, acc, ssem):
        core = lax.axis_index("c")
        sid = lax.axis_index("s")

        @pl.loop(0, 2)
        def _(j):
            c = core * 2 + j
            _seg_chunk(h_hbm.at[c], s_hbm.at[c], acc, z128_hbm,
                       src_hbm, dst_hbm, src_buf, dst_buf, dbuf, ssem, sid)

    return k(h4, srcR, dstR, z128)


def _hidden_block(h_ref, s_ref, e_ref, wi_ref, wj_ref, we_ref, b_ref, nc):
    e_blk = e_ref[0] + e_ref[1]
    deg = e_blk[:, 16:17]
    acc = deg * b_ref[...]
    acc += jnp.dot(e_blk, we_ref[...], preferred_element_type=jnp.float32)
    for c in range(nc):
        hc = h_ref[c] * deg
        acc += jnp.dot(hc, wi_ref[pl.ds(c * 128, 128), :],
                       preferred_element_type=jnp.float32)
        acc += jnp.dot(s_ref[c], wj_ref[pl.ds(c * 128, 128), :],
                       preferred_element_type=jnp.float32)
    return jnp.maximum(acc, 0.0)


def _tc_layer(hch, sch, eax, wit, wjt, wept, bm):
    nc = hch.shape[0]

    def body(h_ref, s_ref, e_ref, wi_ref, wj_ref, we_ref, b_ref, o_ref):
        hnew = _hidden_block(h_ref, s_ref, e_ref, wi_ref, wj_ref, we_ref,
                             b_ref, nc)
        for c in range(4):
            o_ref[c] = hnew[:, c * 128:(c + 1) * 128]

    return pl.pallas_call(
        body,
        grid=(NP // NB,),
        in_specs=[
            pl.BlockSpec((nc, NB, 128), lambda i: (0, i, 0)),
            pl.BlockSpec((nc, NB, 128), lambda i: (0, i, 0)),
            pl.BlockSpec((2, NB, 128), lambda i: (0, i, 0)),
            pl.BlockSpec((nc * 128, HH), lambda i: (0, 0)),
            pl.BlockSpec((nc * 128, HH), lambda i: (0, 0)),
            pl.BlockSpec((128, HH), lambda i: (0, 0)),
            pl.BlockSpec((1, HH), lambda i: (0, 0)),
        ],
        out_specs=pl.BlockSpec((4, NB, 128), lambda i: (0, i, 0)),
        out_shape=jax.ShapeDtypeStruct((4, NP, 128), jnp.float32),
    )(hch, sch, eax, wit, wjt, wept, bm)


def _tc_final(hch, sch, eax, wit, wjt, wept, bm, batch_p, wlpt, blp):
    def body(h_ref, s_ref, e_ref, wi_ref, wj_ref, we_ref, b_ref,
             bat_ref, wl_ref, bl_ref, o_ref, pool, cnt):
        i = pl.program_id(0)

        @pl.when(i == 0)
        def _():
            pool[...] = jnp.zeros_like(pool)
            cnt[...] = jnp.zeros_like(cnt)

        hnew = _hidden_block(h_ref, s_ref, e_ref, wi_ref, wj_ref, we_ref,
                             b_ref, 4)
        rid = i * NB + lax.broadcasted_iota(jnp.int32, (NB, 1), 0)
        hnew = jnp.where(rid < NN, hnew, 0.0)
        bat = bat_ref[...][:, 0]
        gids = lax.broadcasted_iota(jnp.int32, (GG, NB), 0)
        oh = jnp.where(gids == bat[None, :], 1.0, 0.0)
        pool[...] += jnp.dot(oh, hnew, preferred_element_type=jnp.float32)
        cnt[...] += jnp.broadcast_to(
            jnp.sum(oh, axis=1, keepdims=True), (GG, 128))

        @pl.when(i == NP // NB - 1)
        def _():
            pooled = pool[...] / jnp.maximum(cnt[...][:, :1], 1.0)
            logits = jnp.dot(pooled, wl_ref[...],
                             preferred_element_type=jnp.float32) + bl_ref[...]
            m = jnp.max(logits, axis=1, keepdims=True)
            lse = jnp.log(jnp.sum(jnp.exp(logits - m), axis=1,
                                  keepdims=True)) + m
            o_ref[...] = logits - lse

    return pl.pallas_call(
        body,
        grid=(NP // NB,),
        in_specs=[
            pl.BlockSpec((4, NB, 128), lambda i: (0, i, 0)),
            pl.BlockSpec((4, NB, 128), lambda i: (0, i, 0)),
            pl.BlockSpec((2, NB, 128), lambda i: (0, i, 0)),
            pl.BlockSpec((HH, HH), lambda i: (0, 0)),
            pl.BlockSpec((HH, HH), lambda i: (0, 0)),
            pl.BlockSpec((128, HH), lambda i: (0, 0)),
            pl.BlockSpec((1, HH), lambda i: (0, 0)),
            pl.BlockSpec((NB, 1), lambda i: (i, 0)),
            pl.BlockSpec((HH, 128), lambda i: (0, 0)),
            pl.BlockSpec((1, 128), lambda i: (0, 0)),
        ],
        out_specs=pl.BlockSpec((GG, 128), lambda i: (0, 0)),
        out_shape=jax.ShapeDtypeStruct((GG, 128), jnp.float32),
        scratch_shapes=[
            pltpu.VMEM((GG, HH), jnp.float32),
            pltpu.VMEM((GG, 128), jnp.float32),
        ],
    )(hch, sch, eax, wit, wjt, wept, bm, batch_p, wlpt, blp)


def kernel(x, edge_index, edge_attr, batch, W0, b0, W1, b1, W2, b2, Wl, bl):
    f32 = jnp.float32
    src = edge_index[0]
    dst = edge_index[1]

    pad = EP - EE
    pad_ids = jnp.arange(pad, dtype=jnp.int32) % 16
    src_p = jnp.concatenate([src, pad_ids])
    dst_p = jnp.concatenate([dst, NN + pad_ids])
    srcR = src_p.reshape(NSUB, NWIN, WIN)
    dstR = dst_p.reshape(NSUB, NWIN, WIN)

    ea128 = jnp.zeros((EP, 128), f32)
    ea128 = ea128.at[:EE, :16].set(edge_attr)
    ea128 = ea128.at[:EE, 16].set(1.0)

    x_p = jnp.zeros((NP, 256), f32).at[:NN].set(x)
    x2 = x_p.reshape(NP, 2, 128).transpose(1, 0, 2)
    z128 = jnp.zeros((NP, 128), f32)
    batch_p = jnp.full((NP, 1), 1 << 30, jnp.int32).at[:NN, 0].set(batch)

    def parts(W, d):
        wit = W[:, :d].T
        wjt = W[:, d:2 * d].T
        wept = jnp.zeros((128, HH), f32).at[:16].set(W[:, 2 * d:].T)
        return wit, wjt, wept

    wi0, wj0, we0 = parts(W0, 256)
    wi1, wj1, we1 = parts(W1, 512)
    wi2, wj2, we2 = parts(W2, 512)
    wlpt = jnp.zeros((HH, 128), f32).at[:, :4].set(Wl.T)
    blp = jnp.full((1, 128), -1e30, f32).at[0, :4].set(bl)

    eax = _sc_ea(ea128, dstR, z128)
    s1 = _sc_layer0(x2, srcR, dstR, z128)
    h1 = _tc_layer(x2, s1, eax, wi0, wj0, we0, b0.reshape(1, HH))
    s2 = _sc_layer(h1, srcR, dstR, z128)
    h2 = _tc_layer(h1, s2, eax, wi1, wj1, we1, b1.reshape(1, HH))
    s3 = _sc_layer(h2, srcR, dstR, z128)
    out = _tc_final(h2, s3, eax, wi2, wj2, we2, b2.reshape(1, HH),
                    batch_p, wlpt, blp)
    return out[:, :4]

# --- scband reference (transcript-rebuilt; emitter-appended) ---
"""Pipeline reference for scband-gcn-3152505995414 (READ-ONLY COPY).

The authoritative reference and input builder live on the scoring server;
editing this copy changes nothing except your own understanding.
"""

import jax, jax.numpy as jnp
import numpy as np

N = 10000
E = 160000
D_IN = 256
D_EDGE = 16
H = 512
C = 4
G = 64


def setup_inputs(seed: int = 0) -> dict:
    key = jax.random.key(seed)
    ks = jax.random.split(key, 12)
    x = jax.random.normal(ks[0], (N, D_IN), dtype=jnp.float32)
    edge_index = jax.random.randint(ks[1], (2, E), 0, N, dtype=jnp.int32)
    edge_attr = jax.random.normal(ks[2], (E, D_EDGE), dtype=jnp.float32)
    batch = jnp.sort(jax.random.randint(ks[3], (N,), 0, G, dtype=jnp.int32))
    W0 = jax.random.normal(ks[4], (H, 2 * D_IN + D_EDGE), dtype=jnp.float32) * 0.02
    b0 = jnp.zeros((H,), dtype=jnp.float32)
    W1 = jax.random.normal(ks[5], (H, 2 * H + D_EDGE), dtype=jnp.float32) * 0.02
    b1 = jnp.zeros((H,), dtype=jnp.float32)
    W2 = jax.random.normal(ks[6], (H, 2 * H + D_EDGE), dtype=jnp.float32) * 0.02
    b2 = jnp.zeros((H,), dtype=jnp.float32)
    Wl = jax.random.normal(ks[7], (C, H), dtype=jnp.float32) * 0.02
    bl = jnp.zeros((C,), dtype=jnp.float32)
    return {"x": x, "edge_index": edge_index, "edge_attr": edge_attr, "batch": batch,
            "W0": W0, "b0": b0, "W1": W1, "b1": b1, "W2": W2, "b2": b2,
            "Wl": Wl, "bl": bl}


def reference(x, edge_index, edge_attr, batch, W0, b0, W1, b1, W2, b2, Wl, bl):
    # PyG MessagePassing default flow source_to_target:
    # x_j = x[edge_index[0]] (source), x_i = x[edge_index[1]] (target),
    # aggregation 'add' onto target nodes edge_index[1].
    src = edge_index[0]
    dst = edge_index[1]
    h = x
    for W, b in ((W0, b0), (W1, b1), (W2, b2)):
        x_i = h[dst]
        x_j = h[src]
        edge_features = jnp.concatenate([x_i, x_j, edge_attr], axis=1)
        msg = edge_features @ W.T + b
        h = jax.ops.segment_sum(msg, dst, num_segments=N)
        h = jax.nn.relu(h)
    # global_mean_pool over graphs in the batch
    sums = jax.ops.segment_sum(h, batch, num_segments=G)
    counts = jax.ops.segment_sum(jnp.ones((N, 1), dtype=h.dtype), batch, num_segments=G)
    pooled = sums / jnp.maximum(counts, 1.0)
    logits = pooled @ Wl.T + bl
    return jax.nn.log_softmax(logits, axis=1)

if __name__ == "__main__":
    import jax
    _d = setup_inputs()
    print(jax.jit(kernel)(*tuple(_d.values())))

</pallas_src>

<mosaic_0001>
#map = affine_map<(d0, d1) -> (0, 0, 0)>
#map1 = affine_map<(d0, d1) -> (0, 0)>
module attributes {stable_mosaic.version = 14 : i64} {
  func.func @k(%arg0: i32, %arg1: i32, %arg2: memref<2x10240x128xf32, #tpu.memory_space<hbm>>, %arg3: memref<16x80x128xi32, #tpu.memory_space<hbm>>, %arg4: memref<16x80x128xi32, #tpu.memory_space<hbm>>, %arg5: memref<10240x128xf32, #tpu.memory_space<hbm>>, %arg6: memref<2x10240x128xf32, #tpu.memory_space<hbm>>, %arg7: memref<40x128xi32, #tpu.memory_space<vmem>>, %arg8: memref<40x128xi32, #tpu.memory_space<vmem>>, %arg9: memref<2x128x128xf32, #tpu.memory_space<vmem>>, %arg10: memref<10240x128xf32, #tpu.memory_space<vmem_shared>>, %arg11: memref<2x!tpu.dma_semaphore, #tpu.memory_space<semaphore_mem>>) attributes {dimension_semantics = [#tpu.dimension_semantics<core_parallel>, #tpu.dimension_semantics<subcore_parallel>], iteration_bounds = array<i64: 2, 16>, scalar_prefetch = 0 : i64, scratch_operands = 5 : i64, tpu.core_type = #tpu.core_type<sc_vector_subcore>, window_params = [{transform_indices = #map}, {transform_indices = #map}, {transform_indices = #map}, {transform_indices = #map1}, {transform_indices = #map}]} {
    %mul3A = arith.constant 640 : i32
    %mul3A_0 = arith.muli %arg1, %mul3A : i32
    "tpu.region"() ({
      %run_scoped3A = tpu.sem_alloc : memref<!tpu.dma_semaphore, #tpu.memory_space<semaphore_mem>>
      %dma_start3A = arith.constant 0 : i32
      %dma_start3A_22 = tpu.memref_slice %arg10[%mul3A_0, %dma_start3A] : memref<10240x128xf32, #tpu.memory_space<vmem_shared>> -> memref<640x128xf32, #tpu.memory_space<vmem_shared>>
      %dma_start3A_23 = arith.constant 0 : i32
      %dma_start3A_24 = tpu.memref_slice %arg5[%mul3A_0, %dma_start3A_23] : memref<10240x128xf32, #tpu.memory_space<hbm>> -> memref<640x128xf32, #tpu.memory_space<hbm>>
      tpu.enqueue_dma source(%dma_start3A_24 : memref<640x128xf32, #tpu.memory_space<hbm>>) target(%dma_start3A_22 : memref<640x128xf32, #tpu.memory_space<vmem_shared>>) target_semaphore(%run_scoped3A : memref<!tpu.dma_semaphore, #tpu.memory_space<semaphore_mem>>)
      %dma_wait3A = arith.constant 0 : i32
      %dma_wait3A_25 = tpu.memref_slice %arg10[%mul3A_0, %dma_wait3A] : memref<10240x128xf32, #tpu.memory_space<vmem_shared>> -> memref<640x128xf32, #tpu.memory_space<vmem_shared>>
      %dma_wait3A_26 = arith.constant 0 : i32
      %dma_wait3A_27 = tpu.memref_slice %arg5[%mul3A_0, %dma_wait3A_26] : memref<10240x128xf32, #tpu.memory_space<hbm>> -> memref<640x128xf32, #tpu.memory_space<hbm>>
      tpu.wait_dma2 semaphore(%run_scoped3A : memref<!tpu.dma_semaphore, #tpu.memory_space<semaphore_mem>>) src(%dma_wait3A_27 : memref<640x128xf32, #tpu.memory_space<hbm>>) dst(%dma_wait3A_25 : memref<640x128xf32, #tpu.memory_space<vmem_shared>>)
      tpu.yield
    }) : () -> ()
    %barrier3A = arith.constant 0 : index
    tpu.barrier barrier_id(%barrier3A)
    "tpu.region"() ({
      %run_scoped3A = tpu.sem_alloc : memref<!tpu.dma_semaphore, #tpu.memory_space<semaphore_mem>>
      %dma_start3A = arith.constant 0 : i32
      %dma_start3A_22 = arith.constant 0 : i32
      %dma_start3A_23 = tpu.memref_slice %arg3[%arg1, %dma_start3A, %dma_start3A_22] : memref<16x80x128xi32, #tpu.memory_space<hbm>> -> memref<1x40x128xi32, #tpu.memory_space<hbm>>
      %dma_start3A_24 = tpu.memref_squeeze %dma_start3A_23 : memref<1x40x128xi32, #tpu.memory_space<hbm>> -> memref<40x128xi32, #tpu.memory_space<hbm>>
      %dma_start3A_25 = arith.constant 0 : i32
      %dma_start3A_26 = arith.constant 0 : i32
      %dma_start3A_27 = tpu.memref_slice %arg3[%arg1, %dma_start3A_25, %dma_start3A_26] : memref<16x80x128xi32, #tpu.memory_space<hbm>> -> memref<1x40x128xi32, #tpu.memory_space<hbm>>
      %dma_start3A_28 = tpu.memref_squeeze %dma_start3A_27 : memref<1x40x128xi32, #tpu.memory_space<hbm>> -> memref<40x128xi32, #tpu.memory_space<hbm>>
      tpu.enqueue_dma source(%dma_start3A_28 : memref<40x128xi32, #tpu.memory_space<hbm>>) target(%arg7 : memref<40x128xi32, #tpu.memory_space<vmem>>) target_semaphore(%run_scoped3A : memref<!tpu.dma_semaphore, #tpu.memory_space<semaphore_mem>>)
      %dma_wait3A = arith.constant 0 : i32
      %dma_wait3A_29 = arith.constant 0 : i32
      %dma_wait3A_30 = tpu.memref_slice %arg3[%arg1, %dma_wait3A, %dma_wait3A_29] : memref<16x80x128xi32, #tpu.memory_space<hbm>> -> memref<1x40x128xi32, #tpu.memory_space<hbm>>
      %dma_wait3A_31 = tpu.memref_squeeze %dma_wait3A_30 : memref<1x40x128xi32, #tpu.memory_space<hbm>> -> memref<40x128xi32, #tpu.memory_space<hbm>>
      %dma_wait3A_32 = arith.constant 0 : i32
      %dma_wait3A_33 = arith.constant 0 : i32
      %dma_wait3A_34 = tpu.memref_slice %arg3[%arg1, %dma_wait3A_32, %dma_wait3A_33] : memref<16x80x128xi32, #tpu.memory_space<hbm>> -> memref<1x40x128xi32, #tpu.memory_space<hbm>>
      %dma_wait3A_35 = tpu.memref_squeeze %dma_wait3A_34 : memref<1x40x128xi32, #tpu.memory_space<hbm>> -> memref<40x128xi32, #tpu.memory_space<hbm>>
      tpu.wait_dma2 semaphore(%run_scoped3A : memref<!tpu.dma_semaphore, #tpu.memory_space<semaphore_mem>>) src(%dma_wait3A_35 : memref<40x128xi32, #tpu.memory_space<hbm>>) dst(%arg7 : memref<40x128xi32, #tpu.memory_space<vmem>>)
      tpu.yield
    }) : () -> ()
    "tpu.region"() ({
      %run_scoped3A = tpu.sem_alloc : memref<!tpu.dma_semaphore, #tpu.memory_space<semaphore_mem>>
      %dma_start3A = arith.constant 0 : i32
      %dma_start3A_22 = arith.constant 0 : i32
      %dma_start3A_23 = tpu.memref_slice %arg4[%arg1, %dma_start3A, %dma_start3A_22] : memref<16x80x128xi32, #tpu.memory_space<hbm>> -> memref<1x40x128xi32, #tpu.memory_space<hbm>>
      %dma_start3A_24 = tpu.memref_squeeze %dma_start3A_23 : memref<1x40x128xi32, #tpu.memory_space<hbm>> -> memref<40x128xi32, #tpu.memory_space<hbm>>
      %dma_start3A_25 = arith.constant 0 : i32
      %dma_start3A_26 = arith.constant 0 : i32
      %dma_start3A_27 = tpu.memref_slice %arg4[%arg1, %dma_start3A_25, %dma_start3A_26] : memref<16x80x128xi32, #tpu.memory_space<hbm>> -> memref<1x40x128xi32, #tpu.memory_space<hbm>>
      %dma_start3A_28 = tpu.memref_squeeze %dma_start3A_27 : memref<1x40x128xi32, #tpu.memory_space<hbm>> -> memref<40x128xi32, #tpu.memory_space<hbm>>
      tpu.enqueue_dma source(%dma_start3A_28 : memref<40x128xi32, #tpu.memory_space<hbm>>) target(%arg8 : memref<40x128xi32, #tpu.memory_space<vmem>>) target_semaphore(%run_scoped3A : memref<!tpu.dma_semaphore, #tpu.memory_space<semaphore_mem>>)
      %dma_wait3A = arith.constant 0 : i32
      %dma_wait3A_29 = arith.constant 0 : i32
      %dma_wait3A_30 = tpu.memref_slice %arg4[%arg1, %dma_wait3A, %dma_wait3A_29] : memref<16x80x128xi32, #tpu.memory_space<hbm>> -> memref<1x40x128xi32, #tpu.memory_space<hbm>>
      %dma_wait3A_31 = tpu.memref_squeeze %dma_wait3A_30 : memref<1x40x128xi32, #tpu.memory_space<hbm>> -> memref<40x128xi32, #tpu.memory_space<hbm>>
      %dma_wait3A_32 = arith.constant 0 : i32
      %dma_wait3A_33 = arith.constant 0 : i32
      %dma_wait3A_34 = tpu.memref_slice %arg4[%arg1, %dma_wait3A_32, %dma_wait3A_33] : memref<16x80x128xi32, #tpu.memory_space<hbm>> -> memref<1x40x128xi32, #tpu.memory_space<hbm>>
      %dma_wait3A_35 = tpu.memref_squeeze %dma_wait3A_34 : memref<1x40x128xi32, #tpu.memory_space<hbm>> -> memref<40x128xi32, #tpu.memory_space<hbm>>
      tpu.wait_dma2 semaphore(%run_scoped3A : memref<!tpu.dma_semaphore, #tpu.memory_space<semaphore_mem>>) src(%dma_wait3A_35 : memref<40x128xi32, #tpu.memory_space<hbm>>) dst(%arg8 : memref<40x128xi32, #tpu.memory_space<vmem>>)
      tpu.yield
    }) : () -> ()
    %scan3A = arith.constant 0 : i32
    %scan3A_1 = arith.constant 40 : i32
    %scan3A_2 = arith.addi %scan3A, %scan3A_1 : i32
    %scan3A_3 = arith.constant 1 : i32
    scf.for %scan3A_22 = %scan3A to %scan3A_2 step %scan3A_3  : i32 {
      %mul3A_23 = arith.constant 1 : i32
      %mul3A_24 = arith.muli %scan3A_22, %mul3A_23 : i32
      %add3A = arith.constant 0 : i32
      %add3A_25 = arith.addi %add3A, %mul3A_24 : i32
      %rem3A = arith.constant 2 : i32
      %rem3A_26 = arith.remsi %add3A_25, %rem3A : i32
      %ge3A = arith.constant 2 : i32
      %ge3A_27 = arith.cmpi sge, %add3A_25, %ge3A : i32
      %convert_element_type3A = arith.extui %ge3A_27 : i1 to i32
      %cond3A = arith.constant 0 : i32
      %cond3A_28 = arith.cmpi ne, %convert_element_type3A, %cond3A : i32
      scf.if %cond3A_28 {
        %sub3A = arith.constant 2 : i32
        %sub3A_42 = arith.subi %add3A_25, %sub3A : i32
        %dma_wait3A = arith.constant 0 : i32
        %dma_wait3A_43 = arith.constant 0 : i32
        %dma_wait3A_44 = tpu.memref_slice %arg9[%rem3A_26, %dma_wait3A, %dma_wait3A_43] : memref<2x128x128xf32, #tpu.memory_space<vmem>> -> memref<1x128x128xf32, #tpu.memory_space<vmem>>
        %dma_wait3A_45 = tpu.memref_squeeze %dma_wait3A_44 : memref<1x128x128xf32, #tpu.memory_space<vmem>> -> memref<128x128xf32, #tpu.memory_space<vmem>>
        %dma_wait3A_46 = arith.constant 0 : i32
        %dma_wait3A_47 = tpu.memref_slice %arg8[%sub3A_42, %dma_wait3A_46] : memref<40x128xi32, #tpu.memory_space<vmem>> -> memref<1x128xi32, #tpu.memory_space<vmem>>
        %dma_wait3A_48 = tpu.memref_squeeze %dma_wait3A_47 : memref<1x128xi32, #tpu.memory_space<vmem>> -> memref<128xi32, #tpu.memory_space<vmem>>
        %dma_wait3A_49 = arith.constant 0 : i32
        %dma_wait3A_50 = arith.constant 0 : i32
        %dma_wait3A_51 = tpu.memref_slice %arg10[%dma_wait3A_49, %dma_wait3A_50] : memref<10240x128xf32, #tpu.memory_space<vmem_shared>> -> memref<10240x128xf32, #tpu.memory_space<vmem_shared>>
        %dma_wait3A_52 = tpu.memref_slice %arg11[%rem3A_26] : memref<2x!tpu.dma_semaphore, #tpu.memory_space<semaphore_mem>> -> memref<1x!tpu.dma_semaphore, #tpu.memory_space<semaphore_mem>>
        %dma_wait3A_53 = tpu.memref_squeeze %dma_wait3A_52 : memref<1x!tpu.dma_semaphore, #tpu.memory_space<semaphore_mem>> -> memref<!tpu.dma_semaphore, #tpu.memory_space<semaphore_mem>>
        tpu.wait_indirect_dma semaphore(%dma_wait3A_53 : memref<!tpu.dma_semaphore, #tpu.memory_space<semaphore_mem>>) src(%dma_wait3A_45 : memref<128x128xf32, #tpu.memory_space<vmem>>) dst(%dma_wait3A_51 : memref<10240x128xf32, #tpu.memory_space<vmem_shared>>)
      } else {
      }
      %add3A_29 = arith.constant 0 : i32
      %add3A_30 = arith.addi %add3A_29, %add3A_25 : i32
      "tpu.region"() ({
        %run_scoped3A = tpu.sem_alloc : memref<!tpu.dma_semaphore, #tpu.memory_space<semaphore_mem>>
        %dma_start3A_42 = arith.constant 0 : i32
        %dma_start3A_43 = arith.constant 0 : i32
        %dma_start3A_44 = tpu.memref_slice %arg9[%rem3A_26, %dma_start3A_42, %dma_start3A_43] : memref<2x128x128xf32, #tpu.memory_space<vmem>> -> memref<1x128x128xf32, #tpu.memory_space<vmem>>
        %dma_start3A_45 = tpu.memref_squeeze %dma_start3A_44 : memref<1x128x128xf32, #tpu.memory_space<vmem>> -> memref<128x128xf32, #tpu.memory_space<vmem>>
        %dma_start3A_46 = arith.constant 0 : i32
        %dma_start3A_47 = tpu.memref_slice %arg7[%add3A_25, %dma_start3A_46] : memref<40x128xi32, #tpu.memory_space<vmem>> -> memref<1x128xi32, #tpu.memory_space<vmem>>
        %dma_start3A_48 = tpu.memref_squeeze %dma_start3A_47 : memref<1x128xi32, #tpu.memory_space<vmem>> -> memref<128xi32, #tpu.memory_space<vmem>>
        %dma_start3A_49 = arith.constant 0 : i32
        %dma_start3A_50 = arith.constant 0 : i32
        %dma_start3A_51 = tpu.memref_slice %arg2[%arg0, %dma_start3A_49, %dma_start3A_50] : memref<2x10240x128xf32, #tpu.memory_space<hbm>> -> memref<1x10240x128xf32, #tpu.memory_space<hbm>>
        %dma_start3A_52 = tpu.memref_squeeze %dma_start3A_51 : memref<1x10240x128xf32, #tpu.memory_space<hbm>> -> memref<10240x128xf32, #tpu.memory_space<hbm>>
        %dma_start3A_53 = arith.constant 0 : i32
        %dma_start3A_54 = arith.constant 0 : i32
        %dma_start3A_55 = tpu.memref_slice %dma_start3A_52[%dma_start3A_53, %dma_start3A_54] : memref<10240x128xf32, #tpu.memory_space<hbm>> -> memref<10240x128xf32, #tpu.memory_space<hbm>>
        tpu.enqueue_indirect_dma source(%dma_start3A_55 : memref<10240x128xf32, #tpu.memory_space<hbm>>) target(%dma_start3A_45 : memref<128x128xf32, #tpu.memory_space<vmem>>) offsets(%dma_start3A_48 : memref<128xi32, #tpu.memory_space<vmem>>) semaphore(%run_scoped3A : memref<!tpu.dma_semaphore, #tpu.memory_space<semaphore_mem>>)
        %dma_wait3A = arith.constant 0 : i32
        %dma_wait3A_56 = arith.constant 0 : i32
        %dma_wait3A_57 = tpu.memref_slice %arg9[%rem3A_26, %dma_wait3A, %dma_wait3A_56] : memref<2x128x128xf32, #tpu.memory_space<vmem>> -> memref<1x128x128xf32, #tpu.memory_space<vmem>>
        %dma_wait3A_58 = tpu.memref_squeeze %dma_wait3A_57 : memref<1x128x128xf32, #tpu.memory_space<vmem>> -> memref<128x128xf32, #tpu.memory_space<vmem>>
        %dma_wait3A_59 = arith.constant 0 : i32
        %dma_wait3A_60 = tpu.memref_slice %arg7[%add3A_25, %dma_wait3A_59] : memref<40x128xi32, #tpu.memory_space<vmem>> -> memref<1x128xi32, #tpu.memory_space<vmem>>
        %dma_wait3A_61 = tpu.memref_squeeze %dma_wait3A_60 : memref<1x128xi32, #tpu.memory_space<vmem>> -> memref<128xi32, #tpu.memory_space<vmem>>
        %dma_wait3A_62 = arith.constant 0 : i32
        %dma_wait3A_63 = arith.constant 0 : i32
        %dma_wait3A_64 = tpu.memref_slice %arg2[%arg0, %dma_wait3A_62, %dma_wait3A_63] : memref<2x10240x128xf32, #tpu.memory_space<hbm>> -> memref<1x10240x128xf32, #tpu.memory_space<hbm>>
        %dma_wait3A_65 = tpu.memref_squeeze %dma_wait3A_64 : memref<1x10240x128xf32, #tpu.memory_space<hbm>> -> memref<10240x128xf32, #tpu.memory_space<hbm>>
        %dma_wait3A_66 = arith.constant 0 : i32
        %dma_wait3A_67 = arith.constant 0 : i32
        %dma_wait3A_68 = tpu.memref_slice %dma_wait3A_65[%dma_wait3A_66, %dma_wait3A_67] : memref<10240x128xf32, #tpu.memory_space<hbm>> -> memref<10240x128xf32, #tpu.memory_space<hbm>>
        tpu.wait_indirect_dma semaphore(%run_scoped3A : memref<!tpu.dma_semaphore, #tpu.memory_space<semaphore_mem>>) src(%dma_wait3A_68 : memref<10240x128xf32, #tpu.memory_space<hbm>>) dst(%dma_wait3A_58 : memref<128x128xf32, #tpu.memory_space<vmem>>)
        tpu.yield
      }) : () -> ()
      %dma_start3A = arith.constant 0 : i32
      %dma_start3A_31 = arith.constant 0 : i32
      %dma_start3A_32 = tpu.memref_slice %arg9[%rem3A_26, %dma_start3A, %dma_start3A_31] : memref<2x128x128xf32, #tpu.memory_space<vmem>> -> memref<1x128x128xf32, #tpu.memory_space<vmem>>
      %dma_start3A_33 = tpu.memref_squeeze %dma_start3A_32 : memref<1x128x128xf32, #tpu.memory_space<vmem>> -> memref<128x128xf32, #tpu.memory_space<vmem>>
      %dma_start3A_34 = arith.constant 0 : i32
      %dma_start3A_35 = tpu.memref_slice %arg8[%add3A_25, %dma_start3A_34] : memref<40x128xi32, #tpu.memory_space<vmem>> -> memref<1x128xi32, #tpu.memory_space<vmem>>
      %dma_start3A_36 = tpu.memref_squeeze %dma_start3A_35 : memref<1x128xi32, #tpu.memory_space<vmem>> -> memref<128xi32, #tpu.memory_space<vmem>>
      %dma_start3A_37 = arith.constant 0 : i32
      %dma_start3A_38 = arith.constant 0 : i32
      %dma_start3A_39 = tpu.memref_slice %arg10[%dma_start3A_37, %dma_start3A_38] : memref<10240x128xf32, #tpu.memory_space<vmem_shared>> -> memref<10240x128xf32, #tpu.memory_space<vmem_shared>>
      %dma_start3A_40 = tpu.memref_slice %arg11[%rem3A_26] : memref<2x!tpu.dma_semaphore, #tpu.memory_space<semaphore_mem>> -> memref<1x!tpu.dma_semaphore, #tpu.memory_space<semaphore_mem>>
      %dma_start3A_41 = tpu.memref_squeeze %dma_start3A_40 : memref<1x!tpu.dma_semaphore, #tpu.memory_space<semaphore_mem>> -> memref<!tpu.dma_semaphore, #tpu.memory_space<semaphore_mem>>
      tpu.enqueue_indirect_dma source(%dma_start3A_33 : memref<128x128xf32, #tpu.memory_space<vmem>>) target(%dma_start3A_39 : memref<10240x128xf32, #tpu.memory_space<vmem_shared>>) offsets(%dma_start3A_36 : memref<128xi32, #tpu.memory_space<vmem>>) semaphore(%dma_start3A_41 : memref<!tpu.dma_semaphore, #tpu.memory_space<semaphore_mem>>) {add = true}
    }
    %scan3A_4 = arith.constant 40 : i32
    %scan3A_5 = arith.constant 0 : i32
    %scan3A_6 = arith.constant 2 : i32
    %scan3A_7 = arith.addi %scan3A_5, %scan3A_6 : i32
    %scan3A_8 = arith.constant 1 : i32
    scf.for %scan3A_22 = %scan3A_5 to %scan3A_7 step %scan3A_8  : i32 {
      %mul3A_23 = arith.constant 1 : i32
      %mul3A_24 = arith.muli %scan3A_22, %mul3A_23 : i32
      %add3A = arith.constant 0 : i32
      %add3A_25 = arith.addi %add3A, %mul3A_24 : i32
      %add3A_26 = arith.constant 38 : i32
      %add3A_27 = arith.addi %add3A_26, %add3A_25 : i32
      %rem3A = arith.constant 2 : i32
      %rem3A_28 = arith.remsi %add3A_27, %rem3A : i32
      %dma_wait3A = arith.constant 0 : i32
      %dma_wait3A_29 = arith.constant 0 : i32
      %dma_wait3A_30 = tpu.memref_slice %arg9[%rem3A_28, %dma_wait3A, %dma_wait3A_29] : memref<2x128x128xf32, #tpu.memory_space<vmem>> -> memref<1x128x128xf32, #tpu.memory_space<vmem>>
      %dma_wait3A_31 = tpu.memref_squeeze %dma_wait3A_30 : memref<1x128x128xf32, #tpu.memory_space<vmem>> -> memref<128x128xf32, #tpu.memory_space<vmem>>
      %dma_wait3A_32 = arith.constant 0 : i32
      %dma_wait3A_33 = tpu.memref_slice %arg8[%add3A_27, %dma_wait3A_32] : memref<40x128xi32, #tpu.memory_space<vmem>> -> memref<1x128xi32, #tpu.memory_space<vmem>>
      %dma_wait3A_34 = tpu.memref_squeeze %dma_wait3A_33 : memref<1x128xi32, #tpu.memory_space<vmem>> -> memref<128xi32, #tpu.memory_space<vmem>>
      %dma_wait3A_35 = arith.constant 0 : i32
      %dma_wait3A_36 = arith.constant 0 : i32
      %dma_wait3A_37 = tpu.memref_slice %arg10[%dma_wait3A_35, %dma_wait3A_36] : memref<10240x128xf32, #tpu.memory_space<vmem_shared>> -> memref<10240x128xf32, #tpu.memory_space<vmem_shared>>
      %dma_wait3A_38 = tpu.memref_slice %arg11[%rem3A_28] : memref<2x!tpu.dma_semaphore, #tpu.memory_space<semaphore_mem>> -> memref<1x!tpu.dma_semaphore, #tpu.memory_space<semaphore_mem>>
      %dma_wait3A_39 = tpu.memref_squeeze %dma_wait3A_38 : memref<1x!tpu.dma_semaphore, #tpu.memory_space<semaphore_mem>> -> memref<!tpu.dma_semaphore, #tpu.memory_space<semaphore_mem>>
      tpu.wait_indirect_dma semaphore(%dma_wait3A_39 : memref<!tpu.dma_semaphore, #tpu.memory_space<semaphore_mem>>) src(%dma_wait3A_31 : memref<128x128xf32, #tpu.memory_space<vmem>>) dst(%dma_wait3A_37 : memref<10240x128xf32, #tpu.memory_space<vmem_shared>>)
    }
    %scan3A_9 = arith.constant 2 : i32
    "tpu.region"() ({
      %run_scoped3A = tpu.sem_alloc : memref<!tpu.dma_semaphore, #tpu.memory_space<semaphore_mem>>
      %dma_start3A = arith.constant 40 : i32
      %dma_start3A_22 = arith.constant 0 : i32
      %dma_start3A_23 = tpu.memref_slice %arg3[%arg1, %dma_start3A, %dma_start3A_22] : memref<16x80x128xi32, #tpu.memory_space<hbm>> -> memref<1x40x128xi32, #tpu.memory_space<hbm>>
      %dma_start3A_24 = tpu.memref_squeeze %dma_start3A_23 : memref<1x40x128xi32, #tpu.memory_space<hbm>> -> memref<40x128xi32, #tpu.memory_space<hbm>>
      %dma_start3A_25 = arith.constant 40 : i32
      %dma_start3A_26 = arith.constant 0 : i32
      %dma_start3A_27 = tpu.memref_slice %arg3[%arg1, %dma_start3A_25, %dma_start3A_26] : memref<16x80x128xi32, #tpu.memory_space<hbm>> -> memref<1x40x128xi32, #tpu.memory_space<hbm>>
      %dma_start3A_28 = tpu.memref_squeeze %dma_start3A_27 : memref<1x40x128xi32, #tpu.memory_space<hbm>> -> memref<40x128xi32, #tpu.memory_space<hbm>>
      tpu.enqueue_dma source(%dma_start3A_28 : memref<40x128xi32, #tpu.memory_space<hbm>>) target(%arg7 : memref<40x128xi32, #tpu.memory_space<vmem>>) target_semaphore(%run_scoped3A : memref<!tpu.dma_semaphore, #tpu.memory_space<semaphore_mem>>)
      %dma_wait3A = arith.constant 40 : i32
      %dma_wait3A_29 = arith.constant 0 : i32
      %dma_wait3A_30 = tpu.memref_slice %arg3[%arg1, %dma_wait3A, %dma_wait3A_29] : memref<16x80x128xi32, #tpu.memory_space<hbm>> -> memref<1x40x128xi32, #tpu.memory_space<hbm>>
      %dma_wait3A_31 = tpu.memref_squeeze %dma_wait3A_30 : memref<1x40x128xi32, #tpu.memory_space<hbm>> -> memref<40x128xi32, #tpu.memory_space<hbm>>
      %dma_wait3A_32 = arith.constant 40 : i32
      %dma_wait3A_33 = arith.constant 0 : i32
      %dma_wait3A_34 = tpu.memref_slice %arg3[%arg1, %dma_wait3A_32, %dma_wait3A_33] : memref<16x80x128xi32, #tpu.memory_space<hbm>> -> memref<1x40x128xi32, #tpu.memory_space<hbm>>
      %dma_wait3A_35 = tpu.memref_squeeze %dma_wait3A_34 : memref<1x40x128xi32, #tpu.memory_space<hbm>> -> memref<40x128xi32, #tpu.memory_space<hbm>>
      tpu.wait_dma2 semaphore(%run_scoped3A : memref<!tpu.dma_semaphore, #tpu.memory_space<semaphore_mem>>) src(%dma_wait3A_35 : memref<40x128xi32, #tpu.memory_space<hbm>>) dst(%arg7 : memref<40x128xi32, #tpu.memory_space<vmem>>)
      tpu.yield
    }) : () -> ()
    "tpu.region"() ({
      %run_scoped3A = tpu.sem_alloc : memref<!tpu.dma_semaphore, #tpu.memory_space<semaphore_mem>>
      %dma_start3A = arith.constant 40 : i32
      %dma_start3A_22 = arith.constant 0 : i32
      %dma_start3A_23 = tpu.memref_slice %arg4[%arg1, %dma_start3A, %dma_start3A_22] : memref<16x80x128xi32, #tpu.memory_space<hbm>> -> memref<1x40x128xi32, #tpu.memory_space<hbm>>
      %dma_start3A_24 = tpu.memref_squeeze %dma_start3A_23 : memref<1x40x128xi32, #tpu.memory_space<hbm>> -> memref<40x128xi32, #tpu.memory_space<hbm>>
      %dma_start3A_25 = arith.constant 40 : i32
      %dma_start3A_26 = arith.constant 0 : i32
      %dma_start3A_27 = tpu.memref_slice %arg4[%arg1, %dma_start3A_25, %dma_start3A_26] : memref<16x80x128xi32, #tpu.memory_space<hbm>> -> memref<1x40x128xi32, #tpu.memory_space<hbm>>
      %dma_start3A_28 = tpu.memref_squeeze %dma_start3A_27 : memref<1x40x128xi32, #tpu.memory_space<hbm>> -> memref<40x128xi32, #tpu.memory_space<hbm>>
      tpu.enqueue_dma source(%dma_start3A_28 : memref<40x128xi32, #tpu.memory_space<hbm>>) target(%arg8 : memref<40x128xi32, #tpu.memory_space<vmem>>) target_semaphore(%run_scoped3A : memref<!tpu.dma_semaphore, #tpu.memory_space<semaphore_mem>>)
      %dma_wait3A = arith.constant 40 : i32
      %dma_wait3A_29 = arith.constant 0 : i32
      %dma_wait3A_30 = tpu.memref_slice %arg4[%arg1, %dma_wait3A, %dma_wait3A_29] : memref<16x80x128xi32, #tpu.memory_space<hbm>> -> memref<1x40x128xi32, #tpu.memory_space<hbm>>
      %dma_wait3A_31 = tpu.memref_squeeze %dma_wait3A_30 : memref<1x40x128xi32, #tpu.memory_space<hbm>> -> memref<40x128xi32, #tpu.memory_space<hbm>>
      %dma_wait3A_32 = arith.constant 40 : i32
      %dma_wait3A_33 = arith.constant 0 : i32
      %dma_wait3A_34 = tpu.memref_slice %arg4[%arg1, %dma_wait3A_32, %dma_wait3A_33] : memref<16x80x128xi32, #tpu.memory_space<hbm>> -> memref<1x40x128xi32, #tpu.memory_space<hbm>>
      %dma_wait3A_35 = tpu.memref_squeeze %dma_wait3A_34 : memref<1x40x128xi32, #tpu.memory_space<hbm>> -> memref<40x128xi32, #tpu.memory_space<hbm>>
      tpu.wait_dma2 semaphore(%run_scoped3A : memref<!tpu.dma_semaphore, #tpu.memory_space<semaphore_mem>>) src(%dma_wait3A_35 : memref<40x128xi32, #tpu.memory_space<hbm>>) dst(%arg8 : memref<40x128xi32, #tpu.memory_space<vmem>>)
      tpu.yield
    }) : () -> ()
    %scan3A_10 = arith.constant 0 : i32
    %scan3A_11 = arith.constant 40 : i32
    %scan3A_12 = arith.addi %scan3A_10, %scan3A_11 : i32
    %scan3A_13 = arith.constant 1 : i32
    scf.for %scan3A_22 = %scan3A_10 to %scan3A_12 step %scan3A_13  : i32 {
      %mul3A_23 = arith.constant 1 : i32
      %mul3A_24 = arith.muli %scan3A_22, %mul3A_23 : i32
      %add3A = arith.constant 0 : i32
      %add3A_25 = arith.addi %add3A, %mul3A_24 : i32
      %rem3A = arith.constant 2 : i32
      %rem3A_26 = arith.remsi %add3A_25, %rem3A : i32
      %ge3A = arith.constant 2 : i32
      %ge3A_27 = arith.cmpi sge, %add3A_25, %ge3A : i32
      %convert_element_type3A = arith.extui %ge3A_27 : i1 to i32
      %cond3A = arith.constant 0 : i32
      %cond3A_28 = arith.cmpi ne, %convert_element_type3A, %cond3A : i32
      scf.if %cond3A_28 {
        %sub3A = arith.constant 2 : i32
        %sub3A_42 = arith.subi %add3A_25, %sub3A : i32
        %dma_wait3A = arith.constant 0 : i32
        %dma_wait3A_43 = arith.constant 0 : i32
        %dma_wait3A_44 = tpu.memref_slice %arg9[%rem3A_26, %dma_wait3A, %dma_wait3A_43] : memref<2x128x128xf32, #tpu.memory_space<vmem>> -> memref<1x128x128xf32, #tpu.memory_space<vmem>>
        %dma_wait3A_45 = tpu.memref_squeeze %dma_wait3A_44 : memref<1x128x128xf32, #tpu.memory_space<vmem>> -> memref<128x128xf32, #tpu.memory_space<vmem>>
        %dma_wait3A_46 = arith.constant 0 : i32
        %dma_wait3A_47 = tpu.memref_slice %arg8[%sub3A_42, %dma_wait3A_46] : memref<40x128xi32, #tpu.memory_space<vmem>> -> memref<1x128xi32, #tpu.memory_space<vmem>>
        %dma_wait3A_48 = tpu.memref_squeeze %dma_wait3A_47 : memref<1x128xi32, #tpu.memory_space<vmem>> -> memref<128xi32, #tpu.memory_space<vmem>>
        %dma_wait3A_49 = arith.constant 0 : i32
        %dma_wait3A_50 = arith.constant 0 : i32
        %dma_wait3A_51 = tpu.memref_slice %arg10[%dma_wait3A_49, %dma_wait3A_50] : memref<10240x128xf32, #tpu.memory_space<vmem_shared>> -> memref<10240x128xf32, #tpu.memory_space<vmem_shared>>
        %dma_wait3A_52 = tpu.memref_slice %arg11[%rem3A_26] : memref<2x!tpu.dma_semaphore, #tpu.memory_space<semaphore_mem>> -> memref<1x!tpu.dma_semaphore, #tpu.memory_space<semaphore_mem>>
        %dma_wait3A_53 = tpu.memref_squeeze %dma_wait3A_52 : memref<1x!tpu.dma_semaphore, #tpu.memory_space<semaphore_mem>> -> memref<!tpu.dma_semaphore, #tpu.memory_space<semaphore_mem>>
        tpu.wait_indirect_dma semaphore(%dma_wait3A_53 : memref<!tpu.dma_semaphore, #tpu.memory_space<semaphore_mem>>) src(%dma_wait3A_45 : memref<128x128xf32, #tpu.memory_space<vmem>>) dst(%dma_wait3A_51 : memref<10240x128xf32, #tpu.memory_space<vmem_shared>>)
      } else {
      }
      %add3A_29 = arith.constant 40 : i32
      %add3A_30 = arith.addi %add3A_29, %add3A_25 : i32
      "tpu.region"() ({
        %run_scoped3A = tpu.sem_alloc : memref<!tpu.dma_semaphore, #tpu.memory_space<semaphore_mem>>
        %dma_start3A_42 = arith.constant 0 : i32
        %dma_start3A_43 = arith.constant 0 : i32
        %dma_start3A_44 = tpu.memref_slice %arg9[%rem3A_26, %dma_start3A_42, %dma_start3A_43] : memref<2x128x128xf32, #tpu.memory_space<vmem>> -> memref<1x128x128xf32, #tpu.memory_space<vmem>>
        %dma_start3A_45 = tpu.memref_squeeze %dma_start3A_44 : memref<1x128x128xf32, #tpu.memory_space<vmem>> -> memref<128x128xf32, #tpu.memory_space<vmem>>
        %dma_start3A_46 = arith.constant 0 : i32
        %dma_start3A_47 = tpu.memref_slice %arg7[%add3A_25, %dma_start3A_46] : memref<40x128xi32, #tpu.memory_space<vmem>> -> memref<1x128xi32, #tpu.memory_space<vmem>>
        %dma_start3A_48 = tpu.memref_squeeze %dma_start3A_47 : memref<1x128xi32, #tpu.memory_space<vmem>> -> memref<128xi32, #tpu.memory_space<vmem>>
        %dma_start3A_49 = arith.constant 0 : i32
        %dma_start3A_50 = arith.constant 0 : i32
        %dma_start3A_51 = tpu.memref_slice %arg2[%arg0, %dma_start3A_49, %dma_start3A_50] : memref<2x10240x128xf32, #tpu.memory_space<hbm>> -> memref<1x10240x128xf32, #tpu.memory_space<hbm>>
        %dma_start3A_52 = tpu.memref_squeeze %dma_start3A_51 : memref<1x10240x128xf32, #tpu.memory_space<hbm>> -> memref<10240x128xf32, #tpu.memory_space<hbm>>
        %dma_start3A_53 = arith.constant 0 : i32
        %dma_start3A_54 = arith.constant 0 : i32
        %dma_start3A_55 = tpu.memref_slice %dma_start3A_52[%dma_start3A_53, %dma_start3A_54] : memref<10240x128xf32, #tpu.memory_space<hbm>> -> memref<10240x128xf32, #tpu.memory_space<hbm>>
        tpu.enqueue_indirect_dma source(%dma_start3A_55 : memref<10240x128xf32, #tpu.memory_space<hbm>>) target(%dma_start3A_45 : memref<128x128xf32, #tpu.memory_space<vmem>>) offsets(%dma_start3A_48 : memref<128xi32, #tpu.memory_space<vmem>>) semaphore(%run_scoped3A : memref<!tpu.dma_semaphore, #tpu.memory_space<semaphore_mem>>)
        %dma_wait3A = arith.constant 0 : i32
        %dma_wait3A_56 = arith.constant 0 : i32
        %dma_wait3A_57 = tpu.memref_slice %arg9[%rem3A_26, %dma_wait3A, %dma_wait3A_56] : memref<2x128x128xf32, #tpu.memory_space<vmem>> -> memref<1x128x128xf32, #tpu.memory_space<vmem>>
        %dma_wait3A_58 = tpu.memref_squeeze %dma_wait3A_57 : memref<1x128x128xf32, #tpu.memory_space<vmem>> -> memref<128x128xf32, #tpu.memory_space<vmem>>
        %dma_wait3A_59 = arith.constant 0 : i32
        %dma_wait3A_60 = tpu.memref_slice %arg7[%add3A_25, %dma_wait3A_59] : memref<40x128xi32, #tpu.memory_space<vmem>> -> memref<1x128xi32, #tpu.memory_space<vmem>>
        %dma_wait3A_61 = tpu.memref_squeeze %dma_wait3A_60 : memref<1x128xi32, #tpu.memory_space<vmem>> -> memref<128xi32, #tpu.memory_space<vmem>>
        %dma_wait3A_62 = arith.constant 0 : i32
        %dma_wait3A_63 = arith.constant 0 : i32
        %dma_wait3A_64 = tpu.memref_slice %arg2[%arg0, %dma_wait3A_62, %dma_wait3A_63] : memref<2x10240x128xf32, #tpu.memory_space<hbm>> -> memref<1x10240x128xf32, #tpu.memory_space<hbm>>
        %dma_wait3A_65 = tpu.memref_squeeze %dma_wait3A_64 : memref<1x10240x128xf32, #tpu.memory_space<hbm>> -> memref<10240x128xf32, #tpu.memory_space<hbm>>
        %dma_wait3A_66 = arith.constant 0 : i32
        %dma_wait3A_67 = arith.constant 0 : i32
        %dma_wait3A_68 = tpu.memref_slice %dma_wait3A_65[%dma_wait3A_66, %dma_wait3A_67] : memref<10240x128xf32, #tpu.memory_space<hbm>> -> memref<10240x128xf32, #tpu.memory_space<hbm>>
        tpu.wait_indirect_dma semaphore(%run_scoped3A : memref<!tpu.dma_semaphore, #tpu.memory_space<semaphore_mem>>) src(%dma_wait3A_68 : memref<10240x128xf32, #tpu.memory_space<hbm>>) dst(%dma_wait3A_58 : memref<128x128xf32, #tpu.memory_space<vmem>>)
        tpu.yield
      }) : () -> ()
      %dma_start3A = arith.constant 0 : i32
      %dma_start3A_31 = arith.constant 0 : i32
      %dma_start3A_32 = tpu.memref_slice %arg9[%rem3A_26, %dma_start3A, %dma_start3A_31] : memref<2x128x128xf32, #tpu.memory_space<vmem>> -> memref<1x128x128xf32, #tpu.memory_space<vmem>>
      %dma_start3A_33 = tpu.memref_squeeze %dma_start3A_32 : memref<1x128x128xf32, #tpu.memory_space<vmem>> -> memref<128x128xf32, #tpu.memory_space<vmem>>
      %dma_start3A_34 = arith.constant 0 : i32
      %dma_start3A_35 = tpu.memref_slice %arg8[%add3A_25, %dma_start3A_34] : memref<40x128xi32, #tpu.memory_space<vmem>> -> memref<1x128xi32, #tpu.memory_space<vmem>>
      %dma_start3A_36 = tpu.memref_squeeze %dma_start3A_35 : memref<1x128xi32, #tpu.memory_space<vmem>> -> memref<128xi32, #tpu.memory_space<vmem>>
      %dma_start3A_37 = arith.constant 0 : i32
      %dma_start3A_38 = arith.constant 0 : i32
      %dma_start3A_39 = tpu.memref_slice %arg10[%dma_start3A_37, %dma_start3A_38] : memref<10240x128xf32, #tpu.memory_space<vmem_shared>> -> memref<10240x128xf32, #tpu.memory_space<vmem_shared>>
      %dma_start3A_40 = tpu.memref_slice %arg11[%rem3A_26] : memref<2x!tpu.dma_semaphore, #tpu.memory_space<semaphore_mem>> -> memref<1x!tpu.dma_semaphore, #tpu.memory_space<semaphore_mem>>
      %dma_start3A_41 = tpu.memref_squeeze %dma_start3A_40 : memref<1x!tpu.dma_semaphore, #tpu.memory_space<semaphore_mem>> -> memref<!tpu.dma_semaphore, #tpu.memory_space<semaphore_mem>>
      tpu.enqueue_indirect_dma source(%dma_start3A_33 : memref<128x128xf32, #tpu.memory_space<vmem>>) target(%dma_start3A_39 : memref<10240x128xf32, #tpu.memory_space<vmem_shared>>) offsets(%dma_start3A_36 : memref<128xi32, #tpu.memory_space<vmem>>) semaphore(%dma_start3A_41 : memref<!tpu.dma_semaphore, #tpu.memory_space<semaphore_mem>>) {add = true}
    }
    %scan3A_14 = arith.constant 40 : i32
    %scan3A_15 = arith.constant 0 : i32
    %scan3A_16 = arith.constant 2 : i32
    %scan3A_17 = arith.addi %scan3A_15, %scan3A_16 : i32
    %scan3A_18 = arith.constant 1 : i32
    scf.for %scan3A_22 = %scan3A_15 to %scan3A_17 step %scan3A_18  : i32 {
      %mul3A_23 = arith.constant 1 : i32
      %mul3A_24 = arith.muli %scan3A_22, %mul3A_23 : i32
      %add3A = arith.constant 0 : i32
      %add3A_25 = arith.addi %add3A, %mul3A_24 : i32
      %add3A_26 = arith.constant 38 : i32
      %add3A_27 = arith.addi %add3A_26, %add3A_25 : i32
      %rem3A = arith.constant 2 : i32
      %rem3A_28 = arith.remsi %add3A_27, %rem3A : i32
      %dma_wait3A = arith.constant 0 : i32
      %dma_wait3A_29 = arith.constant 0 : i32
      %dma_wait3A_30 = tpu.memref_slice %arg9[%rem3A_28, %dma_wait3A, %dma_wait3A_29] : memref<2x128x128xf32, #tpu.memory_space<vmem>> -> memref<1x128x128xf32, #tpu.memory_space<vmem>>
      %dma_wait3A_31 = tpu.memref_squeeze %dma_wait3A_30 : memref<1x128x128xf32, #tpu.memory_space<vmem>> -> memref<128x128xf32, #tpu.memory_space<vmem>>
      %dma_wait3A_32 = arith.constant 0 : i32
      %dma_wait3A_33 = tpu.memref_slice %arg8[%add3A_27, %dma_wait3A_32] : memref<40x128xi32, #tpu.memory_space<vmem>> -> memref<1x128xi32, #tpu.memory_space<vmem>>
      %dma_wait3A_34 = tpu.memref_squeeze %dma_wait3A_33 : memref<1x128xi32, #tpu.memory_space<vmem>> -> memref<128xi32, #tpu.memory_space<vmem>>
      %dma_wait3A_35 = arith.constant 0 : i32
      %dma_wait3A_36 = arith.constant 0 : i32
      %dma_wait3A_37 = tpu.memref_slice %arg10[%dma_wait3A_35, %dma_wait3A_36] : memref<10240x128xf32, #tpu.memory_space<vmem_shared>> -> memref<10240x128xf32, #tpu.memory_space<vmem_shared>>
      %dma_wait3A_38 = tpu.memref_slice %arg11[%rem3A_28] : memref<2x!tpu.dma_semaphore, #tpu.memory_space<semaphore_mem>> -> memref<1x!tpu.dma_semaphore, #tpu.memory_space<semaphore_mem>>
      %dma_wait3A_39 = tpu.memref_squeeze %dma_wait3A_38 : memref<1x!tpu.dma_semaphore, #tpu.memory_space<semaphore_mem>> -> memref<!tpu.dma_semaphore, #tpu.memory_space<semaphore_mem>>
      tpu.wait_indirect_dma semaphore(%dma_wait3A_39 : memref<!tpu.dma_semaphore, #tpu.memory_space<semaphore_mem>>) src(%dma_wait3A_31 : memref<128x128xf32, #tpu.memory_space<vmem>>) dst(%dma_wait3A_37 : memref<10240x128xf32, #tpu.memory_space<vmem_shared>>)
    }
    %scan3A_19 = arith.constant 2 : i32
    %barrier3A_20 = arith.constant 0 : index
    tpu.barrier barrier_id(%barrier3A_20)
    "tpu.region"() ({
      %run_scoped3A = tpu.sem_alloc : memref<!tpu.dma_semaphore, #tpu.memory_space<semaphore_mem>>
      %dma_start3A = arith.constant 0 : i32
      %dma_start3A_22 = arith.constant 0 : i32
      %dma_start3A_23 = tpu.memref_slice %arg6[%arg0, %dma_start3A, %dma_start3A_22] : memref<2x10240x128xf32, #tpu.memory_space<hbm>> -> memref<1x10240x128xf32, #tpu.memory_space<hbm>>
      %dma_start3A_24 = tpu.memref_squeeze %dma_start3A_23 : memref<1x10240x128xf32, #tpu.memory_space<hbm>> -> memref<10240x128xf32, #tpu.memory_space<hbm>>
      %dma_start3A_25 = arith.constant 0 : i32
      %dma_start3A_26 = tpu.memref_slice %dma_start3A_24[%mul3A_0, %dma_start3A_25] : memref<10240x128xf32, #tpu.memory_space<hbm>> -> memref<640x128xf32, #tpu.memory_space<hbm>>
      %dma_start3A_27 = arith.constant 0 : i32
      %dma_start3A_28 = tpu.memref_slice %arg10[%mul3A_0, %dma_start3A_27] : memref<10240x128xf32, #tpu.memory_space<vmem_shared>> -> memref<640x128xf32, #tpu.memory_space<vmem_shared>>
      tpu.enqueue_dma source(%dma_start3A_28 : memref<640x128xf32, #tpu.memory_space<vmem_shared>>) target(%dma_start3A_26 : memref<640x128xf32, #tpu.memory_space<hbm>>) target_semaphore(%run_scoped3A : memref<!tpu.dma_semaphore, #tpu.memory_space<semaphore_mem>>)
      %dma_wait3A = arith.constant 0 : i32
      %dma_wait3A_29 = arith.constant 0 : i32
      %dma_wait3A_30 = tpu.memref_slice %arg6[%arg0, %dma_wait3A, %dma_wait3A_29] : memref<2x10240x128xf32, #tpu.memory_space<hbm>> -> memref<1x10240x128xf32, #tpu.memory_space<hbm>>
      %dma_wait3A_31 = tpu.memref_squeeze %dma_wait3A_30 : memref<1x10240x128xf32, #tpu.memory_space<hbm>> -> memref<10240x128xf32, #tpu.memory_space<hbm>>
      %dma_wait3A_32 = arith.constant 0 : i32
      %dma_wait3A_33 = tpu.memref_slice %dma_wait3A_31[%mul3A_0, %dma_wait3A_32] : memref<10240x128xf32, #tpu.memory_space<hbm>> -> memref<640x128xf32, #tpu.memory_space<hbm>>
      %dma_wait3A_34 = arith.constant 0 : i32
      %dma_wait3A_35 = tpu.memref_slice %arg10[%mul3A_0, %dma_wait3A_34] : memref<10240x128xf32, #tpu.memory_space<vmem_shared>> -> memref<640x128xf32, #tpu.memory_space<vmem_shared>>
      tpu.wait_dma2 semaphore(%run_scoped3A : memref<!tpu.dma_semaphore, #tpu.memory_space<semaphore_mem>>) src(%dma_wait3A_35 : memref<640x128xf32, #tpu.memory_space<vmem_shared>>) dst(%dma_wait3A_33 : memref<640x128xf32, #tpu.memory_space<hbm>>)
      tpu.yield
    }) : () -> ()
    %barrier3A_21 = arith.constant 0 : index
    tpu.barrier barrier_id(%barrier3A_21)
    return
  }
}

#map = affine_map<(d0, d1) -> (0, 0, 0)>
#map1 = affine_map<(d0, d1) -> (0, 0)>
module attributes {stable_mosaic.version = 14 : i64} {
  func.func @k(%arg0: i32, %arg1: i32, %arg2: memref<4x10240x128xf32, #tpu.memory_space<hbm>>, %arg3: memref<16x80x128xi32, #tpu.memory_space<hbm>>, %arg4: memref<16x80x128xi32, #tpu.memory_space<hbm>>, %arg5: memref<10240x128xf32, #tpu.memory_space<hbm>>, %arg6: memref<4x10240x128xf32, #tpu.memory_space<hbm>>, %arg7: memref<40x128xi32, #tpu.memory_space<vmem>>, %arg8: memref<40x128xi32, #tpu.memory_space<vmem>>, %arg9: memref<2x128x128xf32, #tpu.memory_space<vmem>>, %arg10: memref<10240x128xf32, #tpu.memory_space<vmem_shared>>, %arg11: memref<2x!tpu.dma_semaphore, #tpu.memory_space<semaphore_mem>>) attributes {dimension_semantics = [#tpu.dimension_semantics<core_parallel>, #tpu.dimension_semantics<subcore_parallel>], iteration_bounds = array<i64: 2, 16>, scalar_prefetch = 0 : i64, scratch_operands = 5 : i64, tpu.core_type = #tpu.core_type<sc_vector_subcore>, window_params = [{transform_indices = #map}, {transform_indices = #map}, {transform_indices = #map}, {transform_indices = #map1}, {transform_indices = #map}]} {
    %scan3A = arith.constant 0 : i32
    %scan3A_0 = arith.constant 2 : i32
    %scan3A_1 = arith.addi %scan3A, %scan3A_0 : i32
    %scan3A_2 = arith.constant 1 : i32
    scf.for %scan3A_4 = %scan3A to %scan3A_1 step %scan3A_2  : i32 {
      %mul3A = arith.constant 1 : i32
      %mul3A_5 = arith.muli %scan3A_4, %mul3A : i32
      %add3A = arith.constant 0 : i32
      %add3A_6 = arith.addi %add3A, %mul3A_5 : i32
      %mul3A_7 = arith.constant 2 : i32
      %mul3A_8 = arith.muli %arg0, %mul3A_7 : i32
      %add3A_9 = arith.addi %mul3A_8, %add3A_6 : i32
      %mul3A_10 = arith.constant 640 : i32
      %mul3A_11 = arith.muli %arg1, %mul3A_10 : i32
      "tpu.region"() ({
        %run_scoped3A = tpu.sem_alloc : memref<!tpu.dma_semaphore, #tpu.memory_space<semaphore_mem>>
        %dma_start3A = arith.constant 0 : i32
        %dma_start3A_34 = tpu.memref_slice %arg10[%mul3A_11, %dma_start3A] : memref<10240x128xf32, #tpu.memory_space<vmem_shared>> -> memref<640x128xf32, #tpu.memory_space<vmem_shared>>
        %dma_start3A_35 = arith.constant 0 : i32
        %dma_start3A_36 = tpu.memref_slice %arg5[%mul3A_11, %dma_start3A_35] : memref<10240x128xf32, #tpu.memory_space<hbm>> -> memref<640x128xf32, #tpu.memory_space<hbm>>
        tpu.enqueue_dma source(%dma_start3A_36 : memref<640x128xf32, #tpu.memory_space<hbm>>) target(%dma_start3A_34 : memref<640x128xf32, #tpu.memory_space<vmem_shared>>) target_semaphore(%run_scoped3A : memref<!tpu.dma_semaphore, #tpu.memory_space<semaphore_mem>>)
        %dma_wait3A = arith.constant 0 : i32
        %dma_wait3A_37 = tpu.memref_slice %arg10[%mul3A_11, %dma_wait3A] : memref<10240x128xf32, #tpu.memory_space<vmem_shared>> -> memref<640x128xf32, #tpu.memory_space<vmem_shared>>
        %dma_wait3A_38 = arith.constant 0 : i32
        %dma_wait3A_39 = tpu.memref_slice %arg5[%mul3A_11, %dma_wait3A_38] : memref<10240x128xf32, #tpu.memory_space<hbm>> -> memref<640x128xf32, #tpu.memory_space<hbm>>
        tpu.wait_dma2 semaphore(%run_scoped3A : memref<!tpu.dma_semaphore, #tpu.memory_space<semaphore_mem>>) src(%dma_wait3A_39 : memref<640x128xf32, #tpu.memory_space<hbm>>) dst(%dma_wait3A_37 : memref<640x128xf32, #tpu.memory_space<vmem_shared>>)
        tpu.yield
      }) : () -> ()
      %barrier3A = arith.constant 0 : index
      tpu.barrier barrier_id(%barrier3A)
      "tpu.region"() ({
        %run_scoped3A = tpu.sem_alloc : memref<!tpu.dma_semaphore, #tpu.memory_space<semaphore_mem>>
        %dma_start3A = arith.constant 0 : i32
        %dma_start3A_34 = arith.constant 0 : i32
        %dma_start3A_35 = tpu.memref_slice %arg3[%arg1, %dma_start3A, %dma_start3A_34] : memref<16x80x128xi32, #tpu.memory_space<hbm>> -> memref<1x40x128xi32, #tpu.memory_space<hbm>>
        %dma_start3A_36 = tpu.memref_squeeze %dma_start3A_35 : memref<1x40x128xi32, #tpu.memory_space<hbm>> -> memref<40x128xi32, #tpu.memory_space<hbm>>
        %dma_start3A_37 = arith.constant 0 : i32
        %dma_start3A_38 = arith.constant 0 : i32
        %dma_start3A_39 = tpu.memref_slice %arg3[%arg1, %dma_start3A_37, %dma_start3A_38] : memref<16x80x128xi32, #tpu.memory_space<hbm>> -> memref<1x40x128xi32, #tpu.memory_space<hbm>>
        %dma_start3A_40 = tpu.memref_squeeze %dma_start3A_39 : memref<1x40x128xi32, #tpu.memory_space<hbm>> -> memref<40x128xi32, #tpu.memory_space<hbm>>
        tpu.enqueue_dma source(%dma_start3A_40 : memref<40x128xi32, #tpu.memory_space<hbm>>) target(%arg7 : memref<40x128xi32, #tpu.memory_space<vmem>>) target_semaphore(%run_scoped3A : memref<!tpu.dma_semaphore, #tpu.memory_space<semaphore_mem>>)
        %dma_wait3A = arith.constant 0 : i32
        %dma_wait3A_41 = arith.constant 0 : i32
        %dma_wait3A_42 = tpu.memref_slice %arg3[%arg1, %dma_wait3A, %dma_wait3A_41] : memref<16x80x128xi32, #tpu.memory_space<hbm>> -> memref<1x40x128xi32, #tpu.memory_space<hbm>>
        %dma_wait3A_43 = tpu.memref_squeeze %dma_wait3A_42 : memref<1x40x128xi32, #tpu.memory_space<hbm>> -> memref<40x128xi32, #tpu.memory_space<hbm>>
        %dma_wait3A_44 = arith.constant 0 : i32
        %dma_wait3A_45 = arith.constant 0 : i32
        %dma_wait3A_46 = tpu.memref_slice %arg3[%arg1, %dma_wait3A_44, %dma_wait3A_45] : memref<16x80x128xi32, #tpu.memory_space<hbm>> -> memref<1x40x128xi32, #tpu.memory_space<hbm>>
        %dma_wait3A_47 = tpu.memref_squeeze %dma_wait3A_46 : memref<1x40x128xi32, #tpu.memory_space<hbm>> -> memref<40x128xi32, #tpu.memory_space<hbm>>
        tpu.wait_dma2 semaphore(%run_scoped3A : memref<!tpu.dma_semaphore, #tpu.memory_space<semaphore_mem>>) src(%dma_wait3A_47 : memref<40x128xi32, #tpu.memory_space<hbm>>) dst(%arg7 : memref<40x128xi32, #tpu.memory_space<vmem>>)
        tpu.yield
      }) : () -> ()
      "tpu.region"() ({
        %run_scoped3A = tpu.sem_alloc : memref<!tpu.dma_semaphore, #tpu.memory_space<semaphore_mem>>
        %dma_start3A = arith.constant 0 : i32
        %dma_start3A_34 = arith.constant 0 : i32
        %dma_start3A_35 = tpu.memref_slice %arg4[%arg1, %dma_start3A, %dma_start3A_34] : memref<16x80x128xi32, #tpu.memory_space<hbm>> -> memref<1x40x128xi32, #tpu.memory_space<hbm>>
        %dma_start3A_36 = tpu.memref_squeeze %dma_start3A_35 : memref<1x40x128xi32, #tpu.memory_space<hbm>> -> memref<40x128xi32, #tpu.memory_space<hbm>>
        %dma_start3A_37 = arith.constant 0 : i32
        %dma_start3A_38 = arith.constant 0 : i32
        %dma_start3A_39 = tpu.memref_slice %arg4[%arg1, %dma_start3A_37, %dma_start3A_38] : memref<16x80x128xi32, #tpu.memory_space<hbm>> -> memref<1x40x128xi32, #tpu.memory_space<hbm>>
        %dma_start3A_40 = tpu.memref_squeeze %dma_start3A_39 : memref<1x40x128xi32, #tpu.memory_space<hbm>> -> memref<40x128xi32, #tpu.memory_space<hbm>>
        tpu.enqueue_dma source(%dma_start3A_40 : memref<40x128xi32, #tpu.memory_space<hbm>>) target(%arg8 : memref<40x128xi32, #tpu.memory_space<vmem>>) target_semaphore(%run_scoped3A : memref<!tpu.dma_semaphore, #tpu.memory_space<semaphore_mem>>)
        %dma_wait3A = arith.constant 0 : i32
        %dma_wait3A_41 = arith.constant 0 : i32
        %dma_wait3A_42 = tpu.memref_slice %arg4[%arg1, %dma_wait3A, %dma_wait3A_41] : memref<16x80x128xi32, #tpu.memory_space<hbm>> -> memref<1x40x128xi32, #tpu.memory_space<hbm>>
        %dma_wait3A_43 = tpu.memref_squeeze %dma_wait3A_42 : memref<1x40x128xi32, #tpu.memory_space<hbm>> -> memref<40x128xi32, #tpu.memory_space<hbm>>
        %dma_wait3A_44 = arith.constant 0 : i32
        %dma_wait3A_45 = arith.constant 0 : i32
        %dma_wait3A_46 = tpu.memref_slice %arg4[%arg1, %dma_wait3A_44, %dma_wait3A_45] : memref<16x80x128xi32, #tpu.memory_space<hbm>> -> memref<1x40x128xi32, #tpu.memory_space<hbm>>
        %dma_wait3A_47 = tpu.memref_squeeze %dma_wait3A_46 : memref<1x40x128xi32, #tpu.memory_space<hbm>> -> memref<40x128xi32, #tpu.memory_space<hbm>>
        tpu.wait_dma2 semaphore(%run_scoped3A : memref<!tpu.dma_semaphore, #tpu.memory_space<semaphore_mem>>) src(%dma_wait3A_47 : memref<40x128xi32, #tpu.memory_space<hbm>>) dst(%arg8 : memref<40x128xi32, #tpu.memory_space<vmem>>)
        tpu.yield
      }) : () -> ()
      %scan3A_12 = arith.constant 0 : i32
      %scan3A_13 = arith.constant 40 : i32
      %scan3A_14 = arith.addi %scan3A_12, %scan3A_13 : i32
      %scan3A_15 = arith.constant 1 : i32
      scf.for %scan3A_34 = %scan3A_12 to %scan3A_14 step %scan3A_15  : i32 {
        %mul3A_35 = arith.constant 1 : i32
        %mul3A_36 = arith.muli %scan3A_34, %mul3A_35 : i32
        %add3A_37 = arith.constant 0 : i32
        %add3A_38 = arith.addi %add3A_37, %mul3A_36 : i32
        %rem3A = arith.constant 2 : i32
        %rem3A_39 = arith.remsi %add3A_38, %rem3A : i32
        %ge3A = arith.constant 2 : i32
        %ge3A_40 = arith.cmpi sge, %add3A_38, %ge3A : i32
        %convert_element_type3A = arith.extui %ge3A_40 : i1 to i32
        %cond3A = arith.constant 0 : i32
        %cond3A_41 = arith.cmpi ne, %convert_element_type3A, %cond3A : i32
        scf.if %cond3A_41 {
          %sub3A = arith.constant 2 : i32
          %sub3A_55 = arith.subi %add3A_38, %sub3A : i32
          %dma_wait3A = arith.constant 0 : i32
          %dma_wait3A_56 = arith.constant 0 : i32
          %dma_wait3A_57 = tpu.memref_slice %arg9[%rem3A_39, %dma_wait3A, %dma_wait3A_56] : memref<2x128x128xf32, #tpu.memory_space<vmem>> -> memref<1x128x128xf32, #tpu.memory_space<vmem>>
          %dma_wait3A_58 = tpu.memref_squeeze %dma_wait3A_57 : memref<1x128x128xf32, #tpu.memory_space<vmem>> -> memref<128x128xf32, #tpu.memory_space<vmem>>
          %dma_wait3A_59 = arith.constant 0 : i32
          %dma_wait3A_60 = tpu.memref_slice %arg8[%sub3A_55, %dma_wait3A_59] : memref<40x128xi32, #tpu.memory_space<vmem>> -> memref<1x128xi32, #tpu.memory_space<vmem>>
          %dma_wait3A_61 = tpu.memref_squeeze %dma_wait3A_60 : memref<1x128xi32, #tpu.memory_space<vmem>> -> memref<128xi32, #tpu.memory_space<vmem>>
          %dma_wait3A_62 = arith.constant 0 : i32
          %dma_wait3A_63 = arith.constant 0 : i32
          %dma_wait3A_64 = tpu.memref_slice %arg10[%dma_wait3A_62, %dma_wait3A_63] : memref<10240x128xf32, #tpu.memory_space<vmem_shared>> -> memref<10240x128xf32, #tpu.memory_space<vmem_shared>>
          %dma_wait3A_65 = tpu.memref_slice %arg11[%rem3A_39] : memref<2x!tpu.dma_semaphore, #tpu.memory_space<semaphore_mem>> -> memref<1x!tpu.dma_semaphore, #tpu.memory_space<semaphore_mem>>
          %dma_wait3A_66 = tpu.memref_squeeze %dma_wait3A_65 : memref<1x!tpu.dma_semaphore, #tpu.memory_space<semaphore_mem>> -> memref<!tpu.dma_semaphore, #tpu.memory_space<semaphore_mem>>
          tpu.wait_indirect_dma semaphore(%dma_wait3A_66 : memref<!tpu.dma_semaphore, #tpu.memory_space<semaphore_mem>>) src(%dma_wait3A_58 : memref<128x128xf32, #tpu.memory_space<vmem>>) dst(%dma_wait3A_64 : memref<10240x128xf32, #tpu.memory_space<vmem_shared>>)
        } else {
        }
        %add3A_42 = arith.constant 0 : i32
        %add3A_43 = arith.addi %add3A_42, %add3A_38 : i32
        "tpu.region"() ({
          %run_scoped3A = tpu.sem_alloc : memref<!tpu.dma_semaphore, #tpu.memory_space<semaphore_mem>>
          %dma_start3A_55 = arith.constant 0 : i32
          %dma_start3A_56 = arith.constant 0 : i32
          %dma_start3A_57 = tpu.memref_slice %arg9[%rem3A_39, %dma_start3A_55, %dma_start3A_56] : memref<2x128x128xf32, #tpu.memory_space<vmem>> -> memref<1x128x128xf32, #tpu.memory_space<vmem>>
          %dma_start3A_58 = tpu.memref_squeeze %dma_start3A_57 : memref<1x128x128xf32, #tpu.memory_space<vmem>> -> memref<128x128xf32, #tpu.memory_space<vmem>>
          %dma_start3A_59 = arith.constant 0 : i32
          %dma_start3A_60 = tpu.memref_slice %arg7[%add3A_38, %dma_start3A_59] : memref<40x128xi32, #tpu.memory_space<vmem>> -> memref<1x128xi32, #tpu.memory_space<vmem>>
          %dma_start3A_61 = tpu.memref_squeeze %dma_start3A_60 : memref<1x128xi32, #tpu.memory_space<vmem>> -> memref<128xi32, #tpu.memory_space<vmem>>
          %dma_start3A_62 = arith.constant 0 : i32
          %dma_start3A_63 = arith.constant 0 : i32
          %dma_start3A_64 = tpu.memref_slice %arg2[%add3A_9, %dma_start3A_62, %dma_start3A_63] : memref<4x10240x128xf32, #tpu.memory_space<hbm>> -> memref<1x10240x128xf32, #tpu.memory_space<hbm>>
          %dma_start3A_65 = tpu.memref_squeeze %dma_start3A_64 : memref<1x10240x128xf32, #tpu.memory_space<hbm>> -> memref<10240x128xf32, #tpu.memory_space<hbm>>
          %dma_start3A_66 = arith.constant 0 : i32
          %dma_start3A_67 = arith.constant 0 : i32
          %dma_start3A_68 = tpu.memref_slice %dma_start3A_65[%dma_start3A_66, %dma_start3A_67] : memref<10240x128xf32, #tpu.memory_space<hbm>> -> memref<10240x128xf32, #tpu.memory_space<hbm>>
          tpu.enqueue_indirect_dma source(%dma_start3A_68 : memref<10240x128xf32, #tpu.memory_space<hbm>>) target(%dma_start3A_58 : memref<128x128xf32, #tpu.memory_space<vmem>>) offsets(%dma_start3A_61 : memref<128xi32, #tpu.memory_space<vmem>>) semaphore(%run_scoped3A : memref<!tpu.dma_semaphore, #tpu.memory_space<semaphore_mem>>)
          %dma_wait3A = arith.constant 0 : i32
          %dma_wait3A_69 = arith.constant 0 : i32
          %dma_wait3A_70 = tpu.memref_slice %arg9[%rem3A_39, %dma_wait3A, %dma_wait3A_69] : memref<2x128x128xf32, #tpu.memory_space<vmem>> -> memref<1x128x128xf32, #tpu.memory_space<vmem>>
          %dma_wait3A_71 = tpu.memref_squeeze %dma_wait3A_70 : memref<1x128x128xf32, #tpu.memory_space<vmem>> -> memref<128x128xf32, #tpu.memory_space<vmem>>
          %dma_wait3A_72 = arith.constant 0 : i32
          %dma_wait3A_73 = tpu.memref_slice %arg7[%add3A_38, %dma_wait3A_72] : memref<40x128xi32, #tpu.memory_space<vmem>> -> memref<1x128xi32, #tpu.memory_space<vmem>>
          %dma_wait3A_74 = tpu.memref_squeeze %dma_wait3A_73 : memref<1x128xi32, #tpu.memory_space<vmem>> -> memref<128xi32, #tpu.memory_space<vmem>>
          %dma_wait3A_75 = arith.constant 0 : i32
          %dma_wait3A_76 = arith.constant 0 : i32
          %dma_wait3A_77 = tpu.memref_slice %arg2[%add3A_9, %dma_wait3A_75, %dma_wait3A_76] : memref<4x10240x128xf32, #tpu.memory_space<hbm>> -> memref<1x10240x128xf32, #tpu.memory_space<hbm>>
          %dma_wait3A_78 = tpu.memref_squeeze %dma_wait3A_77 : memref<1x10240x128xf32, #tpu.memory_space<hbm>> -> memref<10240x128xf32, #tpu.memory_space<hbm>>
          %dma_wait3A_79 = arith.constant 0 : i32
          %dma_wait3A_80 = arith.constant 0 : i32
          %dma_wait3A_81 = tpu.memref_slice %dma_wait3A_78[%dma_wait3A_79, %dma_wait3A_80] : memref<10240x128xf32, #tpu.memory_space<hbm>> -> memref<10240x128xf32, #tpu.memory_space<hbm>>
          tpu.wait_indirect_dma semaphore(%run_scoped3A : memref<!tpu.dma_semaphore, #tpu.memory_space<semaphore_mem>>) src(%dma_wait3A_81 : memref<10240x128xf32, #tpu.memory_space<hbm>>) dst(%dma_wait3A_71 : memref<128x128xf32, #tpu.memory_space<vmem>>)
          tpu.yield
        }) : () -> ()
        %dma_start3A = arith.constant 0 : i32
        %dma_start3A_44 = arith.constant 0 : i32
        %dma_start3A_45 = tpu.memref_slice %arg9[%rem3A_39, %dma_start3A, %dma_start3A_44] : memref<2x128x128xf32, #tpu.memory_space<vmem>> -> memref<1x128x128xf32, #tpu.memory_space<vmem>>
        %dma_start3A_46 = tpu.memref_squeeze %dma_start3A_45 : memref<1x128x128xf32, #tpu.memory_space<vmem>> -> memref<128x128xf32, #tpu.memory_space<vmem>>
        %dma_start3A_47 = arith.constant 0 : i32
        %dma_start3A_48 = tpu.memref_slice %arg8[%add3A_38, %dma_start3A_47] : memref<40x128xi32, #tpu.memory_space<vmem>> -> memref<1x128xi32, #tpu.memory_space<vmem>>
        %dma_start3A_49 = tpu.memref_squeeze %dma_start3A_48 : memref<1x128xi32, #tpu.memory_space<vmem>> -> memref<128xi32, #tpu.memory_space<vmem>>
        %dma_start3A_50 = arith.constant 0 : i32
        %dma_start3A_51 = arith.constant 0 : i32
        %dma_start3A_52 = tpu.memref_slice %arg10[%dma_start3A_50, %dma_start3A_51] : memref<10240x128xf32, #tpu.memory_space<vmem_shared>> -> memref<10240x128xf32, #tpu.memory_space<vmem_shared>>
        %dma_start3A_53 = tpu.memref_slice %arg11[%rem3A_39] : memref<2x!tpu.dma_semaphore, #tpu.memory_space<semaphore_mem>> -> memref<1x!tpu.dma_semaphore, #tpu.memory_space<semaphore_mem>>
        %dma_start3A_54 = tpu.memref_squeeze %dma_start3A_53 : memref<1x!tpu.dma_semaphore, #tpu.memory_space<semaphore_mem>> -> memref<!tpu.dma_semaphore, #tpu.memory_space<semaphore_mem>>
        tpu.enqueue_indirect_dma source(%dma_start3A_46 : memref<128x128xf32, #tpu.memory_space<vmem>>) target(%dma_start3A_52 : memref<10240x128xf32, #tpu.memory_space<vmem_shared>>) offsets(%dma_start3A_49 : memref<128xi32, #tpu.memory_space<vmem>>) semaphore(%dma_start3A_54 : memref<!tpu.dma_semaphore, #tpu.memory_space<semaphore_mem>>) {add = true}
      }
      %scan3A_16 = arith.constant 40 : i32
      %scan3A_17 = arith.constant 0 : i32
      %scan3A_18 = arith.constant 2 : i32
      %scan3A_19 = arith.addi %scan3A_17, %scan3A_18 : i32
      %scan3A_20 = arith.constant 1 : i32
      scf.for %scan3A_34 = %scan3A_17 to %scan3A_19 step %scan3A_20  : i32 {
        %mul3A_35 = arith.constant 1 : i32
        %mul3A_36 = arith.muli %scan3A_34, %mul3A_35 : i32
        %add3A_37 = arith.constant 0 : i32
        %add3A_38 = arith.addi %add3A_37, %mul3A_36 : i32
        %add3A_39 = arith.constant 38 : i32
        %add3A_40 = arith.addi %add3A_39, %add3A_38 : i32
        %rem3A = arith.constant 2 : i32
        %rem3A_41 = arith.remsi %add3A_40, %rem3A : i32
        %dma_wait3A = arith.constant 0 : i32
        %dma_wait3A_42 = arith.constant 0 : i32
        %dma_wait3A_43 = tpu.memref_slice %arg9[%rem3A_41, %dma_wait3A, %dma_wait3A_42] : memref<2x128x128xf32, #tpu.memory_space<vmem>> -> memref<1x128x128xf32, #tpu.memory_space<vmem>>
        %dma_wait3A_44 = tpu.memref_squeeze %dma_wait3A_43 : memref<1x128x128xf32, #tpu.memory_space<vmem>> -> memref<128x128xf32, #tpu.memory_space<vmem>>
        %dma_wait3A_45 = arith.constant 0 : i32
        %dma_wait3A_46 = tpu.memref_slice %arg8[%add3A_40, %dma_wait3A_45] : memref<40x128xi32, #tpu.memory_space<vmem>> -> memref<1x128xi32, #tpu.memory_space<vmem>>
        %dma_wait3A_47 = tpu.memref_squeeze %dma_wait3A_46 : memref<1x128xi32, #tpu.memory_space<vmem>> -> memref<128xi32, #tpu.memory_space<vmem>>
        %dma_wait3A_48 = arith.constant 0 : i32
        %dma_wait3A_49 = arith.constant 0 : i32
        %dma_wait3A_50 = tpu.memref_slice %arg10[%dma_wait3A_48, %dma_wait3A_49] : memref<10240x128xf32, #tpu.memory_space<vmem_shared>> -> memref<10240x128xf32, #tpu.memory_space<vmem_shared>>
        %dma_wait3A_51 = tpu.memref_slice %arg11[%rem3A_41] : memref<2x!tpu.dma_semaphore, #tpu.memory_space<semaphore_mem>> -> memref<1x!tpu.dma_semaphore, #tpu.memory_space<semaphore_mem>>
        %dma_wait3A_52 = tpu.memref_squeeze %dma_wait3A_51 : memref<1x!tpu.dma_semaphore, #tpu.memory_space<semaphore_mem>> -> memref<!tpu.dma_semaphore, #tpu.memory_space<semaphore_mem>>
        tpu.wait_indirect_dma semaphore(%dma_wait3A_52 : memref<!tpu.dma_semaphore, #tpu.memory_space<semaphore_mem>>) src(%dma_wait3A_44 : memref<128x128xf32, #tpu.memory_space<vmem>>) dst(%dma_wait3A_50 : memref<10240x128xf32, #tpu.memory_space<vmem_shared>>)
      }
      %scan3A_21 = arith.constant 2 : i32
      "tpu.region"() ({
        %run_scoped3A = tpu.sem_alloc : memref<!tpu.dma_semaphore, #tpu.memory_space<semaphore_mem>>
        %dma_start3A = arith.constant 40 : i32
        %dma_start3A_34 = arith.constant 0 : i32
        %dma_start3A_35 = tpu.memref_slice %arg3[%arg1, %dma_start3A, %dma_start3A_34] : memref<16x80x128xi32, #tpu.memory_space<hbm>> -> memref<1x40x128xi32, #tpu.memory_space<hbm>>
        %dma_start3A_36 = tpu.memref_squeeze %dma_start3A_35 : memref<1x40x128xi32, #tpu.memory_space<hbm>> -> memref<40x128xi32, #tpu.memory_space<hbm>>
        %dma_start3A_37 = arith.constant 40 : i32
        %dma_start3A_38 = arith.constant 0 : i32
        %dma_start3A_39 = tpu.memref_slice %arg3[%arg1, %dma_start3A_37, %dma_start3A_38] : memref<16x80x128xi32, #tpu.memory_space<hbm>> -> memref<1x40x128xi32, #tpu.memory_space<hbm>>
        %dma_start3A_40 = tpu.memref_squeeze %dma_start3A_39 : memref<1x40x128xi32, #tpu.memory_space<hbm>> -> memref<40x128xi32, #tpu.memory_space<hbm>>
        tpu.enqueue_dma source(%dma_start3A_40 : memref<40x128xi32, #tpu.memory_space<hbm>>) target(%arg7 : memref<40x128xi32, #tpu.memory_space<vmem>>) target_semaphore(%run_scoped3A : memref<!tpu.dma_semaphore, #tpu.memory_space<semaphore_mem>>)
        %dma_wait3A = arith.constant 40 : i32
        %dma_wait3A_41 = arith.constant 0 : i32
        %dma_wait3A_42 = tpu.memref_slice %arg3[%arg1, %dma_wait3A, %dma_wait3A_41] : memref<16x80x128xi32, #tpu.memory_space<hbm>> -> memref<1x40x128xi32, #tpu.memory_space<hbm>>
        %dma_wait3A_43 = tpu.memref_squeeze %dma_wait3A_42 : memref<1x40x128xi32, #tpu.memory_space<hbm>> -> memref<40x128xi32, #tpu.memory_space<hbm>>
        %dma_wait3A_44 = arith.constant 40 : i32
        %dma_wait3A_45 = arith.constant 0 : i32
        %dma_wait3A_46 = tpu.memref_slice %arg3[%arg1, %dma_wait3A_44, %dma_wait3A_45] : memref<16x80x128xi32, #tpu.memory_space<hbm>> -> memref<1x40x128xi32, #tpu.memory_space<hbm>>
        %dma_wait3A_47 = tpu.memref_squeeze %dma_wait3A_46 : memref<1x40x128xi32, #tpu.memory_space<hbm>> -> memref<40x128xi32, #tpu.memory_space<hbm>>
        tpu.wait_dma2 semaphore(%run_scoped3A : memref<!tpu.dma_semaphore, #tpu.memory_space<semaphore_mem>>) src(%dma_wait3A_47 : memref<40x128xi32, #tpu.memory_space<hbm>>) dst(%arg7 : memref<40x128xi32, #tpu.memory_space<vmem>>)
        tpu.yield
      }) : () -> ()
      "tpu.region"() ({
        %run_scoped3A = tpu.sem_alloc : memref<!tpu.dma_semaphore, #tpu.memory_space<semaphore_mem>>
        %dma_start3A = arith.constant 40 : i32
        %dma_start3A_34 = arith.constant 0 : i32
        %dma_start3A_35 = tpu.memref_slice %arg4[%arg1, %dma_start3A, %dma_start3A_34] : memref<16x80x128xi32, #tpu.memory_space<hbm>> -> memref<1x40x128xi32, #tpu.memory_space<hbm>>
        %dma_start3A_36 = tpu.memref_squeeze %dma_start3A_35 : memref<1x40x128xi32, #tpu.memory_space<hbm>> -> memref<40x128xi32, #tpu.memory_space<hbm>>
        %dma_start3A_37 = arith.constant 40 : i32
        %dma_start3A_38 = arith.constant 0 : i32
        %dma_start3A_39 = tpu.memref_slice %arg4[%arg1, %dma_start3A_37, %dma_start3A_38] : memref<16x80x128xi32, #tpu.memory_space<hbm>> -> memref<1x40x128xi32, #tpu.memory_space<hbm>>
        %dma_start3A_40 = tpu.memref_squeeze %dma_start3A_39 : memref<1x40x128xi32, #tpu.memory_space<hbm>> -> memref<40x128xi32, #tpu.memory_space<hbm>>
        tpu.enqueue_dma source(%dma_start3A_40 : memref<40x128xi32, #tpu.memory_space<hbm>>) target(%arg8 : memref<40x128xi32, #tpu.memory_space<vmem>>) target_semaphore(%run_scoped3A : memref<!tpu.dma_semaphore, #tpu.memory_space<semaphore_mem>>)
        %dma_wait3A = arith.constant 40 : i32
        %dma_wait3A_41 = arith.constant 0 : i32
        %dma_wait3A_42 = tpu.memref_slice %arg4[%arg1, %dma_wait3A, %dma_wait3A_41] : memref<16x80x128xi32, #tpu.memory_space<hbm>> -> memref<1x40x128xi32, #tpu.memory_space<hbm>>
        %dma_wait3A_43 = tpu.memref_squeeze %dma_wait3A_42 : memref<1x40x128xi32, #tpu.memory_space<hbm>> -> memref<40x128xi32, #tpu.memory_space<hbm>>
        %dma_wait3A_44 = arith.constant 40 : i32
        %dma_wait3A_45 = arith.constant 0 : i32
        %dma_wait3A_46 = tpu.memref_slice %arg4[%arg1, %dma_wait3A_44, %dma_wait3A_45] : memref<16x80x128xi32, #tpu.memory_space<hbm>> -> memref<1x40x128xi32, #tpu.memory_space<hbm>>
        %dma_wait3A_47 = tpu.memref_squeeze %dma_wait3A_46 : memref<1x40x128xi32, #tpu.memory_space<hbm>> -> memref<40x128xi32, #tpu.memory_space<hbm>>
        tpu.wait_dma2 semaphore(%run_scoped3A : memref<!tpu.dma_semaphore, #tpu.memory_space<semaphore_mem>>) src(%dma_wait3A_47 : memref<40x128xi32, #tpu.memory_space<hbm>>) dst(%arg8 : memref<40x128xi32, #tpu.memory_space<vmem>>)
        tpu.yield
      }) : () -> ()
      %scan3A_22 = arith.constant 0 : i32
      %scan3A_23 = arith.constant 40 : i32
      %scan3A_24 = arith.addi %scan3A_22, %scan3A_23 : i32
      %scan3A_25 = arith.constant 1 : i32
      scf.for %scan3A_34 = %scan3A_22 to %scan3A_24 step %scan3A_25  : i32 {
        %mul3A_35 = arith.constant 1 : i32
        %mul3A_36 = arith.muli %scan3A_34, %mul3A_35 : i32
        %add3A_37 = arith.constant 0 : i32
        %add3A_38 = arith.addi %add3A_37, %mul3A_36 : i32
        %rem3A = arith.constant 2 : i32
        %rem3A_39 = arith.remsi %add3A_38, %rem3A : i32
        %ge3A = arith.constant 2 : i32
        %ge3A_40 = arith.cmpi sge, %add3A_38, %ge3A : i32
        %convert_element_type3A = arith.extui %ge3A_40 : i1 to i32
        %cond3A = arith.constant 0 : i32
        %cond3A_41 = arith.cmpi ne, %convert_element_type3A, %cond3A : i32
        scf.if %cond3A_41 {
          %sub3A = arith.constant 2 : i32
          %sub3A_55 = arith.subi %add3A_38, %sub3A : i32
          %dma_wait3A = arith.constant 0 : i32
          %dma_wait3A_56 = arith.constant 0 : i32
          %dma_wait3A_57 = tpu.memref_slice %arg9[%rem3A_39, %dma_wait3A, %dma_wait3A_56] : memref<2x128x128xf32, #tpu.memory_space<vmem>> -> memref<1x128x128xf32, #tpu.memory_space<vmem>>
          %dma_wait3A_58 = tpu.memref_squeeze %dma_wait3A_57 : memref<1x128x128xf32, #tpu.memory_space<vmem>> -> memref<128x128xf32, #tpu.memory_space<vmem>>
          %dma_wait3A_59 = arith.constant 0 : i32
          %dma_wait3A_60 = tpu.memref_slice %arg8[%sub3A_55, %dma_wait3A_59] : memref<40x128xi32, #tpu.memory_space<vmem>> -> memref<1x128xi32, #tpu.memory_space<vmem>>
          %dma_wait3A_61 = tpu.memref_squeeze %dma_wait3A_60 : memref<1x128xi32, #tpu.memory_space<vmem>> -> memref<128xi32, #tpu.memory_space<vmem>>
          %dma_wait3A_62 = arith.constant 0 : i32
          %dma_wait3A_63 = arith.constant 0 : i32
          %dma_wait3A_64 = tpu.memref_slice %arg10[%dma_wait3A_62, %dma_wait3A_63] : memref<10240x128xf32, #tpu.memory_space<vmem_shared>> -> memref<10240x128xf32, #tpu.memory_space<vmem_shared>>
          %dma_wait3A_65 = tpu.memref_slice %arg11[%rem3A_39] : memref<2x!tpu.dma_semaphore, #tpu.memory_space<semaphore_mem>> -> memref<1x!tpu.dma_semaphore, #tpu.memory_space<semaphore_mem>>
          %dma_wait3A_66 = tpu.memref_squeeze %dma_wait3A_65 : memref<1x!tpu.dma_semaphore, #tpu.memory_space<semaphore_mem>> -> memref<!tpu.dma_semaphore, #tpu.memory_space<semaphore_mem>>
          tpu.wait_indirect_dma semaphore(%dma_wait3A_66 : memref<!tpu.dma_semaphore, #tpu.memory_space<semaphore_mem>>) src(%dma_wait3A_58 : memref<128x128xf32, #tpu.memory_space<vmem>>) dst(%dma_wait3A_64 : memref<10240x128xf32, #tpu.memory_space<vmem_shared>>)
        } else {
        }
        %add3A_42 = arith.constant 40 : i32
        %add3A_43 = arith.addi %add3A_42, %add3A_38 : i32
        "tpu.region"() ({
          %run_scoped3A = tpu.sem_alloc : memref<!tpu.dma_semaphore, #tpu.memory_space<semaphore_mem>>
          %dma_start3A_55 = arith.constant 0 : i32
          %dma_start3A_56 = arith.constant 0 : i32
          %dma_start3A_57 = tpu.memref_slice %arg9[%rem3A_39, %dma_start3A_55, %dma_start3A_56] : memref<2x128x128xf32, #tpu.memory_space<vmem>> -> memref<1x128x128xf32, #tpu.memory_space<vmem>>
          %dma_start3A_58 = tpu.memref_squeeze %dma_start3A_57 : memref<1x128x128xf32, #tpu.memory_space<vmem>> -> memref<128x128xf32, #tpu.memory_space<vmem>>
          %dma_start3A_59 = arith.constant 0 : i32
          %dma_start3A_60 = tpu.memref_slice %arg7[%add3A_38, %dma_start3A_59] : memref<40x128xi32, #tpu.memory_space<vmem>> -> memref<1x128xi32, #tpu.memory_space<vmem>>
          %dma_start3A_61 = tpu.memref_squeeze %dma_start3A_60 : memref<1x128xi32, #tpu.memory_space<vmem>> -> memref<128xi32, #tpu.memory_space<vmem>>
          %dma_start3A_62 = arith.constant 0 : i32
          %dma_start3A_63 = arith.constant 0 : i32
          %dma_start3A_64 = tpu.memref_slice %arg2[%add3A_9, %dma_start3A_62, %dma_start3A_63] : memref<4x10240x128xf32, #tpu.memory_space<hbm>> -> memref<1x10240x128xf32, #tpu.memory_space<hbm>>
          %dma_start3A_65 = tpu.memref_squeeze %dma_start3A_64 : memref<1x10240x128xf32, #tpu.memory_space<hbm>> -> memref<10240x128xf32, #tpu.memory_space<hbm>>
          %dma_start3A_66 = arith.constant 0 : i32
          %dma_start3A_67 = arith.constant 0 : i32
          %dma_start3A_68 = tpu.memref_slice %dma_start3A_65[%dma_start3A_66, %dma_start3A_67] : memref<10240x128xf32, #tpu.memory_space<hbm>> -> memref<10240x128xf32, #tpu.memory_space<hbm>>
          tpu.enqueue_indirect_dma source(%dma_start3A_68 : memref<10240x128xf32, #tpu.memory_space<hbm>>) target(%dma_start3A_58 : memref<128x128xf32, #tpu.memory_space<vmem>>) offsets(%dma_start3A_61 : memref<128xi32, #tpu.memory_space<vmem>>) semaphore(%run_scoped3A : memref<!tpu.dma_semaphore, #tpu.memory_space<semaphore_mem>>)
          %dma_wait3A = arith.constant 0 : i32
          %dma_wait3A_69 = arith.constant 0 : i32
          %dma_wait3A_70 = tpu.memref_slice %arg9[%rem3A_39, %dma_wait3A, %dma_wait3A_69] : memref<2x128x128xf32, #tpu.memory_space<vmem>> -> memref<1x128x128xf32, #tpu.memory_space<vmem>>
          %dma_wait3A_71 = tpu.memref_squeeze %dma_wait3A_70 : memref<1x128x128xf32, #tpu.memory_space<vmem>> -> memref<128x128xf32, #tpu.memory_space<vmem>>
          %dma_wait3A_72 = arith.constant 0 : i32
          %dma_wait3A_73 = tpu.memref_slice %arg7[%add3A_38, %dma_wait3A_72] : memref<40x128xi32, #tpu.memory_space<vmem>> -> memref<1x128xi32, #tpu.memory_space<vmem>>
          %dma_wait3A_74 = tpu.memref_squeeze %dma_wait3A_73 : memref<1x128xi32, #tpu.memory_space<vmem>> -> memref<128xi32, #tpu.memory_space<vmem>>
          %dma_wait3A_75 = arith.constant 0 : i32
          %dma_wait3A_76 = arith.constant 0 : i32
          %dma_wait3A_77 = tpu.memref_slice %arg2[%add3A_9, %dma_wait3A_75, %dma_wait3A_76] : memref<4x10240x128xf32, #tpu.memory_space<hbm>> -> memref<1x10240x128xf32, #tpu.memory_space<hbm>>
          %dma_wait3A_78 = tpu.memref_squeeze %dma_wait3A_77 : memref<1x10240x128xf32, #tpu.memory_space<hbm>> -> memref<10240x128xf32, #tpu.memory_space<hbm>>
          %dma_wait3A_79 = arith.constant 0 : i32
          %dma_wait3A_80 = arith.constant 0 : i32
          %dma_wait3A_81 = tpu.memref_slice %dma_wait3A_78[%dma_wait3A_79, %dma_wait3A_80] : memref<10240x128xf32, #tpu.memory_space<hbm>> -> memref<10240x128xf32, #tpu.memory_space<hbm>>
          tpu.wait_indirect_dma semaphore(%run_scoped3A : memref<!tpu.dma_semaphore, #tpu.memory_space<semaphore_mem>>) src(%dma_wait3A_81 : memref<10240x128xf32, #tpu.memory_space<hbm>>) dst(%dma_wait3A_71 : memref<128x128xf32, #tpu.memory_space<vmem>>)
          tpu.yield
        }) : () -> ()
        %dma_start3A = arith.constant 0 : i32
        %dma_start3A_44 = arith.constant 0 : i32
        %dma_start3A_45 = tpu.memref_slice %arg9[%rem3A_39, %dma_start3A, %dma_start3A_44] : memref<2x128x128xf32, #tpu.memory_space<vmem>> -> memref<1x128x128xf32, #tpu.memory_space<vmem>>
        %dma_start3A_46 = tpu.memref_squeeze %dma_start3A_45 : memref<1x128x128xf32, #tpu.memory_space<vmem>> -> memref<128x128xf32, #tpu.memory_space<vmem>>
        %dma_start3A_47 = arith.constant 0 : i32
        %dma_start3A_48 = tpu.memref_slice %arg8[%add3A_38, %dma_start3A_47] : memref<40x128xi32, #tpu.memory_space<vmem>> -> memref<1x128xi32, #tpu.memory_space<vmem>>
        %dma_start3A_49 = tpu.memref_squeeze %dma_start3A_48 : memref<1x128xi32, #tpu.memory_space<vmem>> -> memref<128xi32, #tpu.memory_space<vmem>>
        %dma_start3A_50 = arith.constant 0 : i32
        %dma_start3A_51 = arith.constant 0 : i32
        %dma_start3A_52 = tpu.memref_slice %arg10[%dma_start3A_50, %dma_start3A_51] : memref<10240x128xf32, #tpu.memory_space<vmem_shared>> -> memref<10240x128xf32, #tpu.memory_space<vmem_shared>>
        %dma_start3A_53 = tpu.memref_slice %arg11[%rem3A_39] : memref<2x!tpu.dma_semaphore, #tpu.memory_space<semaphore_mem>> -> memref<1x!tpu.dma_semaphore, #tpu.memory_space<semaphore_mem>>
        %dma_start3A_54 = tpu.memref_squeeze %dma_start3A_53 : memref<1x!tpu.dma_semaphore, #tpu.memory_space<semaphore_mem>> -> memref<!tpu.dma_semaphore, #tpu.memory_space<semaphore_mem>>
        tpu.enqueue_indirect_dma source(%dma_start3A_46 : memref<128x128xf32, #tpu.memory_space<vmem>>) target(%dma_start3A_52 : memref<10240x128xf32, #tpu.memory_space<vmem_shared>>) offsets(%dma_start3A_49 : memref<128xi32, #tpu.memory_space<vmem>>) semaphore(%dma_start3A_54 : memref<!tpu.dma_semaphore, #tpu.memory_space<semaphore_mem>>) {add = true}
      }
      %scan3A_26 = arith.constant 40 : i32
      %scan3A_27 = arith.constant 0 : i32
      %scan3A_28 = arith.constant 2 : i32
      %scan3A_29 = arith.addi %scan3A_27, %scan3A_28 : i32
      %scan3A_30 = arith.constant 1 : i32
      scf.for %scan3A_34 = %scan3A_27 to %scan3A_29 step %scan3A_30  : i32 {
        %mul3A_35 = arith.constant 1 : i32
        %mul3A_36 = arith.muli %scan3A_34, %mul3A_35 : i32
        %add3A_37 = arith.constant 0 : i32
        %add3A_38 = arith.addi %add3A_37, %mul3A_36 : i32
        %add3A_39 = arith.constant 38 : i32
        %add3A_40 = arith.addi %add3A_39, %add3A_38 : i32
        %rem3A = arith.constant 2 : i32
        %rem3A_41 = arith.remsi %add3A_40, %rem3A : i32
        %dma_wait3A = arith.constant 0 : i32
        %dma_wait3A_42 = arith.constant 0 : i32
        %dma_wait3A_43 = tpu.memref_slice %arg9[%rem3A_41, %dma_wait3A, %dma_wait3A_42] : memref<2x128x128xf32, #tpu.memory_space<vmem>> -> memref<1x128x128xf32, #tpu.memory_space<vmem>>
        %dma_wait3A_44 = tpu.memref_squeeze %dma_wait3A_43 : memref<1x128x128xf32, #tpu.memory_space<vmem>> -> memref<128x128xf32, #tpu.memory_space<vmem>>
        %dma_wait3A_45 = arith.constant 0 : i32
        %dma_wait3A_46 = tpu.memref_slice %arg8[%add3A_40, %dma_wait3A_45] : memref<40x128xi32, #tpu.memory_space<vmem>> -> memref<1x128xi32, #tpu.memory_space<vmem>>
        %dma_wait3A_47 = tpu.memref_squeeze %dma_wait3A_46 : memref<1x128xi32, #tpu.memory_space<vmem>> -> memref<128xi32, #tpu.memory_space<vmem>>
        %dma_wait3A_48 = arith.constant 0 : i32
        %dma_wait3A_49 = arith.constant 0 : i32
        %dma_wait3A_50 = tpu.memref_slice %arg10[%dma_wait3A_48, %dma_wait3A_49] : memref<10240x128xf32, #tpu.memory_space<vmem_shared>> -> memref<10240x128xf32, #tpu.memory_space<vmem_shared>>
        %dma_wait3A_51 = tpu.memref_slice %arg11[%rem3A_41] : memref<2x!tpu.dma_semaphore, #tpu.memory_space<semaphore_mem>> -> memref<1x!tpu.dma_semaphore, #tpu.memory_space<semaphore_mem>>
        %dma_wait3A_52 = tpu.memref_squeeze %dma_wait3A_51 : memref<1x!tpu.dma_semaphore, #tpu.memory_space<semaphore_mem>> -> memref<!tpu.dma_semaphore, #tpu.memory_space<semaphore_mem>>
        tpu.wait_indirect_dma semaphore(%dma_wait3A_52 : memref<!tpu.dma_semaphore, #tpu.memory_space<semaphore_mem>>) src(%dma_wait3A_44 : memref<128x128xf32, #tpu.memory_space<vmem>>) dst(%dma_wait3A_50 : memref<10240x128xf32, #tpu.memory_space<vmem_shared>>)
      }
      %scan3A_31 = arith.constant 2 : i32
      %barrier3A_32 = arith.constant 0 : index
      tpu.barrier barrier_id(%barrier3A_32)
      "tpu.region"() ({
        %run_scoped3A = tpu.sem_alloc : memref<!tpu.dma_semaphore, #tpu.memory_space<semaphore_mem>>
        %dma_start3A = arith.constant 0 : i32
        %dma_start3A_34 = arith.constant 0 : i32
        %dma_start3A_35 = tpu.memref_slice %arg6[%add3A_9, %dma_start3A, %dma_start3A_34] : memref<4x10240x128xf32, #tpu.memory_space<hbm>> -> memref<1x10240x128xf32, #tpu.memory_space<hbm>>
        %dma_start3A_36 = tpu.memref_squeeze %dma_start3A_35 : memref<1x10240x128xf32, #tpu.memory_space<hbm>> -> memref<10240x128xf32, #tpu.memory_space<hbm>>
        %dma_start3A_37 = arith.constant 0 : i32
        %dma_start3A_38 = tpu.memref_slice %dma_start3A_36[%mul3A_11, %dma_start3A_37] : memref<10240x128xf32, #tpu.memory_space<hbm>> -> memref<640x128xf32, #tpu.memory_space<hbm>>
        %dma_start3A_39 = arith.constant 0 : i32
        %dma_start3A_40 = tpu.memref_slice %arg10[%mul3A_11, %dma_start3A_39] : memref<10240x128xf32, #tpu.memory_space<vmem_shared>> -> memref<640x128xf32, #tpu.memory_space<vmem_shared>>
        tpu.enqueue_dma source(%dma_start3A_40 : memref<640x128xf32, #tpu.memory_space<vmem_shared>>) target(%dma_start3A_38 : memref<640x128xf32, #tpu.memory_space<hbm>>) target_semaphore(%run_scoped3A : memref<!tpu.dma_semaphore, #tpu.memory_space<semaphore_mem>>)
        %dma_wait3A = arith.constant 0 : i32
        %dma_wait3A_41 = arith.constant 0 : i32
        %dma_wait3A_42 = tpu.memref_slice %arg6[%add3A_9, %dma_wait3A, %dma_wait3A_41] : memref<4x10240x128xf32, #tpu.memory_space<hbm>> -> memref<1x10240x128xf32, #tpu.memory_space<hbm>>
        %dma_wait3A_43 = tpu.memref_squeeze %dma_wait3A_42 : memref<1x10240x128xf32, #tpu.memory_space<hbm>> -> memref<10240x128xf32, #tpu.memory_space<hbm>>
        %dma_wait3A_44 = arith.constant 0 : i32
        %dma_wait3A_45 = tpu.memref_slice %dma_wait3A_43[%mul3A_11, %dma_wait3A_44] : memref<10240x128xf32, #tpu.memory_space<hbm>> -> memref<640x128xf32, #tpu.memory_space<hbm>>
        %dma_wait3A_46 = arith.constant 0 : i32
        %dma_wait3A_47 = tpu.memref_slice %arg10[%mul3A_11, %dma_wait3A_46] : memref<10240x128xf32, #tpu.memory_space<vmem_shared>> -> memref<640x128xf32, #tpu.memory_space<vmem_shared>>
        tpu.wait_dma2 semaphore(%run_scoped3A : memref<!tpu.dma_semaphore, #tpu.memory_space<semaphore_mem>>) src(%dma_wait3A_47 : memref<640x128xf32, #tpu.memory_space<vmem_shared>>) dst(%dma_wait3A_45 : memref<640x128xf32, #tpu.memory_space<hbm>>)
        tpu.yield
      }) : () -> ()
      %barrier3A_33 = arith.constant 0 : index
      tpu.barrier barrier_id(%barrier3A_33)
    }
    %scan3A_3 = arith.constant 2 : i32
    return
  }
}

#map = affine_map<(d0, d1) -> (0, 0)>
#map1 = affine_map<(d0, d1) -> (0, 0, 0)>
module attributes {stable_mosaic.version = 14 : i64} {
  func.func @k(%arg0: i32, %arg1: i32, %arg2: memref<163840x128xf32, #tpu.memory_space<hbm>>, %arg3: memref<16x80x128xi32, #tpu.memory_space<hbm>>, %arg4: memref<10240x128xf32, #tpu.memory_space<hbm>>, %arg5: memref<2x10240x128xf32, #tpu.memory_space<hbm>>, %arg6: memref<40x128xi32, #tpu.memory_space<vmem>>, %arg7: memref<40x128xi32, #tpu.memory_space<vmem>>, %arg8: memref<2x128x128xf32, #tpu.memory_space<vmem>>, %arg9: memref<10240x128xf32, #tpu.memory_space<vmem_shared>>, %arg10: memref<2x!tpu.dma_semaphore, #tpu.memory_space<semaphore_mem>>) attributes {dimension_semantics = [#tpu.dimension_semantics<core_parallel>, #tpu.dimension_semantics<subcore_parallel>], iteration_bounds = array<i64: 2, 16>, scalar_prefetch = 0 : i64, scratch_operands = 5 : i64, tpu.core_type = #tpu.core_type<sc_vector_subcore>, window_params = [{transform_indices = #map}, {transform_indices = #map1}, {transform_indices = #map}, {transform_indices = #map1}]} {
    %mul3A = arith.constant 640 : i32
    %mul3A_0 = arith.muli %arg1, %mul3A : i32
    "tpu.region"() ({
      %run_scoped3A = tpu.sem_alloc : memref<!tpu.dma_semaphore, #tpu.memory_space<semaphore_mem>>
      %dma_start3A = arith.constant 0 : i32
      %dma_start3A_14 = tpu.memref_slice %arg9[%mul3A_0, %dma_start3A] : memref<10240x128xf32, #tpu.memory_space<vmem_shared>> -> memref<640x128xf32, #tpu.memory_space<vmem_shared>>
      %dma_start3A_15 = arith.constant 0 : i32
      %dma_start3A_16 = tpu.memref_slice %arg4[%mul3A_0, %dma_start3A_15] : memref<10240x128xf32, #tpu.memory_space<hbm>> -> memref<640x128xf32, #tpu.memory_space<hbm>>
      tpu.enqueue_dma source(%dma_start3A_16 : memref<640x128xf32, #tpu.memory_space<hbm>>) target(%dma_start3A_14 : memref<640x128xf32, #tpu.memory_space<vmem_shared>>) target_semaphore(%run_scoped3A : memref<!tpu.dma_semaphore, #tpu.memory_space<semaphore_mem>>)
      %dma_wait3A = arith.constant 0 : i32
      %dma_wait3A_17 = tpu.memref_slice %arg9[%mul3A_0, %dma_wait3A] : memref<10240x128xf32, #tpu.memory_space<vmem_shared>> -> memref<640x128xf32, #tpu.memory_space<vmem_shared>>
      %dma_wait3A_18 = arith.constant 0 : i32
      %dma_wait3A_19 = tpu.memref_slice %arg4[%mul3A_0, %dma_wait3A_18] : memref<10240x128xf32, #tpu.memory_space<hbm>> -> memref<640x128xf32, #tpu.memory_space<hbm>>
      tpu.wait_dma2 semaphore(%run_scoped3A : memref<!tpu.dma_semaphore, #tpu.memory_space<semaphore_mem>>) src(%dma_wait3A_19 : memref<640x128xf32, #tpu.memory_space<hbm>>) dst(%dma_wait3A_17 : memref<640x128xf32, #tpu.memory_space<vmem_shared>>)
      tpu.yield
    }) : () -> ()
    %barrier3A = arith.constant 0 : index
    tpu.barrier barrier_id(%barrier3A)
    %mul3A_1 = arith.constant 40 : i32
    %mul3A_2 = arith.muli %arg0, %mul3A_1 : i32
    "tpu.region"() ({
      %run_scoped3A = tpu.sem_alloc : memref<!tpu.dma_semaphore, #tpu.memory_space<semaphore_mem>>
      %dma_start3A = arith.constant 0 : i32
      %dma_start3A_14 = tpu.memref_slice %arg3[%arg1, %mul3A_2, %dma_start3A] : memref<16x80x128xi32, #tpu.memory_space<hbm>> -> memref<1x40x128xi32, #tpu.memory_space<hbm>>
      %dma_start3A_15 = tpu.memref_squeeze %dma_start3A_14 : memref<1x40x128xi32, #tpu.memory_space<hbm>> -> memref<40x128xi32, #tpu.memory_space<hbm>>
      %dma_start3A_16 = arith.constant 0 : i32
      %dma_start3A_17 = tpu.memref_slice %arg3[%arg1, %mul3A_2, %dma_start3A_16] : memref<16x80x128xi32, #tpu.memory_space<hbm>> -> memref<1x40x128xi32, #tpu.memory_space<hbm>>
      %dma_start3A_18 = tpu.memref_squeeze %dma_start3A_17 : memref<1x40x128xi32, #tpu.memory_space<hbm>> -> memref<40x128xi32, #tpu.memory_space<hbm>>
      tpu.enqueue_dma source(%dma_start3A_18 : memref<40x128xi32, #tpu.memory_space<hbm>>) target(%arg7 : memref<40x128xi32, #tpu.memory_space<vmem>>) target_semaphore(%run_scoped3A : memref<!tpu.dma_semaphore, #tpu.memory_space<semaphore_mem>>)
      %dma_wait3A = arith.constant 0 : i32
      %dma_wait3A_19 = tpu.memref_slice %arg3[%arg1, %mul3A_2, %dma_wait3A] : memref<16x80x128xi32, #tpu.memory_space<hbm>> -> memref<1x40x128xi32, #tpu.memory_space<hbm>>
      %dma_wait3A_20 = tpu.memref_squeeze %dma_wait3A_19 : memref<1x40x128xi32, #tpu.memory_space<hbm>> -> memref<40x128xi32, #tpu.memory_space<hbm>>
      %dma_wait3A_21 = arith.constant 0 : i32
      %dma_wait3A_22 = tpu.memref_slice %arg3[%arg1, %mul3A_2, %dma_wait3A_21] : memref<16x80x128xi32, #tpu.memory_space<hbm>> -> memref<1x40x128xi32, #tpu.memory_space<hbm>>
      %dma_wait3A_23 = tpu.memref_squeeze %dma_wait3A_22 : memref<1x40x128xi32, #tpu.memory_space<hbm>> -> memref<40x128xi32, #tpu.memory_space<hbm>>
      tpu.wait_dma2 semaphore(%run_scoped3A : memref<!tpu.dma_semaphore, #tpu.memory_space<semaphore_mem>>) src(%dma_wait3A_23 : memref<40x128xi32, #tpu.memory_space<hbm>>) dst(%arg7 : memref<40x128xi32, #tpu.memory_space<vmem>>)
      tpu.yield
    }) : () -> ()
    %scan3A = arith.constant 0 : i32
    %scan3A_3 = arith.constant 40 : i32
    %scan3A_4 = arith.addi %scan3A, %scan3A_3 : i32
    %scan3A_5 = arith.constant 1 : i32
    scf.for %scan3A_14 = %scan3A to %scan3A_4 step %scan3A_5  : i32 {
      %mul3A_15 = arith.constant 1 : i32
      %mul3A_16 = arith.muli %scan3A_14, %mul3A_15 : i32
      %add3A = arith.constant 0 : i32
      %add3A_17 = arith.addi %add3A, %mul3A_16 : i32
      %rem3A = arith.constant 2 : i32
      %rem3A_18 = arith.remsi %add3A_17, %rem3A : i32
      %ge3A = arith.constant 2 : i32
      %ge3A_19 = arith.cmpi sge, %add3A_17, %ge3A : i32
      %convert_element_type3A = arith.extui %ge3A_19 : i1 to i32
      %cond3A = arith.constant 0 : i32
      %cond3A_20 = arith.cmpi ne, %convert_element_type3A, %cond3A : i32
      scf.if %cond3A_20 {
        %sub3A = arith.constant 2 : i32
        %sub3A_42 = arith.subi %add3A_17, %sub3A : i32
        %dma_wait3A = arith.constant 0 : i32
        %dma_wait3A_43 = arith.constant 0 : i32
        %dma_wait3A_44 = tpu.memref_slice %arg8[%rem3A_18, %dma_wait3A, %dma_wait3A_43] : memref<2x128x128xf32, #tpu.memory_space<vmem>> -> memref<1x128x128xf32, #tpu.memory_space<vmem>>
        %dma_wait3A_45 = tpu.memref_squeeze %dma_wait3A_44 : memref<1x128x128xf32, #tpu.memory_space<vmem>> -> memref<128x128xf32, #tpu.memory_space<vmem>>
        %dma_wait3A_46 = arith.constant 0 : i32
        %dma_wait3A_47 = tpu.memref_slice %arg7[%sub3A_42, %dma_wait3A_46] : memref<40x128xi32, #tpu.memory_space<vmem>> -> memref<1x128xi32, #tpu.memory_space<vmem>>
        %dma_wait3A_48 = tpu.memref_squeeze %dma_wait3A_47 : memref<1x128xi32, #tpu.memory_space<vmem>> -> memref<128xi32, #tpu.memory_space<vmem>>
        %dma_wait3A_49 = arith.constant 0 : i32
        %dma_wait3A_50 = arith.constant 0 : i32
        %dma_wait3A_51 = tpu.memref_slice %arg9[%dma_wait3A_49, %dma_wait3A_50] : memref<10240x128xf32, #tpu.memory_space<vmem_shared>> -> memref<10240x128xf32, #tpu.memory_space<vmem_shared>>
        %dma_wait3A_52 = tpu.memref_slice %arg10[%rem3A_18] : memref<2x!tpu.dma_semaphore, #tpu.memory_space<semaphore_mem>> -> memref<1x!tpu.dma_semaphore, #tpu.memory_space<semaphore_mem>>
        %dma_wait3A_53 = tpu.memref_squeeze %dma_wait3A_52 : memref<1x!tpu.dma_semaphore, #tpu.memory_space<semaphore_mem>> -> memref<!tpu.dma_semaphore, #tpu.memory_space<semaphore_mem>>
        tpu.wait_indirect_dma semaphore(%dma_wait3A_53 : memref<!tpu.dma_semaphore, #tpu.memory_space<semaphore_mem>>) src(%dma_wait3A_45 : memref<128x128xf32, #tpu.memory_space<vmem>>) dst(%dma_wait3A_51 : memref<10240x128xf32, #tpu.memory_space<vmem_shared>>)
      } else {
      }
      %add3A_21 = arith.constant 0 : i32
      %add3A_22 = arith.addi %add3A_21, %add3A_17 : i32
      %mul3A_23 = arith.constant 10240 : i32
      %mul3A_24 = arith.muli %arg1, %mul3A_23 : i32
      %mul3A_25 = arith.constant 40 : i32
      %mul3A_26 = arith.muli %arg0, %mul3A_25 : i32
      %add3A_27 = arith.addi %mul3A_26, %add3A_17 : i32
      %mul3A_28 = arith.constant 128 : i32
      %mul3A_29 = arith.muli %add3A_27, %mul3A_28 : i32
      %add3A_30 = arith.addi %mul3A_24, %mul3A_29 : i32
      "tpu.region"() ({
        %run_scoped3A = tpu.sem_alloc : memref<!tpu.dma_semaphore, #tpu.memory_space<semaphore_mem>>
        %dma_start3A_42 = arith.constant 0 : i32
        %dma_start3A_43 = arith.constant 0 : i32
        %dma_start3A_44 = tpu.memref_slice %arg8[%rem3A_18, %dma_start3A_42, %dma_start3A_43] : memref<2x128x128xf32, #tpu.memory_space<vmem>> -> memref<1x128x128xf32, #tpu.memory_space<vmem>>
        %dma_start3A_45 = tpu.memref_squeeze %dma_start3A_44 : memref<1x128x128xf32, #tpu.memory_space<vmem>> -> memref<128x128xf32, #tpu.memory_space<vmem>>
        %dma_start3A_46 = arith.constant 0 : i32
        %dma_start3A_47 = tpu.memref_slice %arg2[%add3A_30, %dma_start3A_46] : memref<163840x128xf32, #tpu.memory_space<hbm>> -> memref<128x128xf32, #tpu.memory_space<hbm>>
        %dma_start3A_48 = arith.constant 0 : i32
        %dma_start3A_49 = arith.constant 0 : i32
        %dma_start3A_50 = tpu.memref_slice %arg8[%rem3A_18, %dma_start3A_48, %dma_start3A_49] : memref<2x128x128xf32, #tpu.memory_space<vmem>> -> memref<1x128x128xf32, #tpu.memory_space<vmem>>
        %dma_start3A_51 = tpu.memref_squeeze %dma_start3A_50 : memref<1x128x128xf32, #tpu.memory_space<vmem>> -> memref<128x128xf32, #tpu.memory_space<vmem>>
        %dma_start3A_52 = arith.constant 0 : i32
        %dma_start3A_53 = tpu.memref_slice %arg2[%add3A_30, %dma_start3A_52] : memref<163840x128xf32, #tpu.memory_space<hbm>> -> memref<128x128xf32, #tpu.memory_space<hbm>>
        tpu.enqueue_dma source(%dma_start3A_53 : memref<128x128xf32, #tpu.memory_space<hbm>>) target(%dma_start3A_51 : memref<128x128xf32, #tpu.memory_space<vmem>>) target_semaphore(%run_scoped3A : memref<!tpu.dma_semaphore, #tpu.memory_space<semaphore_mem>>)
        %dma_wait3A = arith.constant 0 : i32
        %dma_wait3A_54 = arith.constant 0 : i32
        %dma_wait3A_55 = tpu.memref_slice %arg8[%rem3A_18, %dma_wait3A, %dma_wait3A_54] : memref<2x128x128xf32, #tpu.memory_space<vmem>> -> memref<1x128x128xf32, #tpu.memory_space<vmem>>
        %dma_wait3A_56 = tpu.memref_squeeze %dma_wait3A_55 : memref<1x128x128xf32, #tpu.memory_space<vmem>> -> memref<128x128xf32, #tpu.memory_space<vmem>>
        %dma_wait3A_57 = arith.constant 0 : i32
        %dma_wait3A_58 = tpu.memref_slice %arg2[%add3A_30, %dma_wait3A_57] : memref<163840x128xf32, #tpu.memory_space<hbm>> -> memref<128x128xf32, #tpu.memory_space<hbm>>
        %dma_wait3A_59 = arith.constant 0 : i32
        %dma_wait3A_60 = arith.constant 0 : i32
        %dma_wait3A_61 = tpu.memref_slice %arg8[%rem3A_18, %dma_wait3A_59, %dma_wait3A_60] : memref<2x128x128xf32, #tpu.memory_space<vmem>> -> memref<1x128x128xf32, #tpu.memory_space<vmem>>
        %dma_wait3A_62 = tpu.memref_squeeze %dma_wait3A_61 : memref<1x128x128xf32, #tpu.memory_space<vmem>> -> memref<128x128xf32, #tpu.memory_space<vmem>>
        %dma_wait3A_63 = arith.constant 0 : i32
        %dma_wait3A_64 = tpu.memref_slice %arg2[%add3A_30, %dma_wait3A_63] : memref<163840x128xf32, #tpu.memory_space<hbm>> -> memref<128x128xf32, #tpu.memory_space<hbm>>
        tpu.wait_dma2 semaphore(%run_scoped3A : memref<!tpu.dma_semaphore, #tpu.memory_space<semaphore_mem>>) src(%dma_wait3A_64 : memref<128x128xf32, #tpu.memory_space<hbm>>) dst(%dma_wait3A_62 : memref<128x128xf32, #tpu.memory_space<vmem>>)
        tpu.yield
      }) : () -> ()
      %dma_start3A = arith.constant 0 : i32
      %dma_start3A_31 = arith.constant 0 : i32
      %dma_start3A_32 = tpu.memref_slice %arg8[%rem3A_18, %dma_start3A, %dma_start3A_31] : memref<2x128x128xf32, #tpu.memory_space<vmem>> -> memref<1x128x128xf32, #tpu.memory_space<vmem>>
      %dma_start3A_33 = tpu.memref_squeeze %dma_start3A_32 : memref<1x128x128xf32, #tpu.memory_space<vmem>> -> memref<128x128xf32, #tpu.memory_space<vmem>>
      %dma_start3A_34 = arith.constant 0 : i32
      %dma_start3A_35 = tpu.memref_slice %arg7[%add3A_17, %dma_start3A_34] : memref<40x128xi32, #tpu.memory_space<vmem>> -> memref<1x128xi32, #tpu.memory_space<vmem>>
      %dma_start3A_36 = tpu.memref_squeeze %dma_start3A_35 : memref<1x128xi32, #tpu.memory_space<vmem>> -> memref<128xi32, #tpu.memory_space<vmem>>
      %dma_start3A_37 = arith.constant 0 : i32
      %dma_start3A_38 = arith.constant 0 : i32
      %dma_start3A_39 = tpu.memref_slice %arg9[%dma_start3A_37, %dma_start3A_38] : memref<10240x128xf32, #tpu.memory_space<vmem_shared>> -> memref<10240x128xf32, #tpu.memory_space<vmem_shared>>
      %dma_start3A_40 = tpu.memref_slice %arg10[%rem3A_18] : memref<2x!tpu.dma_semaphore, #tpu.memory_space<semaphore_mem>> -> memref<1x!tpu.dma_semaphore, #tpu.memory_space<semaphore_mem>>
      %dma_start3A_41 = tpu.memref_squeeze %dma_start3A_40 : memref<1x!tpu.dma_semaphore, #tpu.memory_space<semaphore_mem>> -> memref<!tpu.dma_semaphore, #tpu.memory_space<semaphore_mem>>
      tpu.enqueue_indirect_dma source(%dma_start3A_33 : memref<128x128xf32, #tpu.memory_space<vmem>>) target(%dma_start3A_39 : memref<10240x128xf32, #tpu.memory_space<vmem_shared>>) offsets(%dma_start3A_36 : memref<128xi32, #tpu.memory_space<vmem>>) semaphore(%dma_start3A_41 : memref<!tpu.dma_semaphore, #tpu.memory_space<semaphore_mem>>) {add = true}
    }
    %scan3A_6 = arith.constant 40 : i32
    %scan3A_7 = arith.constant 0 : i32
    %scan3A_8 = arith.constant 2 : i32
    %scan3A_9 = arith.addi %scan3A_7, %scan3A_8 : i32
    %scan3A_10 = arith.constant 1 : i32
    scf.for %scan3A_14 = %scan3A_7 to %scan3A_9 step %scan3A_10  : i32 {
      %mul3A_15 = arith.constant 1 : i32
      %mul3A_16 = arith.muli %scan3A_14, %mul3A_15 : i32
      %add3A = arith.constant 0 : i32
      %add3A_17 = arith.addi %add3A, %mul3A_16 : i32
      %add3A_18 = arith.constant 38 : i32
      %add3A_19 = arith.addi %add3A_18, %add3A_17 : i32
      %rem3A = arith.constant 2 : i32
      %rem3A_20 = arith.remsi %add3A_19, %rem3A : i32
      %dma_wait3A = arith.constant 0 : i32
      %dma_wait3A_21 = arith.constant 0 : i32
      %dma_wait3A_22 = tpu.memref_slice %arg8[%rem3A_20, %dma_wait3A, %dma_wait3A_21] : memref<2x128x128xf32, #tpu.memory_space<vmem>> -> memref<1x128x128xf32, #tpu.memory_space<vmem>>
      %dma_wait3A_23 = tpu.memref_squeeze %dma_wait3A_22 : memref<1x128x128xf32, #tpu.memory_space<vmem>> -> memref<128x128xf32, #tpu.memory_space<vmem>>
      %dma_wait3A_24 = arith.constant 0 : i32
      %dma_wait3A_25 = tpu.memref_slice %arg7[%add3A_19, %dma_wait3A_24] : memref<40x128xi32, #tpu.memory_space<vmem>> -> memref<1x128xi32, #tpu.memory_space<vmem>>
      %dma_wait3A_26 = tpu.memref_squeeze %dma_wait3A_25 : memref<1x128xi32, #tpu.memory_space<vmem>> -> memref<128xi32, #tpu.memory_space<vmem>>
      %dma_wait3A_27 = arith.constant 0 : i32
      %dma_wait3A_28 = arith.constant 0 : i32
      %dma_wait3A_29 = tpu.memref_slice %arg9[%dma_wait3A_27, %dma_wait3A_28] : memref<10240x128xf32, #tpu.memory_space<vmem_shared>> -> memref<10240x128xf32, #tpu.memory_space<vmem_shared>>
      %dma_wait3A_30 = tpu.memref_slice %arg10[%rem3A_20] : memref<2x!tpu.dma_semaphore, #tpu.memory_space<semaphore_mem>> -> memref<1x!tpu.dma_semaphore, #tpu.memory_space<semaphore_mem>>
      %dma_wait3A_31 = tpu.memref_squeeze %dma_wait3A_30 : memref<1x!tpu.dma_semaphore, #tpu.memory_space<semaphore_mem>> -> memref<!tpu.dma_semaphore, #tpu.memory_space<semaphore_mem>>
      tpu.wait_indirect_dma semaphore(%dma_wait3A_31 : memref<!tpu.dma_semaphore, #tpu.memory_space<semaphore_mem>>) src(%dma_wait3A_23 : memref<128x128xf32, #tpu.memory_space<vmem>>) dst(%dma_wait3A_29 : memref<10240x128xf32, #tpu.memory_space<vmem_shared>>)
    }
    %scan3A_11 = arith.constant 2 : i32
    %barrier3A_12 = arith.constant 0 : index
    tpu.barrier barrier_id(%barrier3A_12)
    "tpu.region"() ({
      %run_scoped3A = tpu.sem_alloc : memref<!tpu.dma_semaphore, #tpu.memory_space<semaphore_mem>>
      %dma_start3A = arith.constant 0 : i32
      %dma_start3A_14 = arith.constant 0 : i32
      %dma_start3A_15 = tpu.memref_slice %arg5[%arg0, %dma_start3A, %dma_start3A_14] : memref<2x10240x128xf32, #tpu.memory_space<hbm>> -> memref<1x10240x128xf32, #tpu.memory_space<hbm>>
      %dma_start3A_16 = tpu.memref_squeeze %dma_start3A_15 : memref<1x10240x128xf32, #tpu.memory_space<hbm>> -> memref<10240x128xf32, #tpu.memory_space<hbm>>
      %dma_start3A_17 = arith.constant 0 : i32
      %dma_start3A_18 = tpu.memref_slice %dma_start3A_16[%mul3A_0, %dma_start3A_17] : memref<10240x128xf32, #tpu.memory_space<hbm>> -> memref<640x128xf32, #tpu.memory_space<hbm>>
      %dma_start3A_19 = arith.constant 0 : i32
      %dma_start3A_20 = tpu.memref_slice %arg9[%mul3A_0, %dma_start3A_19] : memref<10240x128xf32, #tpu.memory_space<vmem_shared>> -> memref<640x128xf32, #tpu.memory_space<vmem_shared>>
      tpu.enqueue_dma source(%dma_start3A_20 : memref<640x128xf32, #tpu.memory_space<vmem_shared>>) target(%dma_start3A_18 : memref<640x128xf32, #tpu.memory_space<hbm>>) target_semaphore(%run_scoped3A : memref<!tpu.dma_semaphore, #tpu.memory_space<semaphore_mem>>)
      %dma_wait3A = arith.constant 0 : i32
      %dma_wait3A_21 = arith.constant 0 : i32
      %dma_wait3A_22 = tpu.memref_slice %arg5[%arg0, %dma_wait3A, %dma_wait3A_21] : memref<2x10240x128xf32, #tpu.memory_space<hbm>> -> memref<1x10240x128xf32, #tpu.memory_space<hbm>>
      %dma_wait3A_23 = tpu.memref_squeeze %dma_wait3A_22 : memref<1x10240x128xf32, #tpu.memory_space<hbm>> -> memref<10240x128xf32, #tpu.memory_space<hbm>>
      %dma_wait3A_24 = arith.constant 0 : i32
      %dma_wait3A_25 = tpu.memref_slice %dma_wait3A_23[%mul3A_0, %dma_wait3A_24] : memref<10240x128xf32, #tpu.memory_space<hbm>> -> memref<640x128xf32, #tpu.memory_space<hbm>>
      %dma_wait3A_26 = arith.constant 0 : i32
      %dma_wait3A_27 = tpu.memref_slice %arg9[%mul3A_0, %dma_wait3A_26] : memref<10240x128xf32, #tpu.memory_space<vmem_shared>> -> memref<640x128xf32, #tpu.memory_space<vmem_shared>>
      tpu.wait_dma2 semaphore(%run_scoped3A : memref<!tpu.dma_semaphore, #tpu.memory_space<semaphore_mem>>) src(%dma_wait3A_27 : memref<640x128xf32, #tpu.memory_space<vmem_shared>>) dst(%dma_wait3A_25 : memref<640x128xf32, #tpu.memory_space<hbm>>)
      tpu.yield
    }) : () -> ()
    %barrier3A_13 = arith.constant 0 : index
    tpu.barrier barrier_id(%barrier3A_13)
    return
  }
}

#map = affine_map<(d0, d1) -> (0, 0, 0)>
#map1 = affine_map<(d0, d1) -> (0, 0)>
module attributes {stable_mosaic.version = 14 : i64} {
  func.func @k(%arg0: i32, %arg1: i32, %arg2: memref<4x10240x128xf32, #tpu.memory_space<hbm>>, %arg3: memref<16x80x128xi32, #tpu.memory_space<hbm>>, %arg4: memref<16x80x128xi32, #tpu.memory_space<hbm>>, %arg5: memref<10240x128xf32, #tpu.memory_space<hbm>>, %arg6: memref<4x10240x128xf32, #tpu.memory_space<hbm>>, %arg7: memref<40x128xi32, #tpu.memory_space<vmem>>, %arg8: memref<40x128xi32, #tpu.memory_space<vmem>>, %arg9: memref<2x128x128xf32, #tpu.memory_space<vmem>>, %arg10: memref<10240x128xf32, #tpu.memory_space<vmem_shared>>, %arg11: memref<2x!tpu.dma_semaphore, #tpu.memory_space<semaphore_mem>>) attributes {dimension_semantics = [#tpu.dimension_semantics<core_parallel>, #tpu.dimension_semantics<subcore_parallel>], iteration_bounds = array<i64: 2, 16>, scalar_prefetch = 0 : i64, scratch_operands = 5 : i64, tpu.core_type = #tpu.core_type<sc_vector_subcore>, window_params = [{transform_indices = #map}, {transform_indices = #map}, {transform_indices = #map}, {transform_indices = #map1}, {transform_indices = #map}]} {
    %scan3A = arith.constant 0 : i32
    %scan3A_0 = arith.constant 2 : i32
    %scan3A_1 = arith.addi %scan3A, %scan3A_0 : i32
    %scan3A_2 = arith.constant 1 : i32
    scf.for %scan3A_4 = %scan3A to %scan3A_1 step %scan3A_2  : i32 {
      %mul3A = arith.constant 1 : i32
      %mul3A_5 = arith.muli %scan3A_4, %mul3A : i32
      %add3A = arith.constant 0 : i32
      %add3A_6 = arith.addi %add3A, %mul3A_5 : i32
      %mul3A_7 = arith.constant 2 : i32
      %mul3A_8 = arith.muli %arg0, %mul3A_7 : i32
      %add3A_9 = arith.addi %mul3A_8, %add3A_6 : i32
      %mul3A_10 = arith.constant 640 : i32
      %mul3A_11 = arith.muli %arg1, %mul3A_10 : i32
      "tpu.region"() ({
        %run_scoped3A = tpu.sem_alloc : memref<!tpu.dma_semaphore, #tpu.memory_space<semaphore_mem>>
        %dma_start3A = arith.constant 0 : i32
        %dma_start3A_34 = tpu.memref_slice %arg10[%mul3A_11, %dma_start3A] : memref<10240x128xf32, #tpu.memory_space<vmem_shared>> -> memref<640x128xf32, #tpu.memory_space<vmem_shared>>
        %dma_start3A_35 = arith.constant 0 : i32
        %dma_start3A_36 = tpu.memref_slice %arg5[%mul3A_11, %dma_start3A_35] : memref<10240x128xf32, #tpu.memory_space<hbm>> -> memref<640x128xf32, #tpu.memory_space<hbm>>
        tpu.enqueue_dma source(%dma_start3A_36 : memref<640x128xf32, #tpu.memory_space<hbm>>) target(%dma_start3A_34 : memref<640x128xf32, #tpu.memory_space<vmem_shared>>) target_semaphore(%run_scoped3A : memref<!tpu.dma_semaphore, #tpu.memory_space<semaphore_mem>>)
        %dma_wait3A = arith.constant 0 : i32
        %dma_wait3A_37 = tpu.memref_slice %arg10[%mul3A_11, %dma_wait3A] : memref<10240x128xf32, #tpu.memory_space<vmem_shared>> -> memref<640x128xf32, #tpu.memory_space<vmem_shared>>
        %dma_wait3A_38 = arith.constant 0 : i32
        %dma_wait3A_39 = tpu.memref_slice %arg5[%mul3A_11, %dma_wait3A_38] : memref<10240x128xf32, #tpu.memory_space<hbm>> -> memref<640x128xf32, #tpu.memory_space<hbm>>
        tpu.wait_dma2 semaphore(%run_scoped3A : memref<!tpu.dma_semaphore, #tpu.memory_space<semaphore_mem>>) src(%dma_wait3A_39 : memref<640x128xf32, #tpu.memory_space<hbm>>) dst(%dma_wait3A_37 : memref<640x128xf32, #tpu.memory_space<vmem_shared>>)
        tpu.yield
      }) : () -> ()
      %barrier3A = arith.constant 0 : index
      tpu.barrier barrier_id(%barrier3A)
      "tpu.region"() ({
        %run_scoped3A = tpu.sem_alloc : memref<!tpu.dma_semaphore, #tpu.memory_space<semaphore_mem>>
        %dma_start3A = arith.constant 0 : i32
        %dma_start3A_34 = arith.constant 0 : i32
        %dma_start3A_35 = tpu.memref_slice %arg3[%arg1, %dma_start3A, %dma_start3A_34] : memref<16x80x128xi32, #tpu.memory_space<hbm>> -> memref<1x40x128xi32, #tpu.memory_space<hbm>>
        %dma_start3A_36 = tpu.memref_squeeze %dma_start3A_35 : memref<1x40x128xi32, #tpu.memory_space<hbm>> -> memref<40x128xi32, #tpu.memory_space<hbm>>
        %dma_start3A_37 = arith.constant 0 : i32
        %dma_start3A_38 = arith.constant 0 : i32
        %dma_start3A_39 = tpu.memref_slice %arg3[%arg1, %dma_start3A_37, %dma_start3A_38] : memref<16x80x128xi32, #tpu.memory_space<hbm>> -> memref<1x40x128xi32, #tpu.memory_space<hbm>>
        %dma_start3A_40 = tpu.memref_squeeze %dma_start3A_39 : memref<1x40x128xi32, #tpu.memory_space<hbm>> -> memref<40x128xi32, #tpu.memory_space<hbm>>
        tpu.enqueue_dma source(%dma_start3A_40 : memref<40x128xi32, #tpu.memory_space<hbm>>) target(%arg7 : memref<40x128xi32, #tpu.memory_space<vmem>>) target_semaphore(%run_scoped3A : memref<!tpu.dma_semaphore, #tpu.memory_space<semaphore_mem>>)
        %dma_wait3A = arith.constant 0 : i32
        %dma_wait3A_41 = arith.constant 0 : i32
        %dma_wait3A_42 = tpu.memref_slice %arg3[%arg1, %dma_wait3A, %dma_wait3A_41] : memref<16x80x128xi32, #tpu.memory_space<hbm>> -> memref<1x40x128xi32, #tpu.memory_space<hbm>>
        %dma_wait3A_43 = tpu.memref_squeeze %dma_wait3A_42 : memref<1x40x128xi32, #tpu.memory_space<hbm>> -> memref<40x128xi32, #tpu.memory_space<hbm>>
        %dma_wait3A_44 = arith.constant 0 : i32
        %dma_wait3A_45 = arith.constant 0 : i32
        %dma_wait3A_46 = tpu.memref_slice %arg3[%arg1, %dma_wait3A_44, %dma_wait3A_45] : memref<16x80x128xi32, #tpu.memory_space<hbm>> -> memref<1x40x128xi32, #tpu.memory_space<hbm>>
        %dma_wait3A_47 = tpu.memref_squeeze %dma_wait3A_46 : memref<1x40x128xi32, #tpu.memory_space<hbm>> -> memref<40x128xi32, #tpu.memory_space<hbm>>
        tpu.wait_dma2 semaphore(%run_scoped3A : memref<!tpu.dma_semaphore, #tpu.memory_space<semaphore_mem>>) src(%dma_wait3A_47 : memref<40x128xi32, #tpu.memory_space<hbm>>) dst(%arg7 : memref<40x128xi32, #tpu.memory_space<vmem>>)
        tpu.yield
      }) : () -> ()
      "tpu.region"() ({
        %run_scoped3A = tpu.sem_alloc : memref<!tpu.dma_semaphore, #tpu.memory_space<semaphore_mem>>
        %dma_start3A = arith.constant 0 : i32
        %dma_start3A_34 = arith.constant 0 : i32
        %dma_start3A_35 = tpu.memref_slice %arg4[%arg1, %dma_start3A, %dma_start3A_34] : memref<16x80x128xi32, #tpu.memory_space<hbm>> -> memref<1x40x128xi32, #tpu.memory_space<hbm>>
        %dma_start3A_36 = tpu.memref_squeeze %dma_start3A_35 : memref<1x40x128xi32, #tpu.memory_space<hbm>> -> memref<40x128xi32, #tpu.memory_space<hbm>>
        %dma_start3A_37 = arith.constant 0 : i32
        %dma_start3A_38 = arith.constant 0 : i32
        %dma_start3A_39 = tpu.memref_slice %arg4[%arg1, %dma_start3A_37, %dma_start3A_38] : memref<16x80x128xi32, #tpu.memory_space<hbm>> -> memref<1x40x128xi32, #tpu.memory_space<hbm>>
        %dma_start3A_40 = tpu.memref_squeeze %dma_start3A_39 : memref<1x40x128xi32, #tpu.memory_space<hbm>> -> memref<40x128xi32, #tpu.memory_space<hbm>>
        tpu.enqueue_dma source(%dma_start3A_40 : memref<40x128xi32, #tpu.memory_space<hbm>>) target(%arg8 : memref<40x128xi32, #tpu.memory_space<vmem>>) target_semaphore(%run_scoped3A : memref<!tpu.dma_semaphore, #tpu.memory_space<semaphore_mem>>)
        %dma_wait3A = arith.constant 0 : i32
        %dma_wait3A_41 = arith.constant 0 : i32
        %dma_wait3A_42 = tpu.memref_slice %arg4[%arg1, %dma_wait3A, %dma_wait3A_41] : memref<16x80x128xi32, #tpu.memory_space<hbm>> -> memref<1x40x128xi32, #tpu.memory_space<hbm>>
        %dma_wait3A_43 = tpu.memref_squeeze %dma_wait3A_42 : memref<1x40x128xi32, #tpu.memory_space<hbm>> -> memref<40x128xi32, #tpu.memory_space<hbm>>
        %dma_wait3A_44 = arith.constant 0 : i32
        %dma_wait3A_45 = arith.constant 0 : i32
        %dma_wait3A_46 = tpu.memref_slice %arg4[%arg1, %dma_wait3A_44, %dma_wait3A_45] : memref<16x80x128xi32, #tpu.memory_space<hbm>> -> memref<1x40x128xi32, #tpu.memory_space<hbm>>
        %dma_wait3A_47 = tpu.memref_squeeze %dma_wait3A_46 : memref<1x40x128xi32, #tpu.memory_space<hbm>> -> memref<40x128xi32, #tpu.memory_space<hbm>>
        tpu.wait_dma2 semaphore(%run_scoped3A : memref<!tpu.dma_semaphore, #tpu.memory_space<semaphore_mem>>) src(%dma_wait3A_47 : memref<40x128xi32, #tpu.memory_space<hbm>>) dst(%arg8 : memref<40x128xi32, #tpu.memory_space<vmem>>)
        tpu.yield
      }) : () -> ()
      %scan3A_12 = arith.constant 0 : i32
      %scan3A_13 = arith.constant 40 : i32
      %scan3A_14 = arith.addi %scan3A_12, %scan3A_13 : i32
      %scan3A_15 = arith.constant 1 : i32
      scf.for %scan3A_34 = %scan3A_12 to %scan3A_14 step %scan3A_15  : i32 {
        %mul3A_35 = arith.constant 1 : i32
        %mul3A_36 = arith.muli %scan3A_34, %mul3A_35 : i32
        %add3A_37 = arith.constant 0 : i32
        %add3A_38 = arith.addi %add3A_37, %mul3A_36 : i32
        %rem3A = arith.constant 2 : i32
        %rem3A_39 = arith.remsi %add3A_38, %rem3A : i32
        %ge3A = arith.constant 2 : i32
        %ge3A_40 = arith.cmpi sge, %add3A_38, %ge3A : i32
        %convert_element_type3A = arith.extui %ge3A_40 : i1 to i32
        %cond3A = arith.constant 0 : i32
        %cond3A_41 = arith.cmpi ne, %convert_element_type3A, %cond3A : i32
        scf.if %cond3A_41 {
          %sub3A = arith.constant 2 : i32
          %sub3A_55 = arith.subi %add3A_38, %sub3A : i32
          %dma_wait3A = arith.constant 0 : i32
          %dma_wait3A_56 = arith.constant 0 : i32
          %dma_wait3A_57 = tpu.memref_slice %arg9[%rem3A_39, %dma_wait3A, %dma_wait3A_56] : memref<2x128x128xf32, #tpu.memory_space<vmem>> -> memref<1x128x128xf32, #tpu.memory_space<vmem>>
          %dma_wait3A_58 = tpu.memref_squeeze %dma_wait3A_57 : memref<1x128x128xf32, #tpu.memory_space<vmem>> -> memref<128x128xf32, #tpu.memory_space<vmem>>
          %dma_wait3A_59 = arith.constant 0 : i32
          %dma_wait3A_60 = tpu.memref_slice %arg8[%sub3A_55, %dma_wait3A_59] : memref<40x128xi32, #tpu.memory_space<vmem>> -> memref<1x128xi32, #tpu.memory_space<vmem>>
          %dma_wait3A_61 = tpu.memref_squeeze %dma_wait3A_60 : memref<1x128xi32, #tpu.memory_space<vmem>> -> memref<128xi32, #tpu.memory_space<vmem>>
          %dma_wait3A_62 = arith.constant 0 : i32
          %dma_wait3A_63 = arith.constant 0 : i32
          %dma_wait3A_64 = tpu.memref_slice %arg10[%dma_wait3A_62, %dma_wait3A_63] : memref<10240x128xf32, #tpu.memory_space<vmem_shared>> -> memref<10240x128xf32, #tpu.memory_space<vmem_shared>>
          %dma_wait3A_65 = tpu.memref_slice %arg11[%rem3A_39] : memref<2x!tpu.dma_semaphore, #tpu.memory_space<semaphore_mem>> -> memref<1x!tpu.dma_semaphore, #tpu.memory_space<semaphore_mem>>
          %dma_wait3A_66 = tpu.memref_squeeze %dma_wait3A_65 : memref<1x!tpu.dma_semaphore, #tpu.memory_space<semaphore_mem>> -> memref<!tpu.dma_semaphore, #tpu.memory_space<semaphore_mem>>
          tpu.wait_indirect_dma semaphore(%dma_wait3A_66 : memref<!tpu.dma_semaphore, #tpu.memory_space<semaphore_mem>>) src(%dma_wait3A_58 : memref<128x128xf32, #tpu.memory_space<vmem>>) dst(%dma_wait3A_64 : memref<10240x128xf32, #tpu.memory_space<vmem_shared>>)
        } else {
        }
        %add3A_42 = arith.constant 0 : i32
        %add3A_43 = arith.addi %add3A_42, %add3A_38 : i32
        "tpu.region"() ({
          %run_scoped3A = tpu.sem_alloc : memref<!tpu.dma_semaphore, #tpu.memory_space<semaphore_mem>>
          %dma_start3A_55 = arith.constant 0 : i32
          %dma_start3A_56 = arith.constant 0 : i32
          %dma_start3A_57 = tpu.memref_slice %arg9[%rem3A_39, %dma_start3A_55, %dma_start3A_56] : memref<2x128x128xf32, #tpu.memory_space<vmem>> -> memref<1x128x128xf32, #tpu.memory_space<vmem>>
          %dma_start3A_58 = tpu.memref_squeeze %dma_start3A_57 : memref<1x128x128xf32, #tpu.memory_space<vmem>> -> memref<128x128xf32, #tpu.memory_space<vmem>>
          %dma_start3A_59 = arith.constant 0 : i32
          %dma_start3A_60 = tpu.memref_slice %arg7[%add3A_38, %dma_start3A_59] : memref<40x128xi32, #tpu.memory_space<vmem>> -> memref<1x128xi32, #tpu.memory_space<vmem>>
          %dma_start3A_61 = tpu.memref_squeeze %dma_start3A_60 : memref<1x128xi32, #tpu.memory_space<vmem>> -> memref<128xi32, #tpu.memory_space<vmem>>
          %dma_start3A_62 = arith.constant 0 : i32
          %dma_start3A_63 = arith.constant 0 : i32
          %dma_start3A_64 = tpu.memref_slice %arg2[%add3A_9, %dma_start3A_62, %dma_start3A_63] : memref<4x10240x128xf32, #tpu.memory_space<hbm>> -> memref<1x10240x128xf32, #tpu.memory_space<hbm>>
          %dma_start3A_65 = tpu.memref_squeeze %dma_start3A_64 : memref<1x10240x128xf32, #tpu.memory_space<hbm>> -> memref<10240x128xf32, #tpu.memory_space<hbm>>
          %dma_start3A_66 = arith.constant 0 : i32
          %dma_start3A_67 = arith.constant 0 : i32
          %dma_start3A_68 = tpu.memref_slice %dma_start3A_65[%dma_start3A_66, %dma_start3A_67] : memref<10240x128xf32, #tpu.memory_space<hbm>> -> memref<10240x128xf32, #tpu.memory_space<hbm>>
          tpu.enqueue_indirect_dma source(%dma_start3A_68 : memref<10240x128xf32, #tpu.memory_space<hbm>>) target(%dma_start3A_58 : memref<128x128xf32, #tpu.memory_space<vmem>>) offsets(%dma_start3A_61 : memref<128xi32, #tpu.memory_space<vmem>>) semaphore(%run_scoped3A : memref<!tpu.dma_semaphore, #tpu.memory_space<semaphore_mem>>)
          %dma_wait3A = arith.constant 0 : i32
          %dma_wait3A_69 = arith.constant 0 : i32
          %dma_wait3A_70 = tpu.memref_slice %arg9[%rem3A_39, %dma_wait3A, %dma_wait3A_69] : memref<2x128x128xf32, #tpu.memory_space<vmem>> -> memref<1x128x128xf32, #tpu.memory_space<vmem>>
          %dma_wait3A_71 = tpu.memref_squeeze %dma_wait3A_70 : memref<1x128x128xf32, #tpu.memory_space<vmem>> -> memref<128x128xf32, #tpu.memory_space<vmem>>
          %dma_wait3A_72 = arith.constant 0 : i32
          %dma_wait3A_73 = tpu.memref_slice %arg7[%add3A_38, %dma_wait3A_72] : memref<40x128xi32, #tpu.memory_space<vmem>> -> memref<1x128xi32, #tpu.memory_space<vmem>>
          %dma_wait3A_74 = tpu.memref_squeeze %dma_wait3A_73 : memref<1x128xi32, #tpu.memory_space<vmem>> -> memref<128xi32, #tpu.memory_space<vmem>>
          %dma_wait3A_75 = arith.constant 0 : i32
          %dma_wait3A_76 = arith.constant 0 : i32
          %dma_wait3A_77 = tpu.memref_slice %arg2[%add3A_9, %dma_wait3A_75, %dma_wait3A_76] : memref<4x10240x128xf32, #tpu.memory_space<hbm>> -> memref<1x10240x128xf32, #tpu.memory_space<hbm>>
          %dma_wait3A_78 = tpu.memref_squeeze %dma_wait3A_77 : memref<1x10240x128xf32, #tpu.memory_space<hbm>> -> memref<10240x128xf32, #tpu.memory_space<hbm>>
          %dma_wait3A_79 = arith.constant 0 : i32
          %dma_wait3A_80 = arith.constant 0 : i32
          %dma_wait3A_81 = tpu.memref_slice %dma_wait3A_78[%dma_wait3A_79, %dma_wait3A_80] : memref<10240x128xf32, #tpu.memory_space<hbm>> -> memref<10240x128xf32, #tpu.memory_space<hbm>>
          tpu.wait_indirect_dma semaphore(%run_scoped3A : memref<!tpu.dma_semaphore, #tpu.memory_space<semaphore_mem>>) src(%dma_wait3A_81 : memref<10240x128xf32, #tpu.memory_space<hbm>>) dst(%dma_wait3A_71 : memref<128x128xf32, #tpu.memory_space<vmem>>)
          tpu.yield
        }) : () -> ()
        %dma_start3A = arith.constant 0 : i32
        %dma_start3A_44 = arith.constant 0 : i32
        %dma_start3A_45 = tpu.memref_slice %arg9[%rem3A_39, %dma_start3A, %dma_start3A_44] : memref<2x128x128xf32, #tpu.memory_space<vmem>> -> memref<1x128x128xf32, #tpu.memory_space<vmem>>
        %dma_start3A_46 = tpu.memref_squeeze %dma_start3A_45 : memref<1x128x128xf32, #tpu.memory_space<vmem>> -> memref<128x128xf32, #tpu.memory_space<vmem>>
        %dma_start3A_47 = arith.constant 0 : i32
        %dma_start3A_48 = tpu.memref_slice %arg8[%add3A_38, %dma_start3A_47] : memref<40x128xi32, #tpu.memory_space<vmem>> -> memref<1x128xi32, #tpu.memory_space<vmem>>
        %dma_start3A_49 = tpu.memref_squeeze %dma_start3A_48 : memref<1x128xi32, #tpu.memory_space<vmem>> -> memref<128xi32, #tpu.memory_space<vmem>>
        %dma_start3A_50 = arith.constant 0 : i32
        %dma_start3A_51 = arith.constant 0 : i32
        %dma_start3A_52 = tpu.memref_slice %arg10[%dma_start3A_50, %dma_start3A_51] : memref<10240x128xf32, #tpu.memory_space<vmem_shared>> -> memref<10240x128xf32, #tpu.memory_space<vmem_shared>>
        %dma_start3A_53 = tpu.memref_slice %arg11[%rem3A_39] : memref<2x!tpu.dma_semaphore, #tpu.memory_space<semaphore_mem>> -> memref<1x!tpu.dma_semaphore, #tpu.memory_space<semaphore_mem>>
        %dma_start3A_54 = tpu.memref_squeeze %dma_start3A_53 : memref<1x!tpu.dma_semaphore, #tpu.memory_space<semaphore_mem>> -> memref<!tpu.dma_semaphore, #tpu.memory_space<semaphore_mem>>
        tpu.enqueue_indirect_dma source(%dma_start3A_46 : memref<128x128xf32, #tpu.memory_space<vmem>>) target(%dma_start3A_52 : memref<10240x128xf32, #tpu.memory_space<vmem_shared>>) offsets(%dma_start3A_49 : memref<128xi32, #tpu.memory_space<vmem>>) semaphore(%dma_start3A_54 : memref<!tpu.dma_semaphore, #tpu.memory_space<semaphore_mem>>) {add = true}
      }
      %scan3A_16 = arith.constant 40 : i32
      %scan3A_17 = arith.constant 0 : i32
      %scan3A_18 = arith.constant 2 : i32
      %scan3A_19 = arith.addi %scan3A_17, %scan3A_18 : i32
      %scan3A_20 = arith.constant 1 : i32
      scf.for %scan3A_34 = %scan3A_17 to %scan3A_19 step %scan3A_20  : i32 {
        %mul3A_35 = arith.constant 1 : i32
        %mul3A_36 = arith.muli %scan3A_34, %mul3A_35 : i32
        %add3A_37 = arith.constant 0 : i32
        %add3A_38 = arith.addi %add3A_37, %mul3A_36 : i32
        %add3A_39 = arith.constant 38 : i32
        %add3A_40 = arith.addi %add3A_39, %add3A_38 : i32
        %rem3A = arith.constant 2 : i32
        %rem3A_41 = arith.remsi %add3A_40, %rem3A : i32
        %dma_wait3A = arith.constant 0 : i32
        %dma_wait3A_42 = arith.constant 0 : i32
        %dma_wait3A_43 = tpu.memref_slice %arg9[%rem3A_41, %dma_wait3A, %dma_wait3A_42] : memref<2x128x128xf32, #tpu.memory_space<vmem>> -> memref<1x128x128xf32, #tpu.memory_space<vmem>>
        %dma_wait3A_44 = tpu.memref_squeeze %dma_wait3A_43 : memref<1x128x128xf32, #tpu.memory_space<vmem>> -> memref<128x128xf32, #tpu.memory_space<vmem>>
        %dma_wait3A_45 = arith.constant 0 : i32
        %dma_wait3A_46 = tpu.memref_slice %arg8[%add3A_40, %dma_wait3A_45] : memref<40x128xi32, #tpu.memory_space<vmem>> -> memref<1x128xi32, #tpu.memory_space<vmem>>
        %dma_wait3A_47 = tpu.memref_squeeze %dma_wait3A_46 : memref<1x128xi32, #tpu.memory_space<vmem>> -> memref<128xi32, #tpu.memory_space<vmem>>
        %dma_wait3A_48 = arith.constant 0 : i32
        %dma_wait3A_49 = arith.constant 0 : i32
        %dma_wait3A_50 = tpu.memref_slice %arg10[%dma_wait3A_48, %dma_wait3A_49] : memref<10240x128xf32, #tpu.memory_space<vmem_shared>> -> memref<10240x128xf32, #tpu.memory_space<vmem_shared>>
        %dma_wait3A_51 = tpu.memref_slice %arg11[%rem3A_41] : memref<2x!tpu.dma_semaphore, #tpu.memory_space<semaphore_mem>> -> memref<1x!tpu.dma_semaphore, #tpu.memory_space<semaphore_mem>>
        %dma_wait3A_52 = tpu.memref_squeeze %dma_wait3A_51 : memref<1x!tpu.dma_semaphore, #tpu.memory_space<semaphore_mem>> -> memref<!tpu.dma_semaphore, #tpu.memory_space<semaphore_mem>>
        tpu.wait_indirect_dma semaphore(%dma_wait3A_52 : memref<!tpu.dma_semaphore, #tpu.memory_space<semaphore_mem>>) src(%dma_wait3A_44 : memref<128x128xf32, #tpu.memory_space<vmem>>) dst(%dma_wait3A_50 : memref<10240x128xf32, #tpu.memory_space<vmem_shared>>)
      }
      %scan3A_21 = arith.constant 2 : i32
      "tpu.region"() ({
        %run_scoped3A = tpu.sem_alloc : memref<!tpu.dma_semaphore, #tpu.memory_space<semaphore_mem>>
        %dma_start3A = arith.constant 40 : i32
        %dma_start3A_34 = arith.constant 0 : i32
        %dma_start3A_35 = tpu.memref_slice %arg3[%arg1, %dma_start3A, %dma_start3A_34] : memref<16x80x128xi32, #tpu.memory_space<hbm>> -> memref<1x40x128xi32, #tpu.memory_space<hbm>>
        %dma_start3A_36 = tpu.memref_squeeze %dma_start3A_35 : memref<1x40x128xi32, #tpu.memory_space<hbm>> -> memref<40x128xi32, #tpu.memory_space<hbm>>
        %dma_start3A_37 = arith.constant 40 : i32
        %dma_start3A_38 = arith.constant 0 : i32
        %dma_start3A_39 = tpu.memref_slice %arg3[%arg1, %dma_start3A_37, %dma_start3A_38] : memref<16x80x128xi32, #tpu.memory_space<hbm>> -> memref<1x40x128xi32, #tpu.memory_space<hbm>>
        %dma_start3A_40 = tpu.memref_squeeze %dma_start3A_39 : memref<1x40x128xi32, #tpu.memory_space<hbm>> -> memref<40x128xi32, #tpu.memory_space<hbm>>
        tpu.enqueue_dma source(%dma_start3A_40 : memref<40x128xi32, #tpu.memory_space<hbm>>) target(%arg7 : memref<40x128xi32, #tpu.memory_space<vmem>>) target_semaphore(%run_scoped3A : memref<!tpu.dma_semaphore, #tpu.memory_space<semaphore_mem>>)
        %dma_wait3A = arith.constant 40 : i32
        %dma_wait3A_41 = arith.constant 0 : i32
        %dma_wait3A_42 = tpu.memref_slice %arg3[%arg1, %dma_wait3A, %dma_wait3A_41] : memref<16x80x128xi32, #tpu.memory_space<hbm>> -> memref<1x40x128xi32, #tpu.memory_space<hbm>>
        %dma_wait3A_43 = tpu.memref_squeeze %dma_wait3A_42 : memref<1x40x128xi32, #tpu.memory_space<hbm>> -> memref<40x128xi32, #tpu.memory_space<hbm>>
        %dma_wait3A_44 = arith.constant 40 : i32
        %dma_wait3A_45 = arith.constant 0 : i32
        %dma_wait3A_46 = tpu.memref_slice %arg3[%arg1, %dma_wait3A_44, %dma_wait3A_45] : memref<16x80x128xi32, #tpu.memory_space<hbm>> -> memref<1x40x128xi32, #tpu.memory_space<hbm>>
        %dma_wait3A_47 = tpu.memref_squeeze %dma_wait3A_46 : memref<1x40x128xi32, #tpu.memory_space<hbm>> -> memref<40x128xi32, #tpu.memory_space<hbm>>
        tpu.wait_dma2 semaphore(%run_scoped3A : memref<!tpu.dma_semaphore, #tpu.memory_space<semaphore_mem>>) src(%dma_wait3A_47 : memref<40x128xi32, #tpu.memory_space<hbm>>) dst(%arg7 : memref<40x128xi32, #tpu.memory_space<vmem>>)
        tpu.yield
      }) : () -> ()
      "tpu.region"() ({
        %run_scoped3A = tpu.sem_alloc : memref<!tpu.dma_semaphore, #tpu.memory_space<semaphore_mem>>
        %dma_start3A = arith.constant 40 : i32
        %dma_start3A_34 = arith.constant 0 : i32
        %dma_start3A_35 = tpu.memref_slice %arg4[%arg1, %dma_start3A, %dma_start3A_34] : memref<16x80x128xi32, #tpu.memory_space<hbm>> -> memref<1x40x128xi32, #tpu.memory_space<hbm>>
        %dma_start3A_36 = tpu.memref_squeeze %dma_start3A_35 : memref<1x40x128xi32, #tpu.memory_space<hbm>> -> memref<40x128xi32, #tpu.memory_space<hbm>>
        %dma_start3A_37 = arith.constant 40 : i32
        %dma_start3A_38 = arith.constant 0 : i32
        %dma_start3A_39 = tpu.memref_slice %arg4[%arg1, %dma_start3A_37, %dma_start3A_38] : memref<16x80x128xi32, #tpu.memory_space<hbm>> -> memref<1x40x128xi32, #tpu.memory_space<hbm>>
        %dma_start3A_40 = tpu.memref_squeeze %dma_start3A_39 : memref<1x40x128xi32, #tpu.memory_space<hbm>> -> memref<40x128xi32, #tpu.memory_space<hbm>>
        tpu.enqueue_dma source(%dma_start3A_40 : memref<40x128xi32, #tpu.memory_space<hbm>>) target(%arg8 : memref<40x128xi32, #tpu.memory_space<vmem>>) target_semaphore(%run_scoped3A : memref<!tpu.dma_semaphore, #tpu.memory_space<semaphore_mem>>)
        %dma_wait3A = arith.constant 40 : i32
        %dma_wait3A_41 = arith.constant 0 : i32
        %dma_wait3A_42 = tpu.memref_slice %arg4[%arg1, %dma_wait3A, %dma_wait3A_41] : memref<16x80x128xi32, #tpu.memory_space<hbm>> -> memref<1x40x128xi32, #tpu.memory_space<hbm>>
        %dma_wait3A_43 = tpu.memref_squeeze %dma_wait3A_42 : memref<1x40x128xi32, #tpu.memory_space<hbm>> -> memref<40x128xi32, #tpu.memory_space<hbm>>
        %dma_wait3A_44 = arith.constant 40 : i32
        %dma_wait3A_45 = arith.constant 0 : i32
        %dma_wait3A_46 = tpu.memref_slice %arg4[%arg1, %dma_wait3A_44, %dma_wait3A_45] : memref<16x80x128xi32, #tpu.memory_space<hbm>> -> memref<1x40x128xi32, #tpu.memory_space<hbm>>
        %dma_wait3A_47 = tpu.memref_squeeze %dma_wait3A_46 : memref<1x40x128xi32, #tpu.memory_space<hbm>> -> memref<40x128xi32, #tpu.memory_space<hbm>>
        tpu.wait_dma2 semaphore(%run_scoped3A : memref<!tpu.dma_semaphore, #tpu.memory_space<semaphore_mem>>) src(%dma_wait3A_47 : memref<40x128xi32, #tpu.memory_space<hbm>>) dst(%arg8 : memref<40x128xi32, #tpu.memory_space<vmem>>)
        tpu.yield
      }) : () -> ()
      %scan3A_22 = arith.constant 0 : i32
      %scan3A_23 = arith.constant 40 : i32
      %scan3A_24 = arith.addi %scan3A_22, %scan3A_23 : i32
      %scan3A_25 = arith.constant 1 : i32
      scf.for %scan3A_34 = %scan3A_22 to %scan3A_24 step %scan3A_25  : i32 {
        %mul3A_35 = arith.constant 1 : i32
        %mul3A_36 = arith.muli %scan3A_34, %mul3A_35 : i32
        %add3A_37 = arith.constant 0 : i32
        %add3A_38 = arith.addi %add3A_37, %mul3A_36 : i32
        %rem3A = arith.constant 2 : i32
        %rem3A_39 = arith.remsi %add3A_38, %rem3A : i32
        %ge3A = arith.constant 2 : i32
        %ge3A_40 = arith.cmpi sge, %add3A_38, %ge3A : i32
        %convert_element_type3A = arith.extui %ge3A_40 : i1 to i32
        %cond3A = arith.constant 0 : i32
        %cond3A_41 = arith.cmpi ne, %convert_element_type3A, %cond3A : i32
        scf.if %cond3A_41 {
          %sub3A = arith.constant 2 : i32
          %sub3A_55 = arith.subi %add3A_38, %sub3A : i32
          %dma_wait3A = arith.constant 0 : i32
          %dma_wait3A_56 = arith.constant 0 : i32
          %dma_wait3A_57 = tpu.memref_slice %arg9[%rem3A_39, %dma_wait3A, %dma_wait3A_56] : memref<2x128x128xf32, #tpu.memory_space<vmem>> -> memref<1x128x128xf32, #tpu.memory_space<vmem>>
          %dma_wait3A_58 = tpu.memref_squeeze %dma_wait3A_57 : memref<1x128x128xf32, #tpu.memory_space<vmem>> -> memref<128x128xf32, #tpu.memory_space<vmem>>
          %dma_wait3A_59 = arith.constant 0 : i32
          %dma_wait3A_60 = tpu.memref_slice %arg8[%sub3A_55, %dma_wait3A_59] : memref<40x128xi32, #tpu.memory_space<vmem>> -> memref<1x128xi32, #tpu.memory_space<vmem>>
          %dma_wait3A_61 = tpu.memref_squeeze %dma_wait3A_60 : memref<1x128xi32, #tpu.memory_space<vmem>> -> memref<128xi32, #tpu.memory_space<vmem>>
          %dma_wait3A_62 = arith.constant 0 : i32
          %dma_wait3A_63 = arith.constant 0 : i32
          %dma_wait3A_64 = tpu.memref_slice %arg10[%dma_wait3A_62, %dma_wait3A_63] : memref<10240x128xf32, #tpu.memory_space<vmem_shared>> -> memref<10240x128xf32, #tpu.memory_space<vmem_shared>>
          %dma_wait3A_65 = tpu.memref_slice %arg11[%rem3A_39] : memref<2x!tpu.dma_semaphore, #tpu.memory_space<semaphore_mem>> -> memref<1x!tpu.dma_semaphore, #tpu.memory_space<semaphore_mem>>
          %dma_wait3A_66 = tpu.memref_squeeze %dma_wait3A_65 : memref<1x!tpu.dma_semaphore, #tpu.memory_space<semaphore_mem>> -> memref<!tpu.dma_semaphore, #tpu.memory_space<semaphore_mem>>
          tpu.wait_indirect_dma semaphore(%dma_wait3A_66 : memref<!tpu.dma_semaphore, #tpu.memory_space<semaphore_mem>>) src(%dma_wait3A_58 : memref<128x128xf32, #tpu.memory_space<vmem>>) dst(%dma_wait3A_64 : memref<10240x128xf32, #tpu.memory_space<vmem_shared>>)
        } else {
        }
        %add3A_42 = arith.constant 40 : i32
        %add3A_43 = arith.addi %add3A_42, %add3A_38 : i32
        "tpu.region"() ({
          %run_scoped3A = tpu.sem_alloc : memref<!tpu.dma_semaphore, #tpu.memory_space<semaphore_mem>>
          %dma_start3A_55 = arith.constant 0 : i32
          %dma_start3A_56 = arith.constant 0 : i32
          %dma_start3A_57 = tpu.memref_slice %arg9[%rem3A_39, %dma_start3A_55, %dma_start3A_56] : memref<2x128x128xf32, #tpu.memory_space<vmem>> -> memref<1x128x128xf32, #tpu.memory_space<vmem>>
          %dma_start3A_58 = tpu.memref_squeeze %dma_start3A_57 : memref<1x128x128xf32, #tpu.memory_space<vmem>> -> memref<128x128xf32, #tpu.memory_space<vmem>>
          %dma_start3A_59 = arith.constant 0 : i32
          %dma_start3A_60 = tpu.memref_slice %arg7[%add3A_38, %dma_start3A_59] : memref<40x128xi32, #tpu.memory_space<vmem>> -> memref<1x128xi32, #tpu.memory_space<vmem>>
          %dma_start3A_61 = tpu.memref_squeeze %dma_start3A_60 : memref<1x128xi32, #tpu.memory_space<vmem>> -> memref<128xi32, #tpu.memory_space<vmem>>
          %dma_start3A_62 = arith.constant 0 : i32
          %dma_start3A_63 = arith.constant 0 : i32
          %dma_start3A_64 = tpu.memref_slice %arg2[%add3A_9, %dma_start3A_62, %dma_start3A_63] : memref<4x10240x128xf32, #tpu.memory_space<hbm>> -> memref<1x10240x128xf32, #tpu.memory_space<hbm>>
          %dma_start3A_65 = tpu.memref_squeeze %dma_start3A_64 : memref<1x10240x128xf32, #tpu.memory_space<hbm>> -> memref<10240x128xf32, #tpu.memory_space<hbm>>
          %dma_start3A_66 = arith.constant 0 : i32
          %dma_start3A_67 = arith.constant 0 : i32
          %dma_start3A_68 = tpu.memref_slice %dma_start3A_65[%dma_start3A_66, %dma_start3A_67] : memref<10240x128xf32, #tpu.memory_space<hbm>> -> memref<10240x128xf32, #tpu.memory_space<hbm>>
          tpu.enqueue_indirect_dma source(%dma_start3A_68 : memref<10240x128xf32, #tpu.memory_space<hbm>>) target(%dma_start3A_58 : memref<128x128xf32, #tpu.memory_space<vmem>>) offsets(%dma_start3A_61 : memref<128xi32, #tpu.memory_space<vmem>>) semaphore(%run_scoped3A : memref<!tpu.dma_semaphore, #tpu.memory_space<semaphore_mem>>)
          %dma_wait3A = arith.constant 0 : i32
          %dma_wait3A_69 = arith.constant 0 : i32
          %dma_wait3A_70 = tpu.memref_slice %arg9[%rem3A_39, %dma_wait3A, %dma_wait3A_69] : memref<2x128x128xf32, #tpu.memory_space<vmem>> -> memref<1x128x128xf32, #tpu.memory_space<vmem>>
          %dma_wait3A_71 = tpu.memref_squeeze %dma_wait3A_70 : memref<1x128x128xf32, #tpu.memory_space<vmem>> -> memref<128x128xf32, #tpu.memory_space<vmem>>
          %dma_wait3A_72 = arith.constant 0 : i32
          %dma_wait3A_73 = tpu.memref_slice %arg7[%add3A_38, %dma_wait3A_72] : memref<40x128xi32, #tpu.memory_space<vmem>> -> memref<1x128xi32, #tpu.memory_space<vmem>>
          %dma_wait3A_74 = tpu.memref_squeeze %dma_wait3A_73 : memref<1x128xi32, #tpu.memory_space<vmem>> -> memref<128xi32, #tpu.memory_space<vmem>>
          %dma_wait3A_75 = arith.constant 0 : i32
          %dma_wait3A_76 = arith.constant 0 : i32
          %dma_wait3A_77 = tpu.memref_slice %arg2[%add3A_9, %dma_wait3A_75, %dma_wait3A_76] : memref<4x10240x128xf32, #tpu.memory_space<hbm>> -> memref<1x10240x128xf32, #tpu.memory_space<hbm>>
          %dma_wait3A_78 = tpu.memref_squeeze %dma_wait3A_77 : memref<1x10240x128xf32, #tpu.memory_space<hbm>> -> memref<10240x128xf32, #tpu.memory_space<hbm>>
          %dma_wait3A_79 = arith.constant 0 : i32
          %dma_wait3A_80 = arith.constant 0 : i32
          %dma_wait3A_81 = tpu.memref_slice %dma_wait3A_78[%dma_wait3A_79, %dma_wait3A_80] : memref<10240x128xf32, #tpu.memory_space<hbm>> -> memref<10240x128xf32, #tpu.memory_space<hbm>>
          tpu.wait_indirect_dma semaphore(%run_scoped3A : memref<!tpu.dma_semaphore, #tpu.memory_space<semaphore_mem>>) src(%dma_wait3A_81 : memref<10240x128xf32, #tpu.memory_space<hbm>>) dst(%dma_wait3A_71 : memref<128x128xf32, #tpu.memory_space<vmem>>)
          tpu.yield
        }) : () -> ()
        %dma_start3A = arith.constant 0 : i32
        %dma_start3A_44 = arith.constant 0 : i32
        %dma_start3A_45 = tpu.memref_slice %arg9[%rem3A_39, %dma_start3A, %dma_start3A_44] : memref<2x128x128xf32, #tpu.memory_space<vmem>> -> memref<1x128x128xf32, #tpu.memory_space<vmem>>
        %dma_start3A_46 = tpu.memref_squeeze %dma_start3A_45 : memref<1x128x128xf32, #tpu.memory_space<vmem>> -> memref<128x128xf32, #tpu.memory_space<vmem>>
        %dma_start3A_47 = arith.constant 0 : i32
        %dma_start3A_48 = tpu.memref_slice %arg8[%add3A_38, %dma_start3A_47] : memref<40x128xi32, #tpu.memory_space<vmem>> -> memref<1x128xi32, #tpu.memory_space<vmem>>
        %dma_start3A_49 = tpu.memref_squeeze %dma_start3A_48 : memref<1x128xi32, #tpu.memory_space<vmem>> -> memref<128xi32, #tpu.memory_space<vmem>>
        %dma_start3A_50 = arith.constant 0 : i32
        %dma_start3A_51 = arith.constant 0 : i32
        %dma_start3A_52 = tpu.memref_slice %arg10[%dma_start3A_50, %dma_start3A_51] : memref<10240x128xf32, #tpu.memory_space<vmem_shared>> -> memref<10240x128xf32, #tpu.memory_space<vmem_shared>>
        %dma_start3A_53 = tpu.memref_slice %arg11[%rem3A_39] : memref<2x!tpu.dma_semaphore, #tpu.memory_space<semaphore_mem>> -> memref<1x!tpu.dma_semaphore, #tpu.memory_space<semaphore_mem>>
        %dma_start3A_54 = tpu.memref_squeeze %dma_start3A_53 : memref<1x!tpu.dma_semaphore, #tpu.memory_space<semaphore_mem>> -> memref<!tpu.dma_semaphore, #tpu.memory_space<semaphore_mem>>
        tpu.enqueue_indirect_dma source(%dma_start3A_46 : memref<128x128xf32, #tpu.memory_space<vmem>>) target(%dma_start3A_52 : memref<10240x128xf32, #tpu.memory_space<vmem_shared>>) offsets(%dma_start3A_49 : memref<128xi32, #tpu.memory_space<vmem>>) semaphore(%dma_start3A_54 : memref<!tpu.dma_semaphore, #tpu.memory_space<semaphore_mem>>) {add = true}
      }
      %scan3A_26 = arith.constant 40 : i32
      %scan3A_27 = arith.constant 0 : i32
      %scan3A_28 = arith.constant 2 : i32
      %scan3A_29 = arith.addi %scan3A_27, %scan3A_28 : i32
      %scan3A_30 = arith.constant 1 : i32
      scf.for %scan3A_34 = %scan3A_27 to %scan3A_29 step %scan3A_30  : i32 {
        %mul3A_35 = arith.constant 1 : i32
        %mul3A_36 = arith.muli %scan3A_34, %mul3A_35 : i32
        %add3A_37 = arith.constant 0 : i32
        %add3A_38 = arith.addi %add3A_37, %mul3A_36 : i32
        %add3A_39 = arith.constant 38 : i32
        %add3A_40 = arith.addi %add3A_39, %add3A_38 : i32
        %rem3A = arith.constant 2 : i32
        %rem3A_41 = arith.remsi %add3A_40, %rem3A : i32
        %dma_wait3A = arith.constant 0 : i32
        %dma_wait3A_42 = arith.constant 0 : i32
        %dma_wait3A_43 = tpu.memref_slice %arg9[%rem3A_41, %dma_wait3A, %dma_wait3A_42] : memref<2x128x128xf32, #tpu.memory_space<vmem>> -> memref<1x128x128xf32, #tpu.memory_space<vmem>>
        %dma_wait3A_44 = tpu.memref_squeeze %dma_wait3A_43 : memref<1x128x128xf32, #tpu.memory_space<vmem>> -> memref<128x128xf32, #tpu.memory_space<vmem>>
        %dma_wait3A_45 = arith.constant 0 : i32
        %dma_wait3A_46 = tpu.memref_slice %arg8[%add3A_40, %dma_wait3A_45] : memref<40x128xi32, #tpu.memory_space<vmem>> -> memref<1x128xi32, #tpu.memory_space<vmem>>
        %dma_wait3A_47 = tpu.memref_squeeze %dma_wait3A_46 : memref<1x128xi32, #tpu.memory_space<vmem>> -> memref<128xi32, #tpu.memory_space<vmem>>
        %dma_wait3A_48 = arith.constant 0 : i32
        %dma_wait3A_49 = arith.constant 0 : i32
        %dma_wait3A_50 = tpu.memref_slice %arg10[%dma_wait3A_48, %dma_wait3A_49] : memref<10240x128xf32, #tpu.memory_space<vmem_shared>> -> memref<10240x128xf32, #tpu.memory_space<vmem_shared>>
        %dma_wait3A_51 = tpu.memref_slice %arg11[%rem3A_41] : memref<2x!tpu.dma_semaphore, #tpu.memory_space<semaphore_mem>> -> memref<1x!tpu.dma_semaphore, #tpu.memory_space<semaphore_mem>>
        %dma_wait3A_52 = tpu.memref_squeeze %dma_wait3A_51 : memref<1x!tpu.dma_semaphore, #tpu.memory_space<semaphore_mem>> -> memref<!tpu.dma_semaphore, #tpu.memory_space<semaphore_mem>>
        tpu.wait_indirect_dma semaphore(%dma_wait3A_52 : memref<!tpu.dma_semaphore, #tpu.memory_space<semaphore_mem>>) src(%dma_wait3A_44 : memref<128x128xf32, #tpu.memory_space<vmem>>) dst(%dma_wait3A_50 : memref<10240x128xf32, #tpu.memory_space<vmem_shared>>)
      }
      %scan3A_31 = arith.constant 2 : i32
      %barrier3A_32 = arith.constant 0 : index
      tpu.barrier barrier_id(%barrier3A_32)
      "tpu.region"() ({
        %run_scoped3A = tpu.sem_alloc : memref<!tpu.dma_semaphore, #tpu.memory_space<semaphore_mem>>
        %dma_start3A = arith.constant 0 : i32
        %dma_start3A_34 = arith.constant 0 : i32
        %dma_start3A_35 = tpu.memref_slice %arg6[%add3A_9, %dma_start3A, %dma_start3A_34] : memref<4x10240x128xf32, #tpu.memory_space<hbm>> -> memref<1x10240x128xf32, #tpu.memory_space<hbm>>
        %dma_start3A_36 = tpu.memref_squeeze %dma_start3A_35 : memref<1x10240x128xf32, #tpu.memory_space<hbm>> -> memref<10240x128xf32, #tpu.memory_space<hbm>>
        %dma_start3A_37 = arith.constant 0 : i32
        %dma_start3A_38 = tpu.memref_slice %dma_start3A_36[%mul3A_11, %dma_start3A_37] : memref<10240x128xf32, #tpu.memory_space<hbm>> -> memref<640x128xf32, #tpu.memory_space<hbm>>
        %dma_start3A_39 = arith.constant 0 : i32
        %dma_start3A_40 = tpu.memref_slice %arg10[%mul3A_11, %dma_start3A_39] : memref<10240x128xf32, #tpu.memory_space<vmem_shared>> -> memref<640x128xf32, #tpu.memory_space<vmem_shared>>
        tpu.enqueue_dma source(%dma_start3A_40 : memref<640x128xf32, #tpu.memory_space<vmem_shared>>) target(%dma_start3A_38 : memref<640x128xf32, #tpu.memory_space<hbm>>) target_semaphore(%run_scoped3A : memref<!tpu.dma_semaphore, #tpu.memory_space<semaphore_mem>>)
        %dma_wait3A = arith.constant 0 : i32
        %dma_wait3A_41 = arith.constant 0 : i32
        %dma_wait3A_42 = tpu.memref_slice %arg6[%add3A_9, %dma_wait3A, %dma_wait3A_41] : memref<4x10240x128xf32, #tpu.memory_space<hbm>> -> memref<1x10240x128xf32, #tpu.memory_space<hbm>>
        %dma_wait3A_43 = tpu.memref_squeeze %dma_wait3A_42 : memref<1x10240x128xf32, #tpu.memory_space<hbm>> -> memref<10240x128xf32, #tpu.memory_space<hbm>>
        %dma_wait3A_44 = arith.constant 0 : i32
        %dma_wait3A_45 = tpu.memref_slice %dma_wait3A_43[%mul3A_11, %dma_wait3A_44] : memref<10240x128xf32, #tpu.memory_space<hbm>> -> memref<640x128xf32, #tpu.memory_space<hbm>>
        %dma_wait3A_46 = arith.constant 0 : i32
        %dma_wait3A_47 = tpu.memref_slice %arg10[%mul3A_11, %dma_wait3A_46] : memref<10240x128xf32, #tpu.memory_space<vmem_shared>> -> memref<640x128xf32, #tpu.memory_space<vmem_shared>>
        tpu.wait_dma2 semaphore(%run_scoped3A : memref<!tpu.dma_semaphore, #tpu.memory_space<semaphore_mem>>) src(%dma_wait3A_47 : memref<640x128xf32, #tpu.memory_space<vmem_shared>>) dst(%dma_wait3A_45 : memref<640x128xf32, #tpu.memory_space<hbm>>)
        tpu.yield
      }) : () -> ()
      %barrier3A_33 = arith.constant 0 : index
      tpu.barrier barrier_id(%barrier3A_33)
    }
    %scan3A_3 = arith.constant 2 : i32
    return
  }
}

module attributes {stable_mosaic.version = 14 : i64} {
  func.func @body(%arg0: i32, %arg1: memref<2x512x128xf32, #tpu.memory_space<vmem>>, %arg2: memref<2x512x128xf32, #tpu.memory_space<vmem>>, %arg3: memref<2x512x128xf32, #tpu.memory_space<vmem>>, %arg4: memref<256x512xf32, #tpu.memory_space<vmem>>, %arg5: memref<256x512xf32, #tpu.memory_space<vmem>>, %arg6: memref<128x512xf32, #tpu.memory_space<vmem>>, %arg7: memref<1x512xf32, #tpu.memory_space<vmem>>, %arg8: memref<4x512x128xf32, #tpu.memory_space<vmem>>) attributes {dimension_semantics = [#tpu.dimension_semantics<arbitrary>], iteration_bounds = array<i64: 20>, scalar_prefetch = 0 : i64, scratch_operands = 0 : i64, tpu.core_type = #tpu.core_type<tc>, window_params = [{transform_indices = @transform_0, window_bounds = array<i64: 2, 512, 128>}, {transform_indices = @transform_1, window_bounds = array<i64: 2, 512, 128>}, {transform_indices = @transform_2, window_bounds = array<i64: 2, 512, 128>}, {pipeline_mode = #tpu.pipeline_mode<synchronous>, transform_indices = @transform_3, window_bounds = array<i64: 256, 512>}, {pipeline_mode = #tpu.pipeline_mode<synchronous>, transform_indices = @transform_4, window_bounds = array<i64: 256, 512>}, {pipeline_mode = #tpu.pipeline_mode<synchronous>, transform_indices = @transform_5, window_bounds = array<i64: 128, 512>}, {pipeline_mode = #tpu.pipeline_mode<synchronous>, transform_indices = @transform_6, window_bounds = array<i64: 1, 512>}, {transform_indices = @transform_7, window_bounds = array<i64: 4, 512, 128>}]} {
    %get3A = arith.constant 0 : index
    %get3A_0 = arith.constant 0 : index
    %get3A_1 = arith.constant 0 : index
    %get3A_2 = vector.load %arg3[%get3A, %get3A_0, %get3A_1] : memref<2x512x128xf32, #tpu.memory_space<vmem>>, vector<1x512x128xf32>
    %get3A_3 = vector.shape_cast %get3A_2 : vector<1x512x128xf32> to vector<512x128xf32>
    %get3A_4 = arith.constant 1 : index
    %get3A_5 = arith.constant 0 : index
    %get3A_6 = arith.constant 0 : index
    %get3A_7 = vector.load %arg3[%get3A_4, %get3A_5, %get3A_6] : memref<2x512x128xf32, #tpu.memory_space<vmem>>, vector<1x512x128xf32>
    %get3A_8 = vector.shape_cast %get3A_7 : vector<1x512x128xf32> to vector<512x128xf32>
    %add3A = arith.addf %get3A_3, %get3A_8 : vector<512x128xf32>
    %slice3A = vector.extract_strided_slice %add3A {offsets = [0, 16], sizes = [512, 1], strides = [1, 1]} : vector<512x128xf32> to vector<512x1xf32>
    %get3A_9 = arith.constant 0 : index
    %get3A_10 = arith.constant 0 : index
    %get3A_11 = vector.load %arg7[%get3A_9, %get3A_10] : memref<1x512xf32, #tpu.memory_space<vmem>>, vector<1x512xf32>
    %mul3A = vector.broadcast %slice3A : vector<512x1xf32> to vector<512x512xf32>
    %mul3A_12 = vector.broadcast %get3A_11 : vector<1x512xf32> to vector<512x512xf32>
    %mul3A_13 = arith.mulf %mul3A, %mul3A_12 : vector<512x512xf32>
    %get3A_14 = arith.constant 0 : index
    %get3A_15 = arith.constant 0 : index
    %get3A_16 = vector.load %arg6[%get3A_14, %get3A_15] : memref<128x512xf32, #tpu.memory_space<vmem>>, vector<128x512xf32>
    %dot_general3A = arith.constant dense<0.000000e+00> : vector<512x512xf32>
    %dot_general3A_17 = tpu.matmul %add3A, %get3A_16, %dot_general3A {dimension_numbers = #tpu.dot_dimension_numbers<[1], [0], [0], [1], [0, 0, 1, 1], [], []>, transpose_lhs_hint = false} : vector<512x128xf32>, vector<128x512xf32>, vector<512x512xf32> -> vector<512x512xf32>
    %add3A_18 = arith.addf %mul3A_13, %dot_general3A_17 : vector<512x512xf32>
    %get3A_19 = arith.constant 0 : index
    %get3A_20 = arith.constant 0 : index
    %get3A_21 = arith.constant 0 : index
    %get3A_22 = vector.load %arg1[%get3A_19, %get3A_20, %get3A_21] : memref<2x512x128xf32, #tpu.memory_space<vmem>>, vector<1x512x128xf32>
    %get3A_23 = vector.shape_cast %get3A_22 : vector<1x512x128xf32> to vector<512x128xf32>
    %mul3A_24 = vector.broadcast %slice3A : vector<512x1xf32> to vector<512x128xf32>
    %mul3A_25 = arith.mulf %get3A_23, %mul3A_24 : vector<512x128xf32>
    %get3A_26 = arith.constant 0 : index
    %get3A_27 = arith.constant 0 : index
    %get3A_28 = vector.load %arg4[%get3A_26, %get3A_27] : memref<256x512xf32, #tpu.memory_space<vmem>>, vector<128x512xf32>
    %dot_general3A_29 = arith.constant dense<0.000000e+00> : vector<512x512xf32>
    %dot_general3A_30 = tpu.matmul %mul3A_25, %get3A_28, %dot_general3A_29 {dimension_numbers = #tpu.dot_dimension_numbers<[1], [0], [0], [1], [0, 0, 1, 1], [], []>, transpose_lhs_hint = false} : vector<512x128xf32>, vector<128x512xf32>, vector<512x512xf32> -> vector<512x512xf32>
    %add3A_31 = arith.addf %add3A_18, %dot_general3A_30 : vector<512x512xf32>
    %get3A_32 = arith.constant 0 : index
    %get3A_33 = arith.constant 0 : index
    %get3A_34 = arith.constant 0 : index
    %get3A_35 = vector.load %arg2[%get3A_32, %get3A_33, %get3A_34] : memref<2x512x128xf32, #tpu.memory_space<vmem>>, vector<1x512x128xf32>
    %get3A_36 = vector.shape_cast %get3A_35 : vector<1x512x128xf32> to vector<512x128xf32>
    %get3A_37 = arith.constant 0 : index
    %get3A_38 = arith.constant 0 : index
    %get3A_39 = vector.load %arg5[%get3A_37, %get3A_38] : memref<256x512xf32, #tpu.memory_space<vmem>>, vector<128x512xf32>
    %dot_general3A_40 = arith.constant dense<0.000000e+00> : vector<512x512xf32>
    %dot_general3A_41 = tpu.matmul %get3A_36, %get3A_39, %dot_general3A_40 {dimension_numbers = #tpu.dot_dimension_numbers<[1], [0], [0], [1], [0, 0, 1, 1], [], []>, transpose_lhs_hint = false} : vector<512x128xf32>, vector<128x512xf32>, vector<512x512xf32> -> vector<512x512xf32>
    %add3A_42 = arith.addf %add3A_31, %dot_general3A_41 : vector<512x512xf32>
    %get3A_43 = arith.constant 1 : index
    %get3A_44 = arith.constant 0 : index
    %get3A_45 = arith.constant 0 : index
    %get3A_46 = vector.load %arg1[%get3A_43, %get3A_44, %get3A_45] : memref<2x512x128xf32, #tpu.memory_space<vmem>>, vector<1x512x128xf32>
    %get3A_47 = vector.shape_cast %get3A_46 : vector<1x512x128xf32> to vector<512x128xf32>
    %mul3A_48 = vector.broadcast %slice3A : vector<512x1xf32> to vector<512x128xf32>
    %mul3A_49 = arith.mulf %get3A_47, %mul3A_48 : vector<512x128xf32>
    %get3A_50 = arith.constant 128 : index
    %get3A_51 = arith.constant 0 : index
    %get3A_52 = vector.load %arg4[%get3A_50, %get3A_51] : memref<256x512xf32, #tpu.memory_space<vmem>>, vector<128x512xf32>
    %dot_general3A_53 = arith.constant dense<0.000000e+00> : vector<512x512xf32>
    %dot_general3A_54 = tpu.matmul %mul3A_49, %get3A_52, %dot_general3A_53 {dimension_numbers = #tpu.dot_dimension_numbers<[1], [0], [0], [1], [0, 0, 1, 1], [], []>, transpose_lhs_hint = false} : vector<512x128xf32>, vector<128x512xf32>, vector<512x512xf32> -> vector<512x512xf32>
    %add3A_55 = arith.addf %add3A_42, %dot_general3A_54 : vector<512x512xf32>
    %get3A_56 = arith.constant 1 : index
    %get3A_57 = arith.constant 0 : index
    %get3A_58 = arith.constant 0 : index
    %get3A_59 = vector.load %arg2[%get3A_56, %get3A_57, %get3A_58] : memref<2x512x128xf32, #tpu.memory_space<vmem>>, vector<1x512x128xf32>
    %get3A_60 = vector.shape_cast %get3A_59 : vector<1x512x128xf32> to vector<512x128xf32>
    %get3A_61 = arith.constant 128 : index
    %get3A_62 = arith.constant 0 : index
    %get3A_63 = vector.load %arg5[%get3A_61, %get3A_62] : memref<256x512xf32, #tpu.memory_space<vmem>>, vector<128x512xf32>
    %dot_general3A_64 = arith.constant dense<0.000000e+00> : vector<512x512xf32>
    %dot_general3A_65 = tpu.matmul %get3A_60, %get3A_63, %dot_general3A_64 {dimension_numbers = #tpu.dot_dimension_numbers<[1], [0], [0], [1], [0, 0, 1, 1], [], []>, transpose_lhs_hint = false} : vector<512x128xf32>, vector<128x512xf32>, vector<512x512xf32> -> vector<512x512xf32>
    %add3A_66 = arith.addf %add3A_55, %dot_general3A_65 : vector<512x512xf32>
    %max3A = arith.constant 0.000000e+00 : f32
    %max3A_67 = vector.broadcast %max3A : f32 to vector<512x512xf32>
    %max3A_68 = arith.maximumf %add3A_66, %max3A_67 : vector<512x512xf32>
    %slice3A_69 = vector.extract_strided_slice %max3A_68 {offsets = [0, 0], sizes = [512, 128], strides = [1, 1]} : vector<512x512xf32> to vector<512x128xf32>
    %swap3A = arith.constant 0 : index
    %swap3A_70 = arith.constant 0 : index
    %swap3A_71 = arith.constant 0 : index
    %swap3A_72 = vector.load %arg8[%swap3A, %swap3A_70, %swap3A_71] : memref<4x512x128xf32, #tpu.memory_space<vmem>>, vector<1x512x128xf32>
    %swap3A_73 = vector.shape_cast %swap3A_72 : vector<1x512x128xf32> to vector<512x128xf32>
    %swap3A_74 = vector.shape_cast %slice3A_69 : vector<512x128xf32> to vector<1x512x128xf32>
    tpu.vector_store %arg8[%swap3A, %swap3A_70, %swap3A_71], %swap3A_74 {strides = array<i32>} : memref<4x512x128xf32, #tpu.memory_space<vmem>>, vector<1x512x128xf32>,
    %slice3A_75 = vector.extract_strided_slice %max3A_68 {offsets = [0, 128], sizes = [512, 128], strides = [1, 1]} : vector<512x512xf32> to vector<512x128xf32>
    %swap3A_76 = arith.constant 1 : index
    %swap3A_77 = arith.constant 0 : index
    %swap3A_78 = arith.constant 0 : index
    %swap3A_79 = vector.load %arg8[%swap3A_76, %swap3A_77, %swap3A_78] : memref<4x512x128xf32, #tpu.memory_space<vmem>>, vector<1x512x128xf32>
    %swap3A_80 = vector.shape_cast %swap3A_79 : vector<1x512x128xf32> to vector<512x128xf32>
    %swap3A_81 = vector.shape_cast %slice3A_75 : vector<512x128xf32> to vector<1x512x128xf32>
    tpu.vector_store %arg8[%swap3A_76, %swap3A_77, %swap3A_78], %swap3A_81 {strides = array<i32>} : memref<4x512x128xf32, #tpu.memory_space<vmem>>, vector<1x512x128xf32>,
    %slice3A_82 = vector.extract_strided_slice %max3A_68 {offsets = [0, 256], sizes = [512, 128], strides = [1, 1]} : vector<512x512xf32> to vector<512x128xf32>
    %swap3A_83 = arith.constant 2 : index
    %swap3A_84 = arith.constant 0 : index
    %swap3A_85 = arith.constant 0 : index
    %swap3A_86 = vector.load %arg8[%swap3A_83, %swap3A_84, %swap3A_85] : memref<4x512x128xf32, #tpu.memory_space<vmem>>, vector<1x512x128xf32>
    %swap3A_87 = vector.shape_cast %swap3A_86 : vector<1x512x128xf32> to vector<512x128xf32>
    %swap3A_88 = vector.shape_cast %slice3A_82 : vector<512x128xf32> to vector<1x512x128xf32>
    tpu.vector_store %arg8[%swap3A_83, %swap3A_84, %swap3A_85], %swap3A_88 {strides = array<i32>} : memref<4x512x128xf32, #tpu.memory_space<vmem>>, vector<1x512x128xf32>,
    %slice3A_89 = vector.extract_strided_slice %max3A_68 {offsets = [0, 384], sizes = [512, 128], strides = [1, 1]} : vector<512x512xf32> to vector<512x128xf32>
    %swap3A_90 = arith.constant 3 : index
    %swap3A_91 = arith.constant 0 : index
    %swap3A_92 = arith.constant 0 : index
    %swap3A_93 = vector.load %arg8[%swap3A_90, %swap3A_91, %swap3A_92] : memref<4x512x128xf32, #tpu.memory_space<vmem>>, vector<1x512x128xf32>
    %swap3A_94 = vector.shape_cast %swap3A_93 : vector<1x512x128xf32> to vector<512x128xf32>
    %swap3A_95 = vector.shape_cast %slice3A_89 : vector<512x128xf32> to vector<1x512x128xf32>
    tpu.vector_store %arg8[%swap3A_90, %swap3A_91, %swap3A_92], %swap3A_95 {strides = array<i32>} : memref<4x512x128xf32, #tpu.memory_space<vmem>>, vector<1x512x128xf32>,
    return
  }
  func.func @transform_0(%arg0: i32) -> (i32, i32, i32) {
    %c0_i32 = arith.constant 0 : i32
    %c0_i32_0 = arith.constant 0 : i32
    %c0_i32_1 = arith.constant 0 : i32
    return %c0_i32, %arg0, %c0_i32_0 : i32, i32, i32
  }
  func.func @transform_1(%arg0: i32) -> (i32, i32, i32) {
    %c0_i32 = arith.constant 0 : i32
    %c0_i32_0 = arith.constant 0 : i32
    %c0_i32_1 = arith.constant 0 : i32
    return %c0_i32, %arg0, %c0_i32_0 : i32, i32, i32
  }
  func.func @transform_2(%arg0: i32) -> (i32, i32, i32) {
    %c0_i32 = arith.constant 0 : i32
    %c0_i32_0 = arith.constant 0 : i32
    %c0_i32_1 = arith.constant 0 : i32
    return %c0_i32, %arg0, %c0_i32_0 : i32, i32, i32
  }
  func.func @transform_3(%arg0: i32) -> (i32, i32) {
    %c0_i32 = arith.constant 0 : i32
    %c0_i32_0 = arith.constant 0 : i32
    %c0_i32_1 = arith.constant 0 : i32
    return %c0_i32, %c0_i32_0 : i32, i32
  }
  func.func @transform_4(%arg0: i32) -> (i32, i32) {
    %c0_i32 = arith.constant 0 : i32
    %c0_i32_0 = arith.constant 0 : i32
    %c0_i32_1 = arith.constant 0 : i32
    return %c0_i32, %c0_i32_0 : i32, i32
  }
  func.func @transform_5(%arg0: i32) -> (i32, i32) {
    %c0_i32 = arith.constant 0 : i32
    %c0_i32_0 = arith.constant 0 : i32
    %c0_i32_1 = arith.constant 0 : i32
    return %c0_i32, %c0_i32_0 : i32, i32
  }
  func.func @transform_6(%arg0: i32) -> (i32, i32) {
    %c0_i32 = arith.constant 0 : i32
    %c0_i32_0 = arith.constant 0 : i32
    %c0_i32_1 = arith.constant 0 : i32
    return %c0_i32, %c0_i32_0 : i32, i32
  }
  func.func @transform_7(%arg0: i32) -> (i32, i32, i32) {
    %c0_i32 = arith.constant 0 : i32
    %c0_i32_0 = arith.constant 0 : i32
    %c0_i32_1 = arith.constant 0 : i32
    return %c0_i32, %arg0, %c0_i32_0 : i32, i32, i32
  }
}

module attributes {stable_mosaic.version = 14 : i64} {
  func.func @body(%arg0: i32, %arg1: memref<4x512x128xf32, #tpu.memory_space<vmem>>, %arg2: memref<4x512x128xf32, #tpu.memory_space<vmem>>, %arg3: memref<2x512x128xf32, #tpu.memory_space<vmem>>, %arg4: memref<512x512xf32, #tpu.memory_space<vmem>>, %arg5: memref<512x512xf32, #tpu.memory_space<vmem>>, %arg6: memref<128x512xf32, #tpu.memory_space<vmem>>, %arg7: memref<1x512xf32, #tpu.memory_space<vmem>>, %arg8: memref<4x512x128xf32, #tpu.memory_space<vmem>>) attributes {dimension_semantics = [#tpu.dimension_semantics<arbitrary>], iteration_bounds = array<i64: 20>, scalar_prefetch = 0 : i64, scratch_operands = 0 : i64, tpu.core_type = #tpu.core_type<tc>, window_params = [{transform_indices = @transform_0, window_bounds = array<i64: 4, 512, 128>}, {transform_indices = @transform_1, window_bounds = array<i64: 4, 512, 128>}, {transform_indices = @transform_2, window_bounds = array<i64: 2, 512, 128>}, {pipeline_mode = #tpu.pipeline_mode<synchronous>, transform_indices = @transform_3, window_bounds = array<i64: 512, 512>}, {pipeline_mode = #tpu.pipeline_mode<synchronous>, transform_indices = @transform_4, window_bounds = array<i64: 512, 512>}, {pipeline_mode = #tpu.pipeline_mode<synchronous>, transform_indices = @transform_5, window_bounds = array<i64: 128, 512>}, {pipeline_mode = #tpu.pipeline_mode<synchronous>, transform_indices = @transform_6, window_bounds = array<i64: 1, 512>}, {transform_indices = @transform_7, window_bounds = array<i64: 4, 512, 128>}]} {
    %get3A = arith.constant 0 : index
    %get3A_0 = arith.constant 0 : index
    %get3A_1 = arith.constant 0 : index
    %get3A_2 = vector.load %arg3[%get3A, %get3A_0, %get3A_1] : memref<2x512x128xf32, #tpu.memory_space<vmem>>, vector<1x512x128xf32>
    %get3A_3 = vector.shape_cast %get3A_2 : vector<1x512x128xf32> to vector<512x128xf32>
    %get3A_4 = arith.constant 1 : index
    %get3A_5 = arith.constant 0 : index
    %get3A_6 = arith.constant 0 : index
    %get3A_7 = vector.load %arg3[%get3A_4, %get3A_5, %get3A_6] : memref<2x512x128xf32, #tpu.memory_space<vmem>>, vector<1x512x128xf32>
    %get3A_8 = vector.shape_cast %get3A_7 : vector<1x512x128xf32> to vector<512x128xf32>
    %add3A = arith.addf %get3A_3, %get3A_8 : vector<512x128xf32>
    %slice3A = vector.extract_strided_slice %add3A {offsets = [0, 16], sizes = [512, 1], strides = [1, 1]} : vector<512x128xf32> to vector<512x1xf32>
    %get3A_9 = arith.constant 0 : index
    %get3A_10 = arith.constant 0 : index
    %get3A_11 = vector.load %arg7[%get3A_9, %get3A_10] : memref<1x512xf32, #tpu.memory_space<vmem>>, vector<1x512xf32>
    %mul3A = vector.broadcast %slice3A : vector<512x1xf32> to vector<512x512xf32>
    %mul3A_12 = vector.broadcast %get3A_11 : vector<1x512xf32> to vector<512x512xf32>
    %mul3A_13 = arith.mulf %mul3A, %mul3A_12 : vector<512x512xf32>
    %get3A_14 = arith.constant 0 : index
    %get3A_15 = arith.constant 0 : index
    %get3A_16 = vector.load %arg6[%get3A_14, %get3A_15] : memref<128x512xf32, #tpu.memory_space<vmem>>, vector<128x512xf32>
    %dot_general3A = arith.constant dense<0.000000e+00> : vector<512x512xf32>
    %dot_general3A_17 = tpu.matmul %add3A, %get3A_16, %dot_general3A {dimension_numbers = #tpu.dot_dimension_numbers<[1], [0], [0], [1], [0, 0, 1, 1], [], []>, transpose_lhs_hint = false} : vector<512x128xf32>, vector<128x512xf32>, vector<512x512xf32> -> vector<512x512xf32>
    %add3A_18 = arith.addf %mul3A_13, %dot_general3A_17 : vector<512x512xf32>
    %get3A_19 = arith.constant 0 : index
    %get3A_20 = arith.constant 0 : index
    %get3A_21 = arith.constant 0 : index
    %get3A_22 = vector.load %arg1[%get3A_19, %get3A_20, %get3A_21] : memref<4x512x128xf32, #tpu.memory_space<vmem>>, vector<1x512x128xf32>
    %get3A_23 = vector.shape_cast %get3A_22 : vector<1x512x128xf32> to vector<512x128xf32>
    %mul3A_24 = vector.broadcast %slice3A : vector<512x1xf32> to vector<512x128xf32>
    %mul3A_25 = arith.mulf %get3A_23, %mul3A_24 : vector<512x128xf32>
    %get3A_26 = arith.constant 0 : index
    %get3A_27 = arith.constant 0 : index
    %get3A_28 = vector.load %arg4[%get3A_26, %get3A_27] : memref<512x512xf32, #tpu.memory_space<vmem>>, vector<128x512xf32>
    %dot_general3A_29 = arith.constant dense<0.000000e+00> : vector<512x512xf32>
    %dot_general3A_30 = tpu.matmul %mul3A_25, %get3A_28, %dot_general3A_29 {dimension_numbers = #tpu.dot_dimension_numbers<[1], [0], [0], [1], [0, 0, 1, 1], [], []>, transpose_lhs_hint = false} : vector<512x128xf32>, vector<128x512xf32>, vector<512x512xf32> -> vector<512x512xf32>
    %add3A_31 = arith.addf %add3A_18, %dot_general3A_30 : vector<512x512xf32>
    %get3A_32 = arith.constant 0 : index
    %get3A_33 = arith.constant 0 : index
    %get3A_34 = arith.constant 0 : index
    %get3A_35 = vector.load %arg2[%get3A_32, %get3A_33, %get3A_34] : memref<4x512x128xf32, #tpu.memory_space<vmem>>, vector<1x512x128xf32>
    %get3A_36 = vector.shape_cast %get3A_35 : vector<1x512x128xf32> to vector<512x128xf32>
    %get3A_37 = arith.constant 0 : index
    %get3A_38 = arith.constant 0 : index
    %get3A_39 = vector.load %arg5[%get3A_37, %get3A_38] : memref<512x512xf32, #tpu.memory_space<vmem>>, vector<128x512xf32>
    %dot_general3A_40 = arith.constant dense<0.000000e+00> : vector<512x512xf32>
    %dot_general3A_41 = tpu.matmul %get3A_36, %get3A_39, %dot_general3A_40 {dimension_numbers = #tpu.dot_dimension_numbers<[1], [0], [0], [1], [0, 0, 1, 1], [], []>, transpose_lhs_hint = false} : vector<512x128xf32>, vector<128x512xf32>, vector<512x512xf32> -> vector<512x512xf32>
    %add3A_42 = arith.addf %add3A_31, %dot_general3A_41 : vector<512x512xf32>
    %get3A_43 = arith.constant 1 : index
    %get3A_44 = arith.constant 0 : index
    %get3A_45 = arith.constant 0 : index
    %get3A_46 = vector.load %arg1[%get3A_43, %get3A_44, %get3A_45] : memref<4x512x128xf32, #tpu.memory_space<vmem>>, vector<1x512x128xf32>
    %get3A_47 = vector.shape_cast %get3A_46 : vector<1x512x128xf32> to vector<512x128xf32>
    %mul3A_48 = vector.broadcast %slice3A : vector<512x1xf32> to vector<512x128xf32>
    %mul3A_49 = arith.mulf %get3A_47, %mul3A_48 : vector<512x128xf32>
    %get3A_50 = arith.constant 128 : index
    %get3A_51 = arith.constant 0 : index
    %get3A_52 = vector.load %arg4[%get3A_50, %get3A_51] : memref<512x512xf32, #tpu.memory_space<vmem>>, vector<128x512xf32>
    %dot_general3A_53 = arith.constant dense<0.000000e+00> : vector<512x512xf32>
    %dot_general3A_54 = tpu.matmul %mul3A_49, %get3A_52, %dot_general3A_53 {dimension_numbers = #tpu.dot_dimension_numbers<[1], [0], [0], [1], [0, 0, 1, 1], [], []>, transpose_lhs_hint = false} : vector<512x128xf32>, vector<128x512xf32>, vector<512x512xf32> -> vector<512x512xf32>
    %add3A_55 = arith.addf %add3A_42, %dot_general3A_54 : vector<512x512xf32>
    %get3A_56 = arith.constant 1 : index
    %get3A_57 = arith.constant 0 : index
    %get3A_58 = arith.constant 0 : index
    %get3A_59 = vector.load %arg2[%get3A_56, %get3A_57, %get3A_58] : memref<4x512x128xf32, #tpu.memory_space<vmem>>, vector<1x512x128xf32>
    %get3A_60 = vector.shape_cast %get3A_59 : vector<1x512x128xf32> to vector<512x128xf32>
    %get3A_61 = arith.constant 128 : index
    %get3A_62 = arith.constant 0 : index
    %get3A_63 = vector.load %arg5[%get3A_61, %get3A_62] : memref<512x512xf32, #tpu.memory_space<vmem>>, vector<128x512xf32>
    %dot_general3A_64 = arith.constant dense<0.000000e+00> : vector<512x512xf32>
    %dot_general3A_65 = tpu.matmul %get3A_60, %get3A_63, %dot_general3A_64 {dimension_numbers = #tpu.dot_dimension_numbers<[1], [0], [0], [1], [0, 0, 1, 1], [], []>, transpose_lhs_hint = false} : vector<512x128xf32>, vector<128x512xf32>, vector<512x512xf32> -> vector<512x512xf32>
    %add3A_66 = arith.addf %add3A_55, %dot_general3A_65 : vector<512x512xf32>
    %get3A_67 = arith.constant 2 : index
    %get3A_68 = arith.constant 0 : index
    %get3A_69 = arith.constant 0 : index
    %get3A_70 = vector.load %arg1[%get3A_67, %get3A_68, %get3A_69] : memref<4x512x128xf32, #tpu.memory_space<vmem>>, vector<1x512x128xf32>
    %get3A_71 = vector.shape_cast %get3A_70 : vector<1x512x128xf32> to vector<512x128xf32>
    %mul3A_72 = vector.broadcast %slice3A : vector<512x1xf32> to vector<512x128xf32>
    %mul3A_73 = arith.mulf %get3A_71, %mul3A_72 : vector<512x128xf32>
    %get3A_74 = arith.constant 256 : index
    %get3A_75 = arith.constant 0 : index
    %get3A_76 = vector.load %arg4[%get3A_74, %get3A_75] : memref<512x512xf32, #tpu.memory_space<vmem>>, vector<128x512xf32>
    %dot_general3A_77 = arith.constant dense<0.000000e+00> : vector<512x512xf32>
    %dot_general3A_78 = tpu.matmul %mul3A_73, %get3A_76, %dot_general3A_77 {dimension_numbers = #tpu.dot_dimension_numbers<[1], [0], [0], [1], [0, 0, 1, 1], [], []>, transpose_lhs_hint = false} : vector<512x128xf32>, vector<128x512xf32>, vector<512x512xf32> -> vector<512x512xf32>
    %add3A_79 = arith.addf %add3A_66, %dot_general3A_78 : vector<512x512xf32>
    %get3A_80 = arith.constant 2 : index
    %get3A_81 = arith.constant 0 : index
    %get3A_82 = arith.constant 0 : index
    %get3A_83 = vector.load %arg2[%get3A_80, %get3A_81, %get3A_82] : memref<4x512x128xf32, #tpu.memory_space<vmem>>, vector<1x512x128xf32>
    %get3A_84 = vector.shape_cast %get3A_83 : vector<1x512x128xf32> to vector<512x128xf32>
    %get3A_85 = arith.constant 256 : index
    %get3A_86 = arith.constant 0 : index
    %get3A_87 = vector.load %arg5[%get3A_85, %get3A_86] : memref<512x512xf32, #tpu.memory_space<vmem>>, vector<128x512xf32>
    %dot_general3A_88 = arith.constant dense<0.000000e+00> : vector<512x512xf32>
    %dot_general3A_89 = tpu.matmul %get3A_84, %get3A_87, %dot_general3A_88 {dimension_numbers = #tpu.dot_dimension_numbers<[1], [0], [0], [1], [0, 0, 1, 1], [], []>, transpose_lhs_hint = false} : vector<512x128xf32>, vector<128x512xf32>, vector<512x512xf32> -> vector<512x512xf32>
    %add3A_90 = arith.addf %add3A_79, %dot_general3A_89 : vector<512x512xf32>
    %get3A_91 = arith.constant 3 : index
    %get3A_92 = arith.constant 0 : index
    %get3A_93 = arith.constant 0 : index
    %get3A_94 = vector.load %arg1[%get3A_91, %get3A_92, %get3A_93] : memref<4x512x128xf32, #tpu.memory_space<vmem>>, vector<1x512x128xf32>
    %get3A_95 = vector.shape_cast %get3A_94 : vector<1x512x128xf32> to vector<512x128xf32>
    %mul3A_96 = vector.broadcast %slice3A : vector<512x1xf32> to vector<512x128xf32>
    %mul3A_97 = arith.mulf %get3A_95, %mul3A_96 : vector<512x128xf32>
    %get3A_98 = arith.constant 384 : index
    %get3A_99 = arith.constant 0 : index
    %get3A_100 = vector.load %arg4[%get3A_98, %get3A_99] : memref<512x512xf32, #tpu.memory_space<vmem>>, vector<128x512xf32>
    %dot_general3A_101 = arith.constant dense<0.000000e+00> : vector<512x512xf32>
    %dot_general3A_102 = tpu.matmul %mul3A_97, %get3A_100, %dot_general3A_101 {dimension_numbers = #tpu.dot_dimension_numbers<[1], [0], [0], [1], [0, 0, 1, 1], [], []>, transpose_lhs_hint = false} : vector<512x128xf32>, vector<128x512xf32>, vector<512x512xf32> -> vector<512x512xf32>
    %add3A_103 = arith.addf %add3A_90, %dot_general3A_102 : vector<512x512xf32>
    %get3A_104 = arith.constant 3 : index
    %get3A_105 = arith.constant 0 : index
    %get3A_106 = arith.constant 0 : index
    %get3A_107 = vector.load %arg2[%get3A_104, %get3A_105, %get3A_106] : memref<4x512x128xf32, #tpu.memory_space<vmem>>, vector<1x512x128xf32>
    %get3A_108 = vector.shape_cast %get3A_107 : vector<1x512x128xf32> to vector<512x128xf32>
    %get3A_109 = arith.constant 384 : index
    %get3A_110 = arith.constant 0 : index
    %get3A_111 = vector.load %arg5[%get3A_109, %get3A_110] : memref<512x512xf32, #tpu.memory_space<vmem>>, vector<128x512xf32>
    %dot_general3A_112 = arith.constant dense<0.000000e+00> : vector<512x512xf32>
    %dot_general3A_113 = tpu.matmul %get3A_108, %get3A_111, %dot_general3A_112 {dimension_numbers = #tpu.dot_dimension_numbers<[1], [0], [0], [1], [0, 0, 1, 1], [], []>, transpose_lhs_hint = false} : vector<512x128xf32>, vector<128x512xf32>, vector<512x512xf32> -> vector<512x512xf32>
    %add3A_114 = arith.addf %add3A_103, %dot_general3A_113 : vector<512x512xf32>
    %max3A = arith.constant 0.000000e+00 : f32
    %max3A_115 = vector.broadcast %max3A : f32 to vector<512x512xf32>
    %max3A_116 = arith.maximumf %add3A_114, %max3A_115 : vector<512x512xf32>
    %slice3A_117 = vector.extract_strided_slice %max3A_116 {offsets = [0, 0], sizes = [512, 128], strides = [1, 1]} : vector<512x512xf32> to vector<512x128xf32>
    %swap3A = arith.constant 0 : index
    %swap3A_118 = arith.constant 0 : index
    %swap3A_119 = arith.constant 0 : index
    %swap3A_120 = vector.load %arg8[%swap3A, %swap3A_118, %swap3A_119] : memref<4x512x128xf32, #tpu.memory_space<vmem>>, vector<1x512x128xf32>
    %swap3A_121 = vector.shape_cast %swap3A_120 : vector<1x512x128xf32> to vector<512x128xf32>
    %swap3A_122 = vector.shape_cast %slice3A_117 : vector<512x128xf32> to vector<1x512x128xf32>
    tpu.vector_store %arg8[%swap3A, %swap3A_118, %swap3A_119], %swap3A_122 {strides = array<i32>} : memref<4x512x128xf32, #tpu.memory_space<vmem>>, vector<1x512x128xf32>,
    %slice3A_123 = vector.extract_strided_slice %max3A_116 {offsets = [0, 128], sizes = [512, 128], strides = [1, 1]} : vector<512x512xf32> to vector<512x128xf32>
    %swap3A_124 = arith.constant 1 : index
    %swap3A_125 = arith.constant 0 : index
    %swap3A_126 = arith.constant 0 : index
    %swap3A_127 = vector.load %arg8[%swap3A_124, %swap3A_125, %swap3A_126] : memref<4x512x128xf32, #tpu.memory_space<vmem>>, vector<1x512x128xf32>
    %swap3A_128 = vector.shape_cast %swap3A_127 : vector<1x512x128xf32> to vector<512x128xf32>
    %swap3A_129 = vector.shape_cast %slice3A_123 : vector<512x128xf32> to vector<1x512x128xf32>
    tpu.vector_store %arg8[%swap3A_124, %swap3A_125, %swap3A_126], %swap3A_129 {strides = array<i32>} : memref<4x512x128xf32, #tpu.memory_space<vmem>>, vector<1x512x128xf32>,
    %slice3A_130 = vector.extract_strided_slice %max3A_116 {offsets = [0, 256], sizes = [512, 128], strides = [1, 1]} : vector<512x512xf32> to vector<512x128xf32>
    %swap3A_131 = arith.constant 2 : index
    %swap3A_132 = arith.constant 0 : index
    %swap3A_133 = arith.constant 0 : index
    %swap3A_134 = vector.load %arg8[%swap3A_131, %swap3A_132, %swap3A_133] : memref<4x512x128xf32, #tpu.memory_space<vmem>>, vector<1x512x128xf32>
    %swap3A_135 = vector.shape_cast %swap3A_134 : vector<1x512x128xf32> to vector<512x128xf32>
    %swap3A_136 = vector.shape_cast %slice3A_130 : vector<512x128xf32> to vector<1x512x128xf32>
    tpu.vector_store %arg8[%swap3A_131, %swap3A_132, %swap3A_133], %swap3A_136 {strides = array<i32>} : memref<4x512x128xf32, #tpu.memory_space<vmem>>, vector<1x512x128xf32>,
    %slice3A_137 = vector.extract_strided_slice %max3A_116 {offsets = [0, 384], sizes = [512, 128], strides = [1, 1]} : vector<512x512xf32> to vector<512x128xf32>
    %swap3A_138 = arith.constant 3 : index
    %swap3A_139 = arith.constant 0 : index
    %swap3A_140 = arith.constant 0 : index
    %swap3A_141 = vector.load %arg8[%swap3A_138, %swap3A_139, %swap3A_140] : memref<4x512x128xf32, #tpu.memory_space<vmem>>, vector<1x512x128xf32>
    %swap3A_142 = vector.shape_cast %swap3A_141 : vector<1x512x128xf32> to vector<512x128xf32>
    %swap3A_143 = vector.shape_cast %slice3A_137 : vector<512x128xf32> to vector<1x512x128xf32>
    tpu.vector_store %arg8[%swap3A_138, %swap3A_139, %swap3A_140], %swap3A_143 {strides = array<i32>} : memref<4x512x128xf32, #tpu.memory_space<vmem>>, vector<1x512x128xf32>,
    return
  }
  func.func @transform_0(%arg0: i32) -> (i32, i32, i32) {
    %c0_i32 = arith.constant 0 : i32
    %c0_i32_0 = arith.constant 0 : i32
    %c0_i32_1 = arith.constant 0 : i32
    return %c0_i32, %arg0, %c0_i32_0 : i32, i32, i32
  }
  func.func @transform_1(%arg0: i32) -> (i32, i32, i32) {
    %c0_i32 = arith.constant 0 : i32
    %c0_i32_0 = arith.constant 0 : i32
    %c0_i32_1 = arith.constant 0 : i32
    return %c0_i32, %arg0, %c0_i32_0 : i32, i32, i32
  }
  func.func @transform_2(%arg0: i32) -> (i32, i32, i32) {
    %c0_i32 = arith.constant 0 : i32
    %c0_i32_0 = arith.constant 0 : i32
    %c0_i32_1 = arith.constant 0 : i32
    return %c0_i32, %arg0, %c0_i32_0 : i32, i32, i32
  }
  func.func @transform_3(%arg0: i32) -> (i32, i32) {
    %c0_i32 = arith.constant 0 : i32
    %c0_i32_0 = arith.constant 0 : i32
    %c0_i32_1 = arith.constant 0 : i32
    return %c0_i32, %c0_i32_0 : i32, i32
  }
  func.func @transform_4(%arg0: i32) -> (i32, i32) {
    %c0_i32 = arith.constant 0 : i32
    %c0_i32_0 = arith.constant 0 : i32
    %c0_i32_1 = arith.constant 0 : i32
    return %c0_i32, %c0_i32_0 : i32, i32
  }
  func.func @transform_5(%arg0: i32) -> (i32, i32) {
    %c0_i32 = arith.constant 0 : i32
    %c0_i32_0 = arith.constant 0 : i32
    %c0_i32_1 = arith.constant 0 : i32
    return %c0_i32, %c0_i32_0 : i32, i32
  }
  func.func @transform_6(%arg0: i32) -> (i32, i32) {
    %c0_i32 = arith.constant 0 : i32
    %c0_i32_0 = arith.constant 0 : i32
    %c0_i32_1 = arith.constant 0 : i32
    return %c0_i32, %c0_i32_0 : i32, i32
  }
  func.func @transform_7(%arg0: i32) -> (i32, i32, i32) {
    %c0_i32 = arith.constant 0 : i32
    %c0_i32_0 = arith.constant 0 : i32
    %c0_i32_1 = arith.constant 0 : i32
    return %c0_i32, %arg0, %c0_i32_0 : i32, i32, i32
  }
}

module attributes {stable_mosaic.version = 14 : i64} {
  func.func @body(%arg0: i32, %arg1: memref<4x512x128xf32, #tpu.memory_space<vmem>>, %arg2: memref<4x512x128xf32, #tpu.memory_space<vmem>>, %arg3: memref<2x512x128xf32, #tpu.memory_space<vmem>>, %arg4: memref<512x512xf32, #tpu.memory_space<vmem>>, %arg5: memref<512x512xf32, #tpu.memory_space<vmem>>, %arg6: memref<128x512xf32, #tpu.memory_space<vmem>>, %arg7: memref<1x512xf32, #tpu.memory_space<vmem>>, %arg8: memref<512x1xi32, #tpu.memory_space<vmem>>, %arg9: memref<512x128xf32, #tpu.memory_space<vmem>>, %arg10: memref<1x128xf32, #tpu.memory_space<vmem>>, %arg11: memref<64x128xf32, #tpu.memory_space<vmem>>, %arg12: memref<64x512xf32, #tpu.memory_space<vmem>>, %arg13: memref<64x128xf32, #tpu.memory_space<vmem>>) attributes {dimension_semantics = [#tpu.dimension_semantics<arbitrary>], iteration_bounds = array<i64: 20>, scalar_prefetch = 0 : i64, scratch_operands = 2 : i64, tpu.core_type = #tpu.core_type<tc>, window_params = [{transform_indices = @transform_0, window_bounds = array<i64: 4, 512, 128>}, {transform_indices = @transform_1, window_bounds = array<i64: 4, 512, 128>}, {transform_indices = @transform_2, window_bounds = array<i64: 2, 512, 128>}, {pipeline_mode = #tpu.pipeline_mode<synchronous>, transform_indices = @transform_3, window_bounds = array<i64: 512, 512>}, {pipeline_mode = #tpu.pipeline_mode<synchronous>, transform_indices = @transform_4, window_bounds = array<i64: 512, 512>}, {pipeline_mode = #tpu.pipeline_mode<synchronous>, transform_indices = @transform_5, window_bounds = array<i64: 128, 512>}, {pipeline_mode = #tpu.pipeline_mode<synchronous>, transform_indices = @transform_6, window_bounds = array<i64: 1, 512>}, {transform_indices = @transform_7, window_bounds = array<i64: 512, 1>}, {pipeline_mode = #tpu.pipeline_mode<synchronous>, transform_indices = @transform_8, window_bounds = array<i64: 512, 128>}, {pipeline_mode = #tpu.pipeline_mode<synchronous>, transform_indices = @transform_9, window_bounds = array<i64: 1, 128>}, {pipeline_mode = #tpu.pipeline_mode<synchronous>, transform_indices = @transform_10, window_bounds = array<i64: 64, 128>}]} {
    %eq3A = arith.constant 0 : i32
    %eq3A_0 = arith.cmpi eq, %arg0, %eq3A : i32
    %convert_element_type3A = arith.extui %eq3A_0 : i1 to i32
    %cond3A = arith.constant 0 : i32
    %cond3A_1 = arith.cmpi ne, %convert_element_type3A, %cond3A : i32
    scf.if %cond3A_1 {
      %broadcast_in_dim3A_163 = arith.constant 0.000000e+00 : f32
      %broadcast_in_dim3A_164 = vector.broadcast %broadcast_in_dim3A_163 : f32 to vector<64x512xf32>
      %swap3A_165 = arith.constant 0 : index
      %swap3A_166 = arith.constant 0 : index
      %swap3A_167 = vector.load %arg12[%swap3A_165, %swap3A_166] : memref<64x512xf32, #tpu.memory_space<vmem>>, vector<64x512xf32>
      tpu.vector_store %arg12[%swap3A_165, %swap3A_166], %broadcast_in_dim3A_164 {strides = array<i32>} : memref<64x512xf32, #tpu.memory_space<vmem>>, vector<64x512xf32>,
      %broadcast_in_dim3A_168 = arith.constant 0.000000e+00 : f32
      %broadcast_in_dim3A_169 = vector.broadcast %broadcast_in_dim3A_168 : f32 to vector<64x128xf32>
      %swap3A_170 = arith.constant 0 : index
      %swap3A_171 = arith.constant 0 : index
      %swap3A_172 = vector.load %arg13[%swap3A_170, %swap3A_171] : memref<64x128xf32, #tpu.memory_space<vmem>>, vector<64x128xf32>
      tpu.vector_store %arg13[%swap3A_170, %swap3A_171], %broadcast_in_dim3A_169 {strides = array<i32>} : memref<64x128xf32, #tpu.memory_space<vmem>>, vector<64x128xf32>,
    } else {
    }
    %get3A = arith.constant 0 : index
    %get3A_2 = arith.constant 0 : index
    %get3A_3 = arith.constant 0 : index
    %get3A_4 = vector.load %arg3[%get3A, %get3A_2, %get3A_3] : memref<2x512x128xf32, #tpu.memory_space<vmem>>, vector<1x512x128xf32>
    %get3A_5 = vector.shape_cast %get3A_4 : vector<1x512x128xf32> to vector<512x128xf32>
    %get3A_6 = arith.constant 1 : index
    %get3A_7 = arith.constant 0 : index
    %get3A_8 = arith.constant 0 : index
    %get3A_9 = vector.load %arg3[%get3A_6, %get3A_7, %get3A_8] : memref<2x512x128xf32, #tpu.memory_space<vmem>>, vector<1x512x128xf32>
    %get3A_10 = vector.shape_cast %get3A_9 : vector<1x512x128xf32> to vector<512x128xf32>
    %add3A = arith.addf %get3A_5, %get3A_10 : vector<512x128xf32>
    %slice3A = vector.extract_strided_slice %add3A {offsets = [0, 16], sizes = [512, 1], strides = [1, 1]} : vector<512x128xf32> to vector<512x1xf32>
    %get3A_11 = arith.constant 0 : index
    %get3A_12 = arith.constant 0 : index
    %get3A_13 = vector.load %arg7[%get3A_11, %get3A_12] : memref<1x512xf32, #tpu.memory_space<vmem>>, vector<1x512xf32>
    %mul3A = vector.broadcast %slice3A : vector<512x1xf32> to vector<512x512xf32>
    %mul3A_14 = vector.broadcast %get3A_13 : vector<1x512xf32> to vector<512x512xf32>
    %mul3A_15 = arith.mulf %mul3A, %mul3A_14 : vector<512x512xf32>
    %get3A_16 = arith.constant 0 : index
    %get3A_17 = arith.constant 0 : index
    %get3A_18 = vector.load %arg6[%get3A_16, %get3A_17] : memref<128x512xf32, #tpu.memory_space<vmem>>, vector<128x512xf32>
    %dot_general3A = arith.constant dense<0.000000e+00> : vector<512x512xf32>
    %dot_general3A_19 = tpu.matmul %add3A, %get3A_18, %dot_general3A {dimension_numbers = #tpu.dot_dimension_numbers<[1], [0], [0], [1], [0, 0, 1, 1], [], []>, transpose_lhs_hint = false} : vector<512x128xf32>, vector<128x512xf32>, vector<512x512xf32> -> vector<512x512xf32>
    %add3A_20 = arith.addf %mul3A_15, %dot_general3A_19 : vector<512x512xf32>
    %get3A_21 = arith.constant 0 : index
    %get3A_22 = arith.constant 0 : index
    %get3A_23 = arith.constant 0 : index
    %get3A_24 = vector.load %arg1[%get3A_21, %get3A_22, %get3A_23] : memref<4x512x128xf32, #tpu.memory_space<vmem>>, vector<1x512x128xf32>
    %get3A_25 = vector.shape_cast %get3A_24 : vector<1x512x128xf32> to vector<512x128xf32>
    %mul3A_26 = vector.broadcast %slice3A : vector<512x1xf32> to vector<512x128xf32>
    %mul3A_27 = arith.mulf %get3A_25, %mul3A_26 : vector<512x128xf32>
    %get3A_28 = arith.constant 0 : index
    %get3A_29 = arith.constant 0 : index
    %get3A_30 = vector.load %arg4[%get3A_28, %get3A_29] : memref<512x512xf32, #tpu.memory_space<vmem>>, vector<128x512xf32>
    %dot_general3A_31 = arith.constant dense<0.000000e+00> : vector<512x512xf32>
    %dot_general3A_32 = tpu.matmul %mul3A_27, %get3A_30, %dot_general3A_31 {dimension_numbers = #tpu.dot_dimension_numbers<[1], [0], [0], [1], [0, 0, 1, 1], [], []>, transpose_lhs_hint = false} : vector<512x128xf32>, vector<128x512xf32>, vector<512x512xf32> -> vector<512x512xf32>
    %add3A_33 = arith.addf %add3A_20, %dot_general3A_32 : vector<512x512xf32>
    %get3A_34 = arith.constant 0 : index
    %get3A_35 = arith.constant 0 : index
    %get3A_36 = arith.constant 0 : index
    %get3A_37 = vector.load %arg2[%get3A_34, %get3A_35, %get3A_36] : memref<4x512x128xf32, #tpu.memory_space<vmem>>, vector<1x512x128xf32>
    %get3A_38 = vector.shape_cast %get3A_37 : vector<1x512x128xf32> to vector<512x128xf32>
    %get3A_39 = arith.constant 0 : index
    %get3A_40 = arith.constant 0 : index
    %get3A_41 = vector.load %arg5[%get3A_39, %get3A_40] : memref<512x512xf32, #tpu.memory_space<vmem>>, vector<128x512xf32>
    %dot_general3A_42 = arith.constant dense<0.000000e+00> : vector<512x512xf32>
    %dot_general3A_43 = tpu.matmul %get3A_38, %get3A_41, %dot_general3A_42 {dimension_numbers = #tpu.dot_dimension_numbers<[1], [0], [0], [1], [0, 0, 1, 1], [], []>, transpose_lhs_hint = false} : vector<512x128xf32>, vector<128x512xf32>, vector<512x512xf32> -> vector<512x512xf32>
    %add3A_44 = arith.addf %add3A_33, %dot_general3A_43 : vector<512x512xf32>
    %get3A_45 = arith.constant 1 : index
    %get3A_46 = arith.constant 0 : index
    %get3A_47 = arith.constant 0 : index
    %get3A_48 = vector.load %arg1[%get3A_45, %get3A_46, %get3A_47] : memref<4x512x128xf32, #tpu.memory_space<vmem>>, vector<1x512x128xf32>
    %get3A_49 = vector.shape_cast %get3A_48 : vector<1x512x128xf32> to vector<512x128xf32>
    %mul3A_50 = vector.broadcast %slice3A : vector<512x1xf32> to vector<512x128xf32>
    %mul3A_51 = arith.mulf %get3A_49, %mul3A_50 : vector<512x128xf32>
    %get3A_52 = arith.constant 128 : index
    %get3A_53 = arith.constant 0 : index
    %get3A_54 = vector.load %arg4[%get3A_52, %get3A_53] : memref<512x512xf32, #tpu.memory_space<vmem>>, vector<128x512xf32>
    %dot_general3A_55 = arith.constant dense<0.000000e+00> : vector<512x512xf32>
    %dot_general3A_56 = tpu.matmul %mul3A_51, %get3A_54, %dot_general3A_55 {dimension_numbers = #tpu.dot_dimension_numbers<[1], [0], [0], [1], [0, 0, 1, 1], [], []>, transpose_lhs_hint = false} : vector<512x128xf32>, vector<128x512xf32>, vector<512x512xf32> -> vector<512x512xf32>
    %add3A_57 = arith.addf %add3A_44, %dot_general3A_56 : vector<512x512xf32>
    %get3A_58 = arith.constant 1 : index
    %get3A_59 = arith.constant 0 : index
    %get3A_60 = arith.constant 0 : index
    %get3A_61 = vector.load %arg2[%get3A_58, %get3A_59, %get3A_60] : memref<4x512x128xf32, #tpu.memory_space<vmem>>, vector<1x512x128xf32>
    %get3A_62 = vector.shape_cast %get3A_61 : vector<1x512x128xf32> to vector<512x128xf32>
    %get3A_63 = arith.constant 128 : index
    %get3A_64 = arith.constant 0 : index
    %get3A_65 = vector.load %arg5[%get3A_63, %get3A_64] : memref<512x512xf32, #tpu.memory_space<vmem>>, vector<128x512xf32>
    %dot_general3A_66 = arith.constant dense<0.000000e+00> : vector<512x512xf32>
    %dot_general3A_67 = tpu.matmul %get3A_62, %get3A_65, %dot_general3A_66 {dimension_numbers = #tpu.dot_dimension_numbers<[1], [0], [0], [1], [0, 0, 1, 1], [], []>, transpose_lhs_hint = false} : vector<512x128xf32>, vector<128x512xf32>, vector<512x512xf32> -> vector<512x512xf32>
    %add3A_68 = arith.addf %add3A_57, %dot_general3A_67 : vector<512x512xf32>
    %get3A_69 = arith.constant 2 : index
    %get3A_70 = arith.constant 0 : index
    %get3A_71 = arith.constant 0 : index
    %get3A_72 = vector.load %arg1[%get3A_69, %get3A_70, %get3A_71] : memref<4x512x128xf32, #tpu.memory_space<vmem>>, vector<1x512x128xf32>
    %get3A_73 = vector.shape_cast %get3A_72 : vector<1x512x128xf32> to vector<512x128xf32>
    %mul3A_74 = vector.broadcast %slice3A : vector<512x1xf32> to vector<512x128xf32>
    %mul3A_75 = arith.mulf %get3A_73, %mul3A_74 : vector<512x128xf32>
    %get3A_76 = arith.constant 256 : index
    %get3A_77 = arith.constant 0 : index
    %get3A_78 = vector.load %arg4[%get3A_76, %get3A_77] : memref<512x512xf32, #tpu.memory_space<vmem>>, vector<128x512xf32>
    %dot_general3A_79 = arith.constant dense<0.000000e+00> : vector<512x512xf32>
    %dot_general3A_80 = tpu.matmul %mul3A_75, %get3A_78, %dot_general3A_79 {dimension_numbers = #tpu.dot_dimension_numbers<[1], [0], [0], [1], [0, 0, 1, 1], [], []>, transpose_lhs_hint = false} : vector<512x128xf32>, vector<128x512xf32>, vector<512x512xf32> -> vector<512x512xf32>
    %add3A_81 = arith.addf %add3A_68, %dot_general3A_80 : vector<512x512xf32>
    %get3A_82 = arith.constant 2 : index
    %get3A_83 = arith.constant 0 : index
    %get3A_84 = arith.constant 0 : index
    %get3A_85 = vector.load %arg2[%get3A_82, %get3A_83, %get3A_84] : memref<4x512x128xf32, #tpu.memory_space<vmem>>, vector<1x512x128xf32>
    %get3A_86 = vector.shape_cast %get3A_85 : vector<1x512x128xf32> to vector<512x128xf32>
    %get3A_87 = arith.constant 256 : index
    %get3A_88 = arith.constant 0 : index
    %get3A_89 = vector.load %arg5[%get3A_87, %get3A_88] : memref<512x512xf32, #tpu.memory_space<vmem>>, vector<128x512xf32>
    %dot_general3A_90 = arith.constant dense<0.000000e+00> : vector<512x512xf32>
    %dot_general3A_91 = tpu.matmul %get3A_86, %get3A_89, %dot_general3A_90 {dimension_numbers = #tpu.dot_dimension_numbers<[1], [0], [0], [1], [0, 0, 1, 1], [], []>, transpose_lhs_hint = false} : vector<512x128xf32>, vector<128x512xf32>, vector<512x512xf32> -> vector<512x512xf32>
    %add3A_92 = arith.addf %add3A_81, %dot_general3A_91 : vector<512x512xf32>
    %get3A_93 = arith.constant 3 : index
    %get3A_94 = arith.constant 0 : index
    %get3A_95 = arith.constant 0 : index
    %get3A_96 = vector.load %arg1[%get3A_93, %get3A_94, %get3A_95] : memref<4x512x128xf32, #tpu.memory_space<vmem>>, vector<1x512x128xf32>
    %get3A_97 = vector.shape_cast %get3A_96 : vector<1x512x128xf32> to vector<512x128xf32>
    %mul3A_98 = vector.broadcast %slice3A : vector<512x1xf32> to vector<512x128xf32>
    %mul3A_99 = arith.mulf %get3A_97, %mul3A_98 : vector<512x128xf32>
    %get3A_100 = arith.constant 384 : index
    %get3A_101 = arith.constant 0 : index
    %get3A_102 = vector.load %arg4[%get3A_100, %get3A_101] : memref<512x512xf32, #tpu.memory_space<vmem>>, vector<128x512xf32>
    %dot_general3A_103 = arith.constant dense<0.000000e+00> : vector<512x512xf32>
    %dot_general3A_104 = tpu.matmul %mul3A_99, %get3A_102, %dot_general3A_103 {dimension_numbers = #tpu.dot_dimension_numbers<[1], [0], [0], [1], [0, 0, 1, 1], [], []>, transpose_lhs_hint = false} : vector<512x128xf32>, vector<128x512xf32>, vector<512x512xf32> -> vector<512x512xf32>
    %add3A_105 = arith.addf %add3A_92, %dot_general3A_104 : vector<512x512xf32>
    %get3A_106 = arith.constant 3 : index
    %get3A_107 = arith.constant 0 : index
    %get3A_108 = arith.constant 0 : index
    %get3A_109 = vector.load %arg2[%get3A_106, %get3A_107, %get3A_108] : memref<4x512x128xf32, #tpu.memory_space<vmem>>, vector<1x512x128xf32>
    %get3A_110 = vector.shape_cast %get3A_109 : vector<1x512x128xf32> to vector<512x128xf32>
    %get3A_111 = arith.constant 384 : index
    %get3A_112 = arith.constant 0 : index
    %get3A_113 = vector.load %arg5[%get3A_111, %get3A_112] : memref<512x512xf32, #tpu.memory_space<vmem>>, vector<128x512xf32>
    %dot_general3A_114 = arith.constant dense<0.000000e+00> : vector<512x512xf32>
    %dot_general3A_115 = tpu.matmul %get3A_110, %get3A_113, %dot_general3A_114 {dimension_numbers = #tpu.dot_dimension_numbers<[1], [0], [0], [1], [0, 0, 1, 1], [], []>, transpose_lhs_hint = false} : vector<512x128xf32>, vector<128x512xf32>, vector<512x512xf32> -> vector<512x512xf32>
    %add3A_116 = arith.addf %add3A_105, %dot_general3A_115 : vector<512x512xf32>
    %max3A = arith.constant 0.000000e+00 : f32
    %max3A_117 = vector.broadcast %max3A : f32 to vector<512x512xf32>
    %max3A_118 = arith.maximumf %add3A_116, %max3A_117 : vector<512x512xf32>
    %mul3A_119 = arith.constant 512 : i32
    %mul3A_120 = arith.muli %arg0, %mul3A_119 : i32
    %iota3A = tpu.iota {dimensions = array<i32: 0>} : vector<512x1xi32>
    %add3A_121 = vector.broadcast %mul3A_120 : i32 to vector<512x1xi32>
    %add3A_122 = arith.addi %add3A_121, %iota3A : vector<512x1xi32>
    %lt3A = arith.constant 10000 : i32
    %lt3A_123 = vector.broadcast %lt3A : i32 to vector<512x1xi32>
    %lt3A_124 = arith.cmpi slt, %add3A_122, %lt3A_123 : vector<512x1xi32>
    %jit3A = arith.constant 0.000000e+00 : f32
    %broadcast_in_dim3A = vector.shape_cast %lt3A_124 : vector<512x1xi1> to vector<512x1xi1>
    %broadcast_in_dim3A_125 = vector.broadcast %broadcast_in_dim3A : vector<512x1xi1> to vector<512x512xi1>
    %broadcast_in_dim3A_126 = vector.broadcast %jit3A : f32 to vector<512x512xf32>
    %select_n3A = arith.select %broadcast_in_dim3A_125, %max3A_118, %broadcast_in_dim3A_126 : vector<512x512xi1>, vector<512x512xf32>
    %get3A_127 = arith.constant 0 : index
    %get3A_128 = arith.constant 0 : index
    %get3A_129 = vector.load %arg8[%get3A_127, %get3A_128] : memref<512x1xi32, #tpu.memory_space<vmem>>, vector<512x1xi32>
    %squeeze3A = vector.shape_cast %get3A_129 : vector<512x1xi32> to vector<512xi32>
    %iota3A_130 = tpu.iota {dimensions = array<i32: 0>} : vector<64x512xi32>
    %broadcast_in_dim3A_131 = vector.shape_cast %squeeze3A : vector<512xi32> to vector<1x512xi32>
    %eq3A_132 = vector.broadcast %broadcast_in_dim3A_131 : vector<1x512xi32> to vector<64x512xi32>
    %eq3A_133 = arith.cmpi eq, %iota3A_130, %eq3A_132 : vector<64x512xi32>
    %jit3A_134 = arith.constant 1.000000e+00 : f32
    %jit3A_135 = arith.constant 0.000000e+00 : f32
    %broadcast_in_dim3A_136 = vector.broadcast %jit3A_134 : f32 to vector<64x512xf32>
    %broadcast_in_dim3A_137 = vector.broadcast %jit3A_135 : f32 to vector<64x512xf32>
    %select_n3A_138 = arith.select %eq3A_133, %broadcast_in_dim3A_136, %broadcast_in_dim3A_137 : vector<64x512xi1>, vector<64x512xf32>
    %get3A_139 = arith.constant 0 : index
    %get3A_140 = arith.constant 0 : index
    %get3A_141 = vector.load %arg12[%get3A_139, %get3A_140] : memref<64x512xf32, #tpu.memory_space<vmem>>, vector<64x512xf32>
    %dot_general3A_142 = arith.constant dense<0.000000e+00> : vector<64x512xf32>
    %dot_general3A_143 = tpu.matmul %select_n3A_138, %select_n3A, %dot_general3A_142 {dimension_numbers = #tpu.dot_dimension_numbers<[1], [0], [0], [1], [0, 0, 1, 1], [], []>, transpose_lhs_hint = false} : vector<64x512xf32>, vector<512x512xf32>, vector<64x512xf32> -> vector<64x512xf32>
    %add3A_144 = arith.addf %get3A_141, %dot_general3A_143 : vector<64x512xf32>
    %swap3A = arith.constant 0 : index
    %swap3A_145 = arith.constant 0 : index
    %swap3A_146 = vector.load %arg12[%swap3A, %swap3A_145] : memref<64x512xf32, #tpu.memory_space<vmem>>, vector<64x512xf32>
    tpu.vector_store %arg12[%swap3A, %swap3A_145], %add3A_144 {strides = array<i32>} : memref<64x512xf32, #tpu.memory_space<vmem>>, vector<64x512xf32>,
    %get3A_147 = arith.constant 0 : index
    %get3A_148 = arith.constant 0 : index
    %get3A_149 = vector.load %arg13[%get3A_147, %get3A_148] : memref<64x128xf32, #tpu.memory_space<vmem>>, vector<64x128xf32>
    %reduce_sum3A = arith.constant dense<0.000000e+00> : vector<64xf32>
    %reduce_sum3A_150 = vector.multi_reduction <add>, %select_n3A_138, %reduce_sum3A [1] : vector<64x512xf32> to vector<64xf32>
    %broadcast_in_dim3A_151 = vector.shape_cast %reduce_sum3A_150 : vector<64xf32> to vector<64x1xf32>
    %broadcast_in_dim3A_152 = vector.shape_cast %broadcast_in_dim3A_151 : vector<64x1xf32> to vector<64x1xf32>
    %broadcast_in_dim3A_153 = vector.broadcast %broadcast_in_dim3A_152 : vector<64x1xf32> to vector<64x128xf32>
    %add3A_154 = arith.addf %get3A_149, %broadcast_in_dim3A_153 : vector<64x128xf32>
    %swap3A_155 = arith.constant 0 : index
    %swap3A_156 = arith.constant 0 : index
    %swap3A_157 = vector.load %arg13[%swap3A_155, %swap3A_156] : memref<64x128xf32, #tpu.memory_space<vmem>>, vector<64x128xf32>
    tpu.vector_store %arg13[%swap3A_155, %swap3A_156], %add3A_154 {strides = array<i32>} : memref<64x128xf32, #tpu.memory_space<vmem>>, vector<64x128xf32>,
    %eq3A_158 = arith.constant 19 : i32
    %eq3A_159 = arith.cmpi eq, %arg0, %eq3A_158 : i32
    %convert_element_type3A_160 = arith.extui %eq3A_159 : i1 to i32
    %cond3A_161 = arith.constant 0 : i32
    %cond3A_162 = arith.cmpi ne, %convert_element_type3A_160, %cond3A_161 : i32
    scf.if %cond3A_162 {
      %get3A_163 = arith.constant 0 : index
      %get3A_164 = arith.constant 0 : index
      %get3A_165 = vector.load %arg12[%get3A_163, %get3A_164] : memref<64x512xf32, #tpu.memory_space<vmem>>, vector<64x512xf32>
      %get3A_166 = arith.constant 0 : index
      %get3A_167 = arith.constant 0 : index
      %get3A_168 = vector.load %arg13[%get3A_166, %get3A_167] : memref<64x128xf32, #tpu.memory_space<vmem>>, vector<64x128xf32>
      %slice3A_169 = vector.extract_strided_slice %get3A_168 {offsets = [0, 0], sizes = [64, 1], strides = [1, 1]} : vector<64x128xf32> to vector<64x1xf32>
      %max3A_170 = arith.constant 1.000000e+00 : f32
      %max3A_171 = vector.broadcast %max3A_170 : f32 to vector<64x1xf32>
      %max3A_172 = arith.maximumf %slice3A_169, %max3A_171 : vector<64x1xf32>
      %div3A = vector.broadcast %max3A_172 : vector<64x1xf32> to vector<64x512xf32>
      %div3A_173 = arith.divf %get3A_165, %div3A : vector<64x512xf32>
      %get3A_174 = arith.constant 0 : index
      %get3A_175 = arith.constant 0 : index
      %get3A_176 = vector.load %arg9[%get3A_174, %get3A_175] : memref<512x128xf32, #tpu.memory_space<vmem>>, vector<512x128xf32>
      %dot_general3A_177 = arith.constant dense<0.000000e+00> : vector<64x128xf32>
      %dot_general3A_178 = tpu.matmul %div3A_173, %get3A_176, %dot_general3A_177 {dimension_numbers = #tpu.dot_dimension_numbers<[1], [0], [0], [1], [0, 0, 1, 1], [], []>, transpose_lhs_hint = false} : vector<64x512xf32>, vector<512x128xf32>, vector<64x128xf32> -> vector<64x128xf32>
      %get3A_179 = arith.constant 0 : index
      %get3A_180 = arith.constant 0 : index
      %get3A_181 = vector.load %arg10[%get3A_179, %get3A_180] : memref<1x128xf32, #tpu.memory_space<vmem>>, vector<1x128xf32>
      %add3A_182 = vector.broadcast %get3A_181 : vector<1x128xf32> to vector<64x128xf32>
      %add3A_183 = arith.addf %dot_general3A_178, %add3A_182 : vector<64x128xf32>
      %reduce_max3A = arith.constant dense<0xFF800000> : vector<64xf32>
      %reduce_max3A_184 = vector.multi_reduction <maximumf>, %add3A_183, %reduce_max3A [1] : vector<64x128xf32> to vector<64xf32>
      %broadcast_in_dim3A_185 = vector.shape_cast %reduce_max3A_184 : vector<64xf32> to vector<64x1xf32>
      %sub3A = vector.broadcast %broadcast_in_dim3A_185 : vector<64x1xf32> to vector<64x128xf32>
      %sub3A_186 = arith.subf %add3A_183, %sub3A : vector<64x128xf32>
      %exp3A = math.exp %sub3A_186 : vector<64x128xf32>
      %reduce_sum3A_187 = arith.constant dense<0.000000e+00> : vector<64xf32>
      %reduce_sum3A_188 = vector.multi_reduction <add>, %exp3A, %reduce_sum3A_187 [1] : vector<64x128xf32> to vector<64xf32>
      %broadcast_in_dim3A_189 = vector.shape_cast %reduce_sum3A_188 : vector<64xf32> to vector<64x1xf32>
      %log3A = math.log %broadcast_in_dim3A_189 : vector<64x1xf32>
      %add3A_190 = arith.addf %log3A, %broadcast_in_dim3A_185 : vector<64x1xf32>
      %sub3A_191 = vector.broadcast %add3A_190 : vector<64x1xf32> to vector<64x128xf32>
      %sub3A_192 = arith.subf %add3A_183, %sub3A_191 : vector<64x128xf32>
      %swap3A_193 = arith.constant 0 : index
      %swap3A_194 = arith.constant 0 : index
      %swap3A_195 = vector.load %arg11[%swap3A_193, %swap3A_194] : memref<64x128xf32, #tpu.memory_space<vmem>>, vector<64x128xf32>
      tpu.vector_store %arg11[%swap3A_193, %swap3A_194], %sub3A_192 {strides = array<i32>} : memref<64x128xf32, #tpu.memory_space<vmem>>, vector<64x128xf32>,
    } else {
    }
    return
  }
  func.func @transform_0(%arg0: i32) -> (i32, i32, i32) {
    %c0_i32 = arith.constant 0 : i32
    %c0_i32_0 = arith.constant 0 : i32
    %c0_i32_1 = arith.constant 0 : i32
    return %c0_i32, %arg0, %c0_i32_0 : i32, i32, i32
  }
  func.func @transform_1(%arg0: i32) -> (i32, i32, i32) {
    %c0_i32 = arith.constant 0 : i32
    %c0_i32_0 = arith.constant 0 : i32
    %c0_i32_1 = arith.constant 0 : i32
    return %c0_i32, %arg0, %c0_i32_0 : i32, i32, i32
  }
  func.func @transform_2(%arg0: i32) -> (i32, i32, i32) {
    %c0_i32 = arith.constant 0 : i32
    %c0_i32_0 = arith.constant 0 : i32
    %c0_i32_1 = arith.constant 0 : i32
    return %c0_i32, %arg0, %c0_i32_0 : i32, i32, i32
  }
  func.func @transform_3(%arg0: i32) -> (i32, i32) {
    %c0_i32 = arith.constant 0 : i32
    %c0_i32_0 = arith.constant 0 : i32
    %c0_i32_1 = arith.constant 0 : i32
    return %c0_i32, %c0_i32_0 : i32, i32
  }
  func.func @transform_4(%arg0: i32) -> (i32, i32) {
    %c0_i32 = arith.constant 0 : i32
    %c0_i32_0 = arith.constant 0 : i32
    %c0_i32_1 = arith.constant 0 : i32
    return %c0_i32, %c0_i32_0 : i32, i32
  }
  func.func @transform_5(%arg0: i32) -> (i32, i32) {
    %c0_i32 = arith.constant 0 : i32
    %c0_i32_0 = arith.constant 0 : i32
    %c0_i32_1 = arith.constant 0 : i32
    return %c0_i32, %c0_i32_0 : i32, i32
  }
  func.func @transform_6(%arg0: i32) -> (i32, i32) {
    %c0_i32 = arith.constant 0 : i32
    %c0_i32_0 = arith.constant 0 : i32
    %c0_i32_1 = arith.constant 0 : i32
    return %c0_i32, %c0_i32_0 : i32, i32
  }
  func.func @transform_7(%arg0: i32) -> (i32, i32) {
    %c0_i32 = arith.constant 0 : i32
    %c0_i32_0 = arith.constant 0 : i32
    return %arg0, %c0_i32 : i32, i32
  }
  func.func @transform_8(%arg0: i32) -> (i32, i32) {
    %c0_i32 = arith.constant 0 : i32
    %c0_i32_0 = arith.constant 0 : i32
    %c0_i32_1 = arith.constant 0 : i32
    return %c0_i32, %c0_i32_0 : i32, i32
  }
  func.func @transform_9(%arg0: i32) -> (i32, i32) {
    %c0_i32 = arith.constant 0 : i32
    %c0_i32_0 = arith.constant 0 : i32
    %c0_i32_1 = arith.constant 0 : i32
    return %c0_i32, %c0_i32_0 : i32, i32
  }
  func.func @transform_10(%arg0: i32) -> (i32, i32) {
    %c0_i32 = arith.constant 0 : i32
    %c0_i32_0 = arith.constant 0 : i32
    %c0_i32_1 = arith.constant 0 : i32
    return %c0_i32, %c0_i32_0 : i32, i32
  }
}

</mosaic_0001>

<sc_bundles>
// kernel: kernel.12.cloned.1.call-start
scs
__scs_entry_jumppad:
0x0: {  	(pc) =	sbr.rel $0x88, $3  }
0x1: {  	(tag) =	ssettag $0x0;
	lr =	simm.s32 $0x1  }
0x2: {  	[smem:$0x3F95] =	sst lr;
	_ =	strace $0xD0000000  }
0x3: {  	_ = 	snop  }
0x4: {  	_ = 	snop  }
0x5: {  	_ = 	snop  }
0x6: {  	_ = 	snop  }
0x7: {  	_ = 	snop  }
__scs_overlays_trampoline_lowered:
0x8: {  	[smem:$0x3FA4] =	sst s0  }
0x9: {  	[smem:$0x3FA5] =	sst s1  }
0xa: {  	[smem:$0x3FA6] =	sst s2  }
0xb: {  	[smem:$0x3FA7] =	sst s3  }
0xc: {  	[smem:$0x3FA8] =	sst s4  }
0xd: {  	[smem:$0x3FA9] =	sst s5  }
0xe: {  	[smem:$0x3FAA] =	sst s6  }
0xf: {  	[smem:$0x3FAB] =	sst s7  }
0x10: {  	[smem:$0x3FAC] =	sst s8  }
0x11: {  	[smem:$0x3FAD] =	sst s9;
	s0 =	simm.s32 @!p0 $0x0  }
0x12: {  	s1 =	sld [smem:$0x3F93];
	s0 =	simm.s32 @p0 $0x1  }
0x13: {  	[smem:$0x3FAE] =	sst s0;
	s0 =	simm.s32 @!p1 $0x0  }
0x14: {  	s2 =	sld [smem:$0x3F92];
	s0 =	simm.s32 @p1 $0x1  }
0x15: {  	[smem:$0x3FAF] =	sst s0;
	s0 =	simm.s32 @!p2 $0x0  }
0x16: {  	s3 =	sld [smem:$0x3FDB];
	s0 =	simm.s32 @p2 $0x1  }
0x17: {  	s4 =	simm.s32 $0x1BF5;
	[smem:$0x3FB1] =	sst s0  }
0x18: {  	s0 =	sld [smem:$0x3F94];
	_ =	swait.ge [sflag:s4], $0x0  }
0x19: {  	s7 =	sld [smem:$0x3F95]  }
0x1a: {  	s8 =	sadd.s32 $0xFFFFE003, lr  }
0x1b: {  	s9 =	sadd.s32 $0xFFFFFEF7, lr;
	s5 =	simm.s32 $0xFFFFFFFF;
	p2 =	slt.u32 s8, $0xFFFFF086  }
0x1c: {  	p1 =	slt.u32 s9, $0xF7A;
	s5 =	simm.s32 @!p2 $0x0  }
0x1d: {  	s5 =	simm.s32 @p1 $0x1;
	p0 =	seq.s32 s7, s2  }
0x1e: {  	s7 =	smul.u32 @!p0 $0xF7A, s2;
	p2 =	seq.s32 @!p0 s5, $0x0  }
0x1f: {  	s9 =	smul.u32 $0xF7A, s1;
	s8 =	simm.s32 @!p0 $0x1BF5;
	p2 =	por !p2, p0  }
0x20: {  	[sflag:s8] =	ssyncset.s32 @!p0 $0xFFFFF086;
	s6 =	sadd.s32 @!p0 s3, s7;
	s7 =	simm.s32 @!p0 $0x108  }
0x21: {  	s3 =	sadd.s32 s3, s9;
	s6 =	sadd.s32 @!p0 $0x88, s6;
	s7 =	simm.s32 @p2 $0x1082  }
0x22: {  	[simem:s7], [sflag:s8] =	dma.local @!p0 [hbm:s6], $0xF7A  }
0x23: {  	s9 =	sor.u32 $0xD0000000, s2;
	s6 =	simm.s32 $0x108;
	_ =	swait.ge @!p0 [sflag:s8], $0x0  }
0x24: {  	s3 =	sadd.s32 $0x88, s3;
	s6 =	simm.s32 @!p1 $0x1082;
	[sflag:s4] =	ssyncset.s32 $0xFFFFF086  }
0x25: {  	[simem:s6], [sflag:s4] =	dma.local [hbm:s3], $0xF7A  }
0x26: {  	[smem:$0x3F95] =	sst s1;
	(tag) =	ssettag s2;
	_ =	strace s9  }
0x27: {  	s1 =	sld [smem:$0x3FA5]  }
0x28: {  	s2 =	sld [smem:$0x3FA6]  }
0x29: {  	s4 =	sld [smem:$0x3FA8]  }
0x2a: {  	p0 =	seq.s32 s5, $0x0;
	s5 =	sld [smem:$0x3FA9]  }
0x2b: {  	s6 =	sld [smem:$0x3FAA]  }
0x2c: {  	s7 =	sld [smem:$0x3FAB]  }
0x2d: {  	s3 =	simm.s32 $0x108;
	s8 =	sld [smem:$0x3FAC]  }
0x2e: {  	s3 =	simm.s32 @!p0 $0x1082;
	s9 =	sld [smem:$0x3FAD]  }
0x2f: {  	lr =	sadd.s32 s0, s3;
	s0 =	sld [smem:$0x3FA4]  }
0x30: {  	s3 =	sld [smem:$0x3FA7]  }
0x31: {  	[smem:$0x3FB0] =	sst s10  }
0x32: {  	s10 =	sld [smem:$0x3FAE];
	_ =	sdelay $0x3  }
0x33: {  	p0 =	seq.s32 s10, $0x1;
	s10 =	sld [smem:$0x3FB0];
	_ =	sdelay $0x3  }
0x34: {  	[smem:$0x3FB0] =	sst s10  }
0x35: {  	s10 =	sld [smem:$0x3FAF];
	_ =	sdelay $0x3  }
0x36: {  	p1 =	seq.s32 s10, $0x1;
	s10 =	sld [smem:$0x3FB0];
	_ =	sdelay $0x3  }
0x37: {  	[smem:$0x3FB0] =	sst s10  }
0x38: {  	s10 =	sld [smem:$0x3FB1]  }
0x39: {  	_ = 	snop;
	(pc) =	sbr.ind lr, $3  }
0x3a: {  	_ = 	snop  }
0x3b: {  	_ = 	snop  }
0x3c: {  	p2 =	seq.s32 s10, $0x1;
	s10 =	sld [smem:$0x3FB0]  }
0x3d: {  	_ =	shalt  }
0x3e: {  	_ =	shalt  }
0x3f: {  	_ =	shalt  }
0x40: {  	_ =	shalt  }
0x41: {  	_ =	shalt  }
0x42: {  	_ =	shalt  }
0x43: {  	_ =	shalt  }
0x44: {  	_ =	shalt  }
0x45: {  	_ =	shalt  }
0x46: {  	_ =	shalt  }
0x47: {  	_ =	shalt  }
0x48: {  	_ =	shalt  }
0x49: {  	_ =	shalt  }
0x4a: {  	_ =	shalt  }
0x4b: {  	_ =	shalt  }
0x4c: {  	_ =	shalt  }
0x4d: {  	_ =	shalt  }
0x4e: {  	_ =	shalt  }
0x4f: {  	_ =	shalt  }
0x50: {  	_ =	shalt  }
0x51: {  	_ =	shalt  }
0x52: {  	_ =	shalt  }
0x53: {  	_ =	shalt  }
0x54: {  	_ =	shalt  }
0x55: {  	_ =	shalt  }
0x56: {  	_ =	shalt  }
0x57: {  	_ =	shalt  }
0x58: {  	_ =	shalt  }
0x59: {  	_ =	shalt  }
0x5a: {  	_ =	shalt  }
0x5b: {  	_ =	shalt  }
0x5c: {  	_ =	shalt  }
0x5d: {  	_ =	shalt  }
0x5e: {  	_ =	shalt  }
0x5f: {  	_ =	shalt  }
0x60: {  	_ =	shalt  }
0x61: {  	_ =	shalt  }
0x62: {  	_ =	shalt  }
0x63: {  	_ =	shalt  }
0x64: {  	_ =	shalt  }
0x65: {  	_ =	shalt  }
0x66: {  	_ =	shalt  }
0x67: {  	_ =	shalt  }
0x68: {  	_ =	shalt  }
0x69: {  	_ =	shalt  }
0x6a: {  	_ =	shalt  }
0x6b: {  	_ =	shalt  }
0x6c: {  	_ =	shalt  }
0x6d: {  	_ =	shalt  }
0x6e: {  	_ =	shalt  }
0x6f: {  	_ =	shalt  }
0x70: {  	_ =	shalt  }
0x71: {  	_ =	shalt  }
0x72: {  	_ =	shalt  }
0x73: {  	_ =	shalt  }
0x74: {  	_ =	shalt  }
0x75: {  	_ =	shalt  }
0x76: {  	_ =	shalt  }
0x77: {  	_ =	shalt  }
0x78: {  	_ =	shalt  }
0x79: {  	_ =	shalt  }
0x7a: {  	_ =	shalt  }
0x7b: {  	_ =	shalt  }
0x7c: {  	_ =	shalt  }
0x7d: {  	_ =	shalt  }
0x7e: {  	_ =	shalt  }
0x7f: {  	_ =	shalt  }
0x80: {  	_ =	shalt  }
0x81: {  	_ =	shalt  }
0x82: {  	_ =	shalt  }
0x83: {  	_ =	shalt  }
0x84: {  	_ =	shalt  }
0x85: {  	_ =	shalt  }
0x86: {  	_ =	shalt  }
0x87: {  	_ =	shalt  }
.Lfunc_end0:
.L_simem_size_0:
called_computation.1_lowered:
.L_overlay_start_0:
0x88: {  	s2 =	sld [smem:$0x3FD9]  }
0x89: {  	s3 =	sld [smem:$0x3FFE];
	_ =	sdelay $0x1  }
0x8a: {  	s1 =	srdreg.scid  }
0x8b: {  	s0 =	sand.u32 $0x1, s1  }
0x8c: {  	s17 =	sshll.u32 s0, $0xA;
	s2 =	sadd.s32 s3, s2  }
0x8d: {  	s2 =	sadd.s32 s2, s17  }
0x8e: {  	[smem:$0x3FBC] =	sst s2  }
0x8f: {  	_ = 	snop  }
0x90: {  	(tm) =	ssettm $0x1  }
0x91: {  	s18 =	sld [smem:$0x3FFB];
	_ =	sdelay $0x3  }
0x92: {  	_ =	strace s18  }
0x93: {  	s2 =	sld [smem:$0x3FFC];
	_ =	sdelay $0x3  }
0x94: {  	_ =	strace s2  }
0x95: {  	s2 =	sld [smem:$0x3FFD];
	_ =	sdelay $0x3  }
0x96: {  	_ =	strace s2  }
0x97: {  	_ =	strace $0x8FFFFFFF  }
0x98: {  	s19 =	sld [smem:$0x3FDB];
	_ =	sdelay $0x1  }
0x99: {  	s20 =	simm.s32 $_scs_section_size  }
0x9a: {  	s4 =	simm.s32 $_size__tile_overlayer_lowered;
	s5 =	simm.s32 $_tile_overlayer_lowered  }
0x9b: {  	s6 =	simm.s32 $0x1BFF;
	s21 =	sshll.u32 s5, $0x1;
	s3 =	sadd.s32 s20, s19  }
0x9c: {  	s22 =	simm.s32 $0x0;
	s4 =	sshll.u32 s4, $0x1;
	s5 =	sadd.s32 s21, s3  }
0x9d: {  	[timem:s22], [sflag:s6] =	dma.local [hbm:s5], s4  }
0x9e: {  	_ =	swait.ge [sflag:s6], s4  }
0x9f: {  	s4 =	ssub.s32 $0x0, s4;
	[sflag:s6] =	ssyncset.done $0x0  }
0xa0: {  	[sflag:s6] =	ssyncadd.s32 s4;
	_ =	sdelay $0x1  }
0xa1: {  	s23 =	simm.s32 $0x1B8B  }
0xa2: {  	_ =	swait.ge [sflag:s23], $0x1  }
0xa3: {  	[sflag:s23] =	ssyncset.done $0x0  }
0xa4: {  	[sflag:s23] =	ssyncadd.s32 $0xFFFFFFFF  }
0xa5: {  	s4 =	sld [smem:$0x0]  }
0xa6: {  	s5 =	sand.u32 $0xFFFFFFFE, s1  }
0xa7: {  	p0 =	sne.s32 s1, s5  }
0xa8: {  	s5 =	sshll.u32 @p0 s5, $0xE  }
0xa9: {  	s5 =	sadd.s32 @p0 $0x11B8D, s5;
	s6 =	sshll.u32 @p0 s4, $0x11  }
0xaa: {  	s5 =	sor.u32 @p0 s6, s5  }
0xab: {  	[sflag:s5] =	ssyncadd.remote.s32 @p0 $0x1;
	_ =	sdelay $0x1  }
0xac: {  	s5 =	simm.s32 @p0 $0x1B8D  }
0xad: {  	_ =	swait.eq @p0 [sflag:s5], $0x1  }
0xae: {  	[sflag:s5] =	ssyncadd.s32 @p0 $0xFFFFFFFF  }
0xaf: {  	s6 =	sshll.u32 @!p0 s1, $0xE  }
0xb0: {  	s6 =	sor.u32 @!p0 $0x4000, s6;
	s5 =	simm.s32 @!p0 $0x1B8D  }
0xb1: {  	s4 =	sshll.u32 @!p0 s4, $0x11;
	s6 =	sadd.s32 @!p0 $0x11B8D, s6;
	_ =	swait.eq @!p0 [sflag:s5], $0x1  }
0xb2: {  	s4 =	sor.u32 @!p0 s4, s6;
	[sflag:s5] =	ssyncadd.s32 @!p0 $0xFFFFFFFF  }
0xb3: {  	s25 =	simm.s32 $0x1B8E;
	s24 =	sld [smem:$0x3FFE];
	[sflag:s4] =	ssyncadd.remote.s32 @!p0 $0x1  }
0xb4: {  	s26 =	simm.s32 $execute0_lowered;
	[smem:$0x3FD2] =	sst s25  }
0xb5: {  	s5 =	sshll.u32 s26, $0x1;
	_ =	strace $0x80000049;
	[dreg:$0x1] =	wrdreg $0xFFFFFFFF  }
0xb6: {  	s28 =	simm.s32 $_size_execute0_lowered;
	s3 =	sadd.s32 s3, s5;
	[dreg:$0x0] =	wrdreg $0x0  }
0xb7: {  	s5 =	sshll.u32 s28, $0x1;
	[dreg:$0x2] =	wrdreg s3  }
0xb8: {  	[dreg:$0x3] =	wrdreg s5  }
0xb9: {  	[dreg:$0x4] =	wrdreg $0xC0  }
0xba: {  	_ =	task [dreg:s22], $0x5FFFF  }
0xbb: {  	[dreg:$0x1] =	wrdreg $0xFFFFFFFF  }
0xbc: {  	[dreg:$0x0] =	wrdreg $0x60  }
0xbd: {  	[dreg:$0x2] =	wrdreg s24  }
0xbe: {  	[dreg:$0x3] =	wrdreg $0xA8000  }
0xbf: {  	[dreg:$0x4] =	wrdreg $0xA  }
0xc0: {  	_ =	task.clear_ibuf [dreg:s22], $0x5FFFF;
	_ =	strace $0x90000049  }
0xc1: {  	s29 =	simm.s32 $0xA;
	_ =	strace $0x8000004B  }
0xc2: {  	_ =	swait.ge [sflag:s29], $0x1  }
0xc3: {  	[sflag:s29] =	ssyncadd.s32 $0xFFFFFFFF  }
0xc4: {  	_ =	strace $0x9000004B  }
0xc5: {  	_ =	sfence  }
0xc6: {  	s30 =	sld [smem:$0x0];
	_ =	sdelay $0x2  }
0xc7: {  	s31 =	sshll.u32 s1, $0xD;
	s1 =	sshrl.u32 s1, $0x2  }
0xc8: {  	s4 =	sand.u32 $0x4000, s31;
	s1 =	sadd.s32 s1, s30  }
0xc9: {  	s0 =	sor.u32 s4, s0;
	s1 =	sshll.u32 s1, $0x11  }
0xca: {  	s0 =	sor.u32 s1, s0  }
0xcb: {  	s0 =	sadd.s32 $0x8F2B, s0  }
0xcc: {  	[sflag:s0] =	ssyncadd.remote.s32 $0x1  }
0xcd: {  	_ =	sfence.sel $0xFFFF  }
0xce: {  	[dreg:$0x0] =	wrdreg $0xFFFFFFFF;
	(pc) =	sbr.abs _section_cstart, $3  }
0xcf: {  	[dreg:$0x1] =	wrdreg $0xFFFFFFFF  }
0xd0: {  	_ =	task.clear_ibuf [dreg:s22], $0x2FFFF;
	_ =	strace $0x9FFFFFFF  }
0xd1: {  	(tm) =	ssettm $0x7FFFFFFF  }
tec
execute0_lowered:
.L_overlay_start_1:
0x0: {  	(tag) =	ssettag $0x1  }
0x1: {  	s4 =	rddreg [dreg:$0x0]  }
0x2: {  	s2 =	rddreg [dreg:$0x1];
	s3 =	simm.s32 $0x0;
	s0 =	stileid.u32  }
0x3: {  	s5 =	srdreg.scid;
	s15 =	simm.s32 $0x80;
	s16 =	simm.s32 $0x2800  }
0x4: {  	s17 =	simm.s32 $0x6800;
	s18 =	simm.s32 $0x1480;
	s19 =	simm.s32 $0x1  }
0x5: {  	s20 =	simm.s32 $0x2;
	[smem:$0x7FF] =	sst s3;
	s21 =	smul.u32 $0x2800, s0  }
0x6: {  	s5 =	sand.u32 $0x1, s5;
	s9 =	sadd.s32 $0x3C00, s4;
	s7 =	smul.u32 $0x50000, s0  }
0x7: {  	s10 =	sadd.s32 $0x8C00, s4;
	s31 =	sshll.u32 s0, $0x6;
	_ =	strace $0x8000004A  }
0x8: {  	s6 =	smul.u32 $0x28000, s5;
	s5 =	ssub.s32 $0x2, s5;
	s8 =	sadd.s32 s21, s4  }
0x9: {  	s11 =	sshrl.u32 s5, $0x1;
	s30 =	sshrl.u32 s7, $0x2;
	s14 =	sshrl.u32 s21, $0x3  }
0xa: {  	s12 =	sadd.s32 s6, s4;
	s11 =	ssub.s32 s5, s11;
	s13 =	sadd.s32 s30, s2  }
0xb: {  	s4 =	sadd.s32 $0xDC00, s8;
	s5 =	sor.u32 $0x1C03, s31;
	s6 =	sadd.s32 s9, s14  }
0xc: {  	s7 =	sadd.s32 s10, s14;
	s14 =	sadd.s32 $0x280, s14;
	s8 =	sadd.s32 $0x85C00, s12  }
0xd: {  	s9 =	sadd.s32 s9, s14;
	s10 =	sadd.s32 s10, s14;
	s22 =	sadd.s32 $0xD5C00, s12  }
0xe: {  	s11 =	smax.u32 s11, $0x1;
	s12 =	sshrl.u32 s13, $0x3;
	s13 =	simm.s32 $0x3  }
0xf: {  	s14 =	simm.s32 $0x1400;
	s21 =	sadd.s32 s21, s22;
	s22 =	simm.s32 $0x0  }
.LBB2_1:
0x10: {  	[spmem:s12], [sflag:s5] =	dma.local [hbm:s4], $0x2800  }
0x11: {  	_ =	swait.ge [sflag:s13], $0x2800  }
0x12: {  	[sflag:s13] =	ssyncset.done $0x0  }
0x13: {  	[sflag:s13] =	ssyncadd.s32 $0xFFFFD800  }
0x14: {  	[bflag:$0x0] =	sbarrier.arrive $0xFFFF  }
0x15: {  	[tilespmem:s3], [sflag:$0x3] =	stream.linear.gather [hbm4b:s6+s3], $0x1400, $0x38;
	[tilespmem:$0x1E800] =	vst v63  }
0x16: {  	_ =	swait.ge [sflag:s13], $0x1400  }
0x17: {  	[sflag:s13] =	ssyncset.done $0x0  }
0x18: {  	[sflag:s13] =	ssyncadd.s32 $0xFFFFEC00  }
0x19: {  	[tilespmem:s14], [sflag:$0x3] =	stream.linear.gather [hbm4b:s7+s3], $0x1400, $0x38;
	[tilespmem:$0x1E800] =	vst v63  }
0x1a: {  	_ =	swait.ge [sflag:s13], $0x1400  }
0x1b: {  	[sflag:s13] =	ssyncset.done $0x0  }
0x1c: {  	[sflag:s13] =	ssyncadd.s32 $0xFFFFEC00  }
0x1d: {  	[tilespmem:s16], [sflag:$0x3] =	stream.indirect.gather [hbm4b:s8+s15], $0x80, s3, s15, $0xb8;
	[tilespmem:$0x1E800] =	vst v63  }
0x1e: {  	_ =	swait.ge [sflag:s13], $0x4000  }
0x1f: {  	[sflag:s13] =	ssyncset.done $0x0  }
0x20: {  	[sflag:s13] =	ssyncadd.s32 $0xFFFFC000  }
0x21: {  	[spmem:s2] =	stream.indirect.scatter.add.f32 [tilespmem:s16], [sflag:$0x1], $0x80, s14, s15, $0xb8;
	[tilespmem:$0x1E800] =	vst v63  }
0x22: {  	_ = 	snop  }
0x23: {  	[tilespmem:s17], [sflag:$0x3] =	stream.indirect.gather [hbm4b:s8+s15], $0x80, s15, s15, $0xb8;
	[tilespmem:$0x1E800] =	vst v63  }
0x24: {  	_ =	swait.ge [sflag:s13], $0x4000  }
0x25: {  	s23 =	sand.u32 $0x1, s20;
	[sflag:s13] =	ssyncset.done $0x0  }
0x26: {  	s24 =	sadd.s32 $0x1, s23;
	[sflag:s13] =	ssyncadd.s32 $0xFFFFC000  }
0x27: {  	[spmem:s2] =	stream.indirect.scatter.add.f32 [tilespmem:s17], [sflag:$0x2], $0x80, s18, s15, $0xb8;
	[tilespmem:$0x1E800] =	vst v63  }
0x28: {  	s25 =	simm.s32 $0x100;
	_ =	swait.ge [sflag:s24], $0x4000  }
0x29: {  	s26 =	simm.s32 $0x1500;
	s23 =	sshll.u32 s23, $0xE;
	[sflag:s24] =	ssyncset.done $0x0  }
0x2a: {  	s29 =	simm.s32 $0x3;
	s28 =	sor.u32 $0x2800, s23;
	[sflag:s24] =	ssyncadd.s32 $0xFFFFC000  }
0x2b: {  	[tilespmem:s28], [sflag:$0x3] =	stream.indirect.gather [hbm4b:s8+s15], $0x80, s25, s15, $0xb8;
	[tilespmem:$0x1E800] =	vst v63  }
0x2c: {  	s30 =	simm.s32 $0x4;
	s29 =	sand.u32 $0x1, s29;
	_ =	swait.ge [sflag:s13], $0x4000  }
0x2d: {  	s23 =	simm.s32 $0x1580;
	s25 =	simm.s32 $0x180;
	[sflag:s13] =	ssyncset.done $0x0  }
.LBB2_2:
0x2e: {  	s31 =	sadd.s32 $0x1, s29  }
0x2f: {  	[sflag:s13] =	ssyncadd.s32 $0xFFFFC000;
	s0 =	smov.u32 s30;
	s1 =	sadd.s32 $0x1, s30  }
0x30: {  	[spmem:s2] =	stream.indirect.scatter.add.f32 [tilespmem:s28], [sflag:s24], $0x80, s26, s15, $0xb8;
	[tilespmem:$0x1E800] =	vst v63  }
0x31: {  	p0 =	sne.s32 s30, $0x27;
	s24 =	smov.u32 s31;
	_ =	swait.ge [sflag:s31], $0x4000  }
.Ltmp0:
0x32: {  	s26 =	sshll.u32 s29, $0xE;
	[sflag:s24] =	ssyncset.done $0x0;
	(pc) =	sbr.rel @p0 .LBB2_2-.Ltmp0, $4  }
0x33: {  	s28 =	sor.u32 $0x2800, s26;
	s26 =	smov.u32 s23;
	[sflag:s24] =	ssyncadd.s32 $0xFFFFC000  }
0x34: {  	[tilespmem:s28], [sflag:$0x3] =	stream.indirect.gather [hbm4b:s8+s15], $0x80, s25, s15, $0xb8;
	[tilespmem:$0x1E800] =	vst v63  }
0x35: {  	s29 =	sand.u32 $0x1, s0;
	s23 =	sadd.s32 $0x80, s23;
	_ =	swait.ge [sflag:s13], $0x4000  }
0x36: {  	s30 =	smov.u32 s1;
	s25 =	sadd.s32 $0x80, s25;
	[sflag:s13] =	ssyncset.done $0x0  }
0x37: {  	s0 =	sadd.s32 $0x1, s29;
	[sflag:s13] =	ssyncadd.s32 $0xFFFFC000  }
0x38: {  	[spmem:s2] =	stream.indirect.scatter.add.f32 [tilespmem:s28], [sflag:s24], $0x80, s26, s15, $0xb8;
	[tilespmem:$0x1E800] =	vst v63  }
0x39: {  	_ =	swait.ge [sflag:s0], $0x4000  }
0x3a: {  	s1 =	sshll.u32 s29, $0xE;
	[sflag:s0] =	ssyncset.done $0x0  }
0x3b: {  	s1 =	sor.u32 $0x2800, s1;
	[sflag:s0] =	ssyncadd.s32 $0xFFFFC000  }
0x3c: {  	[tilespmem:s1], [sflag:$0x3] =	stream.indirect.gather [hbm4b:s8+s15], $0x80, s25, s15, $0xb8;
	[tilespmem:$0x1E800] =	vst v63  }
0x3d: {  	_ =	swait.ge [sflag:s13], $0x4000  }
0x3e: {  	[sflag:s13] =	ssyncset.done $0x0  }
0x3f: {  	[sflag:s13] =	ssyncadd.s32 $0xFFFFC000  }
0x40: {  	[spmem:s2] =	stream.indirect.scatter.add.f32 [tilespmem:s1], [sflag:s0], $0x80, s23, s15, $0xb8;
	[tilespmem:$0x1E800] =	vst v63  }
0x41: {  	_ =	swait.ge [sflag:s19], $0x4000  }
0x42: {  	[sflag:s19] =	ssyncset.done $0x0  }
0x43: {  	s24 =	simm.s32 $0x2;
	[sflag:s19] =	ssyncadd.s32 $0xFFFFC000  }
0x44: {  	_ =	swait.ge [sflag:s24], $0x4000  }
0x45: {  	[sflag:s24] =	ssyncset.done $0x0  }
0x46: {  	[sflag:s24] =	ssyncadd.s32 $0xFFFFC000  }
0x47: {  	[tilespmem:s3], [sflag:$0x3] =	stream.linear.gather [hbm4b:s9+s3], $0x1400, $0x38;
	[tilespmem:$0x1E800] =	vst v63  }
0x48: {  	_ =	swait.ge [sflag:s13], $0x1400  }
0x49: {  	[sflag:s13] =	ssyncset.done $0x0  }
0x4a: {  	[sflag:s13] =	ssyncadd.s32 $0xFFFFEC00  }
0x4b: {  	[tilespmem:s14], [sflag:$0x3] =	stream.linear.gather [hbm4b:s10+s3], $0x1400, $0x38;
	[tilespmem:$0x1E800] =	vst v63  }
0x4c: {  	_ =	swait.ge [sflag:s13], $0x1400  }
0x4d: {  	[sflag:s13] =	ssyncset.done $0x0  }
0x4e: {  	[sflag:s13] =	ssyncadd.s32 $0xFFFFEC00  }
0x4f: {  	[tilespmem:s16], [sflag:$0x3] =	stream.indirect.gather [hbm4b:s8+s15], $0x80, s3, s15, $0xb8;
	[tilespmem:$0x1E800] =	vst v63  }
0x50: {  	_ =	swait.ge [sflag:s13], $0x4000  }
0x51: {  	[sflag:s13] =	ssyncset.done $0x0  }
0x52: {  	[sflag:s13] =	ssyncadd.s32 $0xFFFFC000  }
0x53: {  	[spmem:s2] =	stream.indirect.scatter.add.f32 [tilespmem:s16], [sflag:$0x1], $0x80, s14, s15, $0xb8;
	[tilespmem:$0x1E800] =	vst v63  }
0x54: {  	_ = 	snop  }
0x55: {  	[tilespmem:s17], [sflag:$0x3] =	stream.indirect.gather [hbm4b:s8+s15], $0x80, s15, s15, $0xb8;
	[tilespmem:$0x1E800] =	vst v63  }
0x56: {  	_ =	swait.ge [sflag:s13], $0x4000  }
0x57: {  	s0 =	sand.u32 $0x1, s24;
	[sflag:s13] =	ssyncset.done $0x0  }
0x58: {  	s24 =	sadd.s32 $0x1, s0;
	[sflag:s13] =	ssyncadd.s32 $0xFFFFC000  }
0x59: {  	[spmem:s2] =	stream.indirect.scatter.add.f32 [tilespmem:s17], [sflag:$0x2], $0x80, s18, s15, $0xb8;
	[tilespmem:$0x1E800] =	vst v63  }
0x5a: {  	s31 =	simm.s32 $0x3;
	_ =	swait.ge [sflag:s24], $0x4000  }
0x5b: {  	s30 =	simm.s32 $0x4;
	s0 =	sshll.u32 s0, $0xE;
	[sflag:s24] =	ssyncset.done $0x0  }
0x5c: {  	s25 =	simm.s32 $0x100;
	s28 =	sor.u32 $0x2800, s0;
	[sflag:s24] =	ssyncadd.s32 $0xFFFFC000  }
0x5d: {  	[tilespmem:s28], [sflag:$0x3] =	stream.indirect.gather [hbm4b:s8+s15], $0x80, s25, s15, $0xb8;
	[tilespmem:$0x1E800] =	vst v63  }
0x5e: {  	s26 =	simm.s32 $0x1500;
	s29 =	sand.u32 $0x1, s31;
	_ =	swait.ge [sflag:s13], $0x4000  }
0x5f: {  	s23 =	simm.s32 $0x1580;
	s25 =	simm.s32 $0x180;
	[sflag:s13] =	ssyncset.done $0x0  }
.LBB2_4:
0x60: {  	s0 =	sadd.s32 $0x1, s29  }
0x61: {  	[sflag:s13] =	ssyncadd.s32 $0xFFFFC000;
	s1 =	smov.u32 s30;
	s31 =	sadd.s32 $0x1, s30  }
0x62: {  	[spmem:s2] =	stream.indirect.scatter.add.f32 [tilespmem:s28], [sflag:s24], $0x80, s26, s15, $0xb8;
	[tilespmem:$0x1E800] =	vst v63  }
0x63: {  	p0 =	sne.s32 s30, $0x27;
	s24 =	smov.u32 s0;
	_ =	swait.ge [sflag:s0], $0x4000  }
.Ltmp1:
0x64: {  	s0 =	sshll.u32 s29, $0xE;
	[sflag:s24] =	ssyncset.done $0x0;
	(pc) =	sbr.rel @p0 .LBB2_4-.Ltmp1, $4  }
0x65: {  	s26 =	smov.u32 s23;
	s28 =	sor.u32 $0x2800, s0;
	[sflag:s24] =	ssyncadd.s32 $0xFFFFC000  }
0x66: {  	[tilespmem:s28], [sflag:$0x3] =	stream.indirect.gather [hbm4b:s8+s15], $0x80, s25, s15, $0xb8;
	[tilespmem:$0x1E800] =	vst v63  }
0x67: {  	s23 =	sadd.s32 $0x80, s23;
	s30 =	smov.u32 s31;
	_ =	swait.ge [sflag:s13], $0x4000  }
0x68: {  	s29 =	sand.u32 $0x1, s1;
	s25 =	sadd.s32 $0x80, s25;
	[sflag:s13] =	ssyncset.done $0x0  }
0x69: {  	s0 =	sadd.s32 $0x1, s29;
	[sflag:s13] =	ssyncadd.s32 $0xFFFFC000  }
0x6a: {  	[spmem:s2] =	stream.indirect.scatter.add.f32 [tilespmem:s28], [sflag:s24], $0x80, s26, s15, $0xb8;
	[tilespmem:$0x1E800] =	vst v63  }
0x6b: {  	_ =	swait.ge [sflag:s0], $0x4000  }
0x6c: {  	s1 =	sshll.u32 s29, $0xE;
	[sflag:s0] =	ssyncset.done $0x0  }
0x6d: {  	s1 =	sor.u32 $0x2800, s1;
	[sflag:s0] =	ssyncadd.s32 $0xFFFFC000  }
0x6e: {  	[tilespmem:s1], [sflag:$0x3] =	stream.indirect.gather [hbm4b:s8+s15], $0x80, s25, s15, $0xb8;
	[tilespmem:$0x1E800] =	vst v63  }
0x6f: {  	_ =	swait.ge [sflag:s13], $0x4000  }
0x70: {  	[sflag:s13] =	ssyncset.done $0x0  }
0x71: {  	[sflag:s13] =	ssyncadd.s32 $0xFFFFC000  }
0x72: {  	[spmem:s2] =	stream.indirect.scatter.add.f32 [tilespmem:s1], [sflag:s0], $0x80, s23, s15, $0xb8;
	[tilespmem:$0x1E800] =	vst v63  }
0x73: {  	_ =	swait.ge [sflag:s19], $0x4000  }
0x74: {  	[sflag:s19] =	ssyncset.done $0x0  }
0x75: {  	[sflag:s19] =	ssyncadd.s32 $0xFFFFC000  }
0x76: {  	_ =	swait.ge [sflag:s20], $0x4000  }
0x77: {  	[sflag:s20] =	ssyncset.done $0x0  }
0x78: {  	s22 =	sadd.s32 $0x1, s22;
	[sflag:s20] =	ssyncadd.s32 $0xFFFFC000  }
0x79: {  	p0 =	sne.s32 s22, s11;
	[bflag:$0x0] =	sbarrier.arrive $0xFFFF  }
0x7a: {  	[hbm:s21], [sflag:s5] =	dma.local [spmem:s12], $0x2800  }
.Ltmp2:
0x7b: {  	_ =	swait.ge [sflag:s13], $0x2800;
	(pc) =	sbr.rel @p0 .LBB2_1-.Ltmp2, $3  }
0x7c: {  	[sflag:s13] =	ssyncset.done $0x0  }
0x7d: {  	[sflag:s13] =	ssyncadd.s32 $0xFFFFD800  }
0x7e: {  	[bflag:$0x0] =	sbarrier.arrive $0xFFFF;
	_ =	sdelay $0x1  }
0x7f: {  	_ =	sfence.sel $0x180000  }
0x80: {  	[bflag:$0x0] =	sbarrier.arrive $0xFFFF  }
0x81: {  	_ =	strace $0x9000004A  }
0x82: {  	s0 =	stileid.u32;
	[bflag:$0x2] =	sbarrier.arrive $0xFFFF  }
0x83: {  	p0 =	sne.s32 s0, $0x0;
	s0 =	rddreg [dreg:$0x2]  }
0x84: {  	s0 =	sadd.s32 @!p0 $0x100000, s0  }
0x85: {  	[sflag:s0] =	ssyncadd.tile.s32 @!p0 $0x1;
	_ =	shalt  }
.Lfunc_end2:
_tile_overlayer_lowered:
.L_overlay_start_2:
0x86: {  	(tag) =	ssettag $0x2  }
0x87: {  	s0 =	rddreg [dreg:$0x0];
	s2 =	stileid.u32  }
0x88: {  	s1 =	rddreg [dreg:$0x1];
	p0 =	sne.s32 s2, $0x0  }
0x89: {  	s3 =	rddreg [dreg:$0x2];
	[bflag:$0x3] =	sbarrier.arrive $0xFFFF;
	s2 =	simm.s32 @!p0 $0x1C03  }
0x8a: {  	[timem:s3], [sflag:s2] =	dma.local @!p0 [hbm:s0], s1  }
0x8b: {  	s0 =	simm.s32 @!p0 $0x3  }
0x8c: {  	_ =	swait.ge @!p0 [sflag:s0], s1  }
0x8d: {  	s1 =	ssub.s32 @!p0 $0x0, s1;
	[sflag:s0] =	ssyncset.done @!p0 $0x0  }
0x8e: {  	[sflag:s0] =	ssyncadd.s32 @!p0 s1  }
0x8f: {  	[bflag:$0x3] =	sbarrier.arrive $0xFFFF  }
0x90: {  	_ =	shalt  }

// kernel: kernel.15.cloned.1.call-start
scs
__scs_entry_jumppad:
0x0: {  	(pc) =	sbr.rel $0x88, $3  }
0x1: {  	(tag) =	ssettag $0x0;
	lr =	simm.s32 $0x1  }
0x2: {  	[smem:$0x3F95] =	sst lr;
	_ =	strace $0xD0000000  }
0x3: {  	_ = 	snop  }
0x4: {  	_ = 	snop  }
0x5: {  	_ = 	snop  }
0x6: {  	_ = 	snop  }
0x7: {  	_ = 	snop  }
__scs_overlays_trampoline_lowered:
0x8: {  	[smem:$0x3FA4] =	sst s0  }
0x9: {  	[smem:$0x3FA5] =	sst s1  }
0xa: {  	[smem:$0x3FA6] =	sst s2  }
0xb: {  	[smem:$0x3FA7] =	sst s3  }
0xc: {  	[smem:$0x3FA8] =	sst s4  }
0xd: {  	[smem:$0x3FA9] =	sst s5  }
0xe: {  	[smem:$0x3FAA] =	sst s6  }
0xf: {  	[smem:$0x3FAB] =	sst s7  }
0x10: {  	[smem:$0x3FAC] =	sst s8  }
0x11: {  	[smem:$0x3FAD] =	sst s9;
	s0 =	simm.s32 @!p0 $0x0  }
0x12: {  	s1 =	sld [smem:$0x3F93];
	s0 =	simm.s32 @p0 $0x1  }
0x13: {  	[smem:$0x3FAE] =	sst s0;
	s0 =	simm.s32 @!p1 $0x0  }
0x14: {  	s2 =	sld [smem:$0x3F92];
	s0 =	simm.s32 @p1 $0x1  }
0x15: {  	[smem:$0x3FAF] =	sst s0;
	s0 =	simm.s32 @!p2 $0x0  }
0x16: {  	s3 =	sld [smem:$0x3FDB];
	s0 =	simm.s32 @p2 $0x1  }
0x17: {  	s4 =	simm.s32 $0x1BF5;
	[smem:$0x3FB1] =	sst s0  }
0x18: {  	s0 =	sld [smem:$0x3F94];
	_ =	swait.ge [sflag:s4], $0x0  }
0x19: {  	s7 =	sld [smem:$0x3F95]  }
0x1a: {  	s8 =	sadd.s32 $0xFFFFE003, lr  }
0x1b: {  	s9 =	sadd.s32 $0xFFFFFEF7, lr;
	s5 =	simm.s32 $0xFFFFFFFF;
	p2 =	slt.u32 s8, $0xFFFFF086  }
0x1c: {  	p1 =	slt.u32 s9, $0xF7A;
	s5 =	simm.s32 @!p2 $0x0  }
0x1d: {  	s5 =	simm.s32 @p1 $0x1;
	p0 =	seq.s32 s7, s2  }
0x1e: {  	s7 =	smul.u32 @!p0 $0xF7A, s2;
	p2 =	seq.s32 @!p0 s5, $0x0  }
0x1f: {  	s9 =	smul.u32 $0xF7A, s1;
	s8 =	simm.s32 @!p0 $0x1BF5;
	p2 =	por !p2, p0  }
0x20: {  	[sflag:s8] =	ssyncset.s32 @!p0 $0xFFFFF086;
	s6 =	sadd.s32 @!p0 s3, s7;
	s7 =	simm.s32 @!p0 $0x108  }
0x21: {  	s3 =	sadd.s32 s3, s9;
	s6 =	sadd.s32 @!p0 $0x88, s6;
	s7 =	simm.s32 @p2 $0x1082  }
0x22: {  	[simem:s7], [sflag:s8] =	dma.local @!p0 [hbm:s6], $0xF7A  }
0x23: {  	s9 =	sor.u32 $0xD0000000, s2;
	s6 =	simm.s32 $0x108;
	_ =	swait.ge @!p0 [sflag:s8], $0x0  }
0x24: {  	s3 =	sadd.s32 $0x88, s3;
	s6 =	simm.s32 @!p1 $0x1082;
	[sflag:s4] =	ssyncset.s32 $0xFFFFF086  }
0x25: {  	[simem:s6], [sflag:s4] =	dma.local [hbm:s3], $0xF7A  }
0x26: {  	[smem:$0x3F95] =	sst s1;
	(tag) =	ssettag s2;
	_ =	strace s9  }
0x27: {  	s1 =	sld [smem:$0x3FA5]  }
0x28: {  	s2 =	sld [smem:$0x3FA6]  }
0x29: {  	s4 =	sld [smem:$0x3FA8]  }
0x2a: {  	p0 =	seq.s32 s5, $0x0;
	s5 =	sld [smem:$0x3FA9]  }
0x2b: {  	s6 =	sld [smem:$0x3FAA]  }
0x2c: {  	s7 =	sld [smem:$0x3FAB]  }
0x2d: {  	s3 =	simm.s32 $0x108;
	s8 =	sld [smem:$0x3FAC]  }
0x2e: {  	s3 =	simm.s32 @!p0 $0x1082;
	s9 =	sld [smem:$0x3FAD]  }
0x2f: {  	lr =	sadd.s32 s0, s3;
	s0 =	sld [smem:$0x3FA4]  }
0x30: {  	s3 =	sld [smem:$0x3FA7]  }
0x31: {  	[smem:$0x3FB0] =	sst s10  }
0x32: {  	s10 =	sld [smem:$0x3FAE];
	_ =	sdelay $0x3  }
0x33: {  	p0 =	seq.s32 s10, $0x1;
	s10 =	sld [smem:$0x3FB0];
	_ =	sdelay $0x3  }
0x34: {  	[smem:$0x3FB0] =	sst s10  }
0x35: {  	s10 =	sld [smem:$0x3FAF];
	_ =	sdelay $0x3  }
0x36: {  	p1 =	seq.s32 s10, $0x1;
	s10 =	sld [smem:$0x3FB0];
	_ =	sdelay $0x3  }
0x37: {  	[smem:$0x3FB0] =	sst s10  }
0x38: {  	s10 =	sld [smem:$0x3FB1]  }
0x39: {  	_ = 	snop;
	(pc) =	sbr.ind lr, $3  }
0x3a: {  	_ = 	snop  }
0x3b: {  	_ = 	snop  }
0x3c: {  	p2 =	seq.s32 s10, $0x1;
	s10 =	sld [smem:$0x3FB0]  }
0x3d: {  	_ =	shalt  }
0x3e: {  	_ =	shalt  }
0x3f: {  	_ =	shalt  }
0x40: {  	_ =	shalt  }
0x41: {  	_ =	shalt  }
0x42: {  	_ =	shalt  }
0x43: {  	_ =	shalt  }
0x44: {  	_ =	shalt  }
0x45: {  	_ =	shalt  }
0x46: {  	_ =	shalt  }
0x47: {  	_ =	shalt  }
0x48: {  	_ =	shalt  }
0x49: {  	_ =	shalt  }
0x4a: {  	_ =	shalt  }
0x4b: {  	_ =	shalt  }
0x4c: {  	_ =	shalt  }
0x4d: {  	_ =	shalt  }
0x4e: {  	_ =	shalt  }
0x4f: {  	_ =	shalt  }
0x50: {  	_ =	shalt  }
0x51: {  	_ =	shalt  }
0x52: {  	_ =	shalt  }
0x53: {  	_ =	shalt  }
0x54: {  	_ =	shalt  }
0x55: {  	_ =	shalt  }
0x56: {  	_ =	shalt  }
0x57: {  	_ =	shalt  }
0x58: {  	_ =	shalt  }
0x59: {  	_ =	shalt  }
0x5a: {  	_ =	shalt  }
0x5b: {  	_ =	shalt  }
0x5c: {  	_ =	shalt  }
0x5d: {  	_ =	shalt  }
0x5e: {  	_ =	shalt  }
0x5f: {  	_ =	shalt  }
0x60: {  	_ =	shalt  }
0x61: {  	_ =	shalt  }
0x62: {  	_ =	shalt  }
0x63: {  	_ =	shalt  }
0x64: {  	_ =	shalt  }
0x65: {  	_ =	shalt  }
0x66: {  	_ =	shalt  }
0x67: {  	_ =	shalt  }
0x68: {  	_ =	shalt  }
0x69: {  	_ =	shalt  }
0x6a: {  	_ =	shalt  }
0x6b: {  	_ =	shalt  }
0x6c: {  	_ =	shalt  }
0x6d: {  	_ =	shalt  }
0x6e: {  	_ =	shalt  }
0x6f: {  	_ =	shalt  }
0x70: {  	_ =	shalt  }
0x71: {  	_ =	shalt  }
0x72: {  	_ =	shalt  }
0x73: {  	_ =	shalt  }
0x74: {  	_ =	shalt  }
0x75: {  	_ =	shalt  }
0x76: {  	_ =	shalt  }
0x77: {  	_ =	shalt  }
0x78: {  	_ =	shalt  }
0x79: {  	_ =	shalt  }
0x7a: {  	_ =	shalt  }
0x7b: {  	_ =	shalt  }
0x7c: {  	_ =	shalt  }
0x7d: {  	_ =	shalt  }
0x7e: {  	_ =	shalt  }
0x7f: {  	_ =	shalt  }
0x80: {  	_ =	shalt  }
0x81: {  	_ =	shalt  }
0x82: {  	_ =	shalt  }
0x83: {  	_ =	shalt  }
0x84: {  	_ =	shalt  }
0x85: {  	_ =	shalt  }
0x86: {  	_ =	shalt  }
0x87: {  	_ =	shalt  }
.Lfunc_end0:
.L_simem_size_0:
called_computation.2_lowered:
.L_overlay_start_0:
0x88: {  	s2 =	sld [smem:$0x3FD9]  }
0x89: {  	s3 =	sld [smem:$0x3FFE];
	_ =	sdelay $0x1  }
0x8a: {  	s1 =	srdreg.scid  }
0x8b: {  	s0 =	sand.u32 $0x1, s1  }
0x8c: {  	s16 =	sshll.u32 s0, $0xA;
	s2 =	sadd.s32 s3, s2  }
0x8d: {  	s2 =	sadd.s32 s2, s16  }
0x8e: {  	[smem:$0x3FBC] =	sst s2  }
0x8f: {  	_ = 	snop  }
0x90: {  	(tm) =	ssettm $0x1  }
0x91: {  	s17 =	sld [smem:$0x3FFB];
	_ =	sdelay $0x3  }
0x92: {  	_ =	strace s17  }
0x93: {  	s2 =	sld [smem:$0x3FFC];
	_ =	sdelay $0x3  }
0x94: {  	_ =	strace s2  }
0x95: {  	s2 =	sld [smem:$0x3FFD];
	_ =	sdelay $0x3  }
0x96: {  	_ =	strace s2  }
0x97: {  	_ =	strace $0x8FFFFFFF  }
0x98: {  	s18 =	sld [smem:$0x3FDB];
	_ =	sdelay $0x1  }
0x99: {  	s19 =	simm.s32 $_scs_section_size  }
0x9a: {  	s4 =	simm.s32 $_size__tile_overlayer_lowered;
	s5 =	simm.s32 $_tile_overlayer_lowered  }
0x9b: {  	s22 =	simm.s32 $0x1BFF;
	s21 =	sshll.u32 s5, $0x1;
	s2 =	sadd.s32 s19, s18  }
0x9c: {  	s6 =	simm.s32 $0x0;
	s20 =	sshll.u32 s4, $0x1;
	s4 =	sadd.s32 s21, s2  }
0x9d: {  	[timem:s6], [sflag:s22] =	dma.local [hbm:s4], s20  }
0x9e: {  	_ =	swait.ge [sflag:s22], s20  }
0x9f: {  	s3 =	ssub.s32 $0x0, s20;
	[sflag:s22] =	ssyncset.done $0x0  }
0xa0: {  	[sflag:s22] =	ssyncadd.s32 s3;
	_ =	sdelay $0x1  }
0xa1: {  	s23 =	simm.s32 $0x1B8B  }
0xa2: {  	_ =	swait.ge [sflag:s23], $0x1  }
0xa3: {  	[sflag:s23] =	ssyncset.done $0x0  }
0xa4: {  	s25 =	simm.s32 $0x1B8E;
	s24 =	sld [smem:$0x3FFE];
	[sflag:s23] =	ssyncadd.s32 $0xFFFFFFFF  }
0xa5: {  	s26 =	simm.s32 $execute0_lowered;
	[smem:$0x3FD2] =	sst s25  }
0xa6: {  	s4 =	sshll.u32 s26, $0x1;
	_ =	strace $0x8000004C;
	[dreg:$0x1] =	wrdreg $0xFFFFFFFF  }
0xa7: {  	s28 =	simm.s32 $_size_execute0_lowered;
	s2 =	sadd.s32 s2, s4;
	[dreg:$0x0] =	wrdreg $0x0  }
0xa8: {  	s4 =	sshll.u32 s28, $0x1;
	[dreg:$0x2] =	wrdreg s2  }
0xa9: {  	[dreg:$0x3] =	wrdreg s4  }
0xaa: {  	[dreg:$0x4] =	wrdreg $0xC0  }
0xab: {  	_ =	task [dreg:s6], $0x5FFFF  }
0xac: {  	[dreg:$0x1] =	wrdreg $0xFFFFFFFF  }
0xad: {  	[dreg:$0x0] =	wrdreg $0x60  }
0xae: {  	[dreg:$0x2] =	wrdreg s24  }
0xaf: {  	[dreg:$0x3] =	wrdreg $0xA8000  }
0xb0: {  	[dreg:$0x4] =	wrdreg $0x9  }
0xb1: {  	_ =	task.clear_ibuf [dreg:s6], $0x5FFFF;
	_ =	strace $0x9000004C  }
0xb2: {  	s29 =	simm.s32 $0x9;
	_ =	strace $0x8000004E  }
0xb3: {  	_ =	swait.ge [sflag:s29], $0x1  }
0xb4: {  	[sflag:s29] =	ssyncadd.s32 $0xFFFFFFFF  }
0xb5: {  	_ =	strace $0x9000004E  }
0xb6: {  	_ =	sfence  }
0xb7: {  	s30 =	sld [smem:$0x0];
	_ =	sdelay $0x2  }
0xb8: {  	s31 =	sshll.u32 s1, $0xD;
	s1 =	sshrl.u32 s1, $0x2  }
0xb9: {  	s3 =	sand.u32 $0x4000, s31;
	s1 =	sadd.s32 s1, s30  }
0xba: {  	s0 =	sor.u32 s3, s0;
	s1 =	sshll.u32 s1, $0x11  }
0xbb: {  	s0 =	sor.u32 s1, s0  }
0xbc: {  	s0 =	sadd.s32 $0x8F2B, s0  }
0xbd: {  	[sflag:s0] =	ssyncadd.remote.s32 $0x1  }
0xbe: {  	_ =	sfence.sel $0xFFFF  }
0xbf: {  	[dreg:$0x0] =	wrdreg $0xFFFFFFFF;
	(pc) =	sbr.abs _section_cstart, $3  }
0xc0: {  	[dreg:$0x1] =	wrdreg $0xFFFFFFFF  }
0xc1: {  	_ =	task.clear_ibuf [dreg:s6], $0x2FFFF;
	_ =	strace $0x9FFFFFFF  }
0xc2: {  	(tm) =	ssettm $0x7FFFFFFF  }
0xc3: {  	_ =	shalt  }
tec
execute0_lowered:
.L_overlay_start_1:
0x0: {  	(tag) =	ssettag $0x1  }
0x1: {  	s0 =	rddreg [dreg:$0x0]  }
0x2: {  	s1 =	rddreg [dreg:$0x1];
	s3 =	simm.s32 $0x0  }
0x3: {  	s4 =	stileid.u32;
	s29 =	srdreg.scid;
	s16 =	simm.s32 $0x3  }
0x4: {  	s17 =	simm.s32 $0x1400;
	s18 =	simm.s32 $0x80;
	s19 =	simm.s32 $0x2800  }
0x5: {  	s20 =	simm.s32 $0x6800;
	s21 =	simm.s32 $0x1480;
	s22 =	simm.s32 $0x1  }
0x6: {  	s23 =	simm.s32 $0x2;
	[smem:$0x7FF] =	sst s3;
	s5 =	smul.u32 $0x2800, s4  }
0x7: {  	s2 =	sadd.s32 $0x85C00, s0;
	s12 =	sadd.s32 $0x3C00, s0;
	s8 =	smul.u32 $0x50000, s4  }
0x8: {  	_ =	strace $0x8000004D;
	[dreg:$0x3] =	wrdreg s2;
	s2 =	sand.u32 $0x1, s29  }
0x9: {  	s13 =	sadd.s32 $0x8C00, s0;
	s10 =	sshll.u32 s4, $0x6;
	s7 =	ssub.s32 $0x2, s2  }
0xa: {  	s9 =	sadd.s32 s5, s0;
	s0 =	sadd.s32 $0x125C00, s0;
	s31 =	sshrl.u32 s8, $0x2  }
0xb: {  	s6 =	smov.u32 s5;
	s11 =	sshrl.u32 s5, $0x3;
	[dreg:$0x4] =	wrdreg s0  }
0xc: {  	s30 =	sshrl.u32 s7, $0x1;
	s8 =	sadd.s32 $0xDC00, s9;
	s9 =	sor.u32 $0x1C03, s10  }
0xd: {  	s14 =	sadd.s32 $0x280, s11;
	s10 =	sadd.s32 s12, s11;
	s11 =	sadd.s32 s13, s11  }
0xe: {  	s0 =	ssub.s32 s7, s30;
	s7 =	sshll.u32 s2, $0x1;
	s2 =	sadd.s32 s31, s1  }
0xf: {  	s12 =	sadd.s32 s12, s14;
	s13 =	sadd.s32 s13, s14;
	s0 =	smax.u32 s0, $0x1  }
0x10: {  	s15 =	sshrl.u32 s2, $0x3;
	s2 =	simm.s32 $0x0;
	[dreg:$0x5] =	wrdreg s0  }
.LBB2_1:
0x11: {  	[dreg:$0x6] =	wrdreg s2;
	p1 =	por $0x1, $0x1;
	s0 =	simm.s32 $0x0  }
.LBB2_2:
0x12: {  	[spmem:s15], [sflag:s9] =	dma.local [hbm:s8], $0x2800  }
0x13: {  	_ =	swait.ge [sflag:s16], $0x2800  }
0x14: {  	[sflag:s16] =	ssyncset.done $0x0  }
0x15: {  	[sflag:s16] =	ssyncadd.s32 $0xFFFFD800  }
0x16: {  	[bflag:$0x0] =	sbarrier.arrive $0xFFFF  }
0x17: {  	[tilespmem:s3], [sflag:$0x3] =	stream.linear.gather [hbm4b:s10+s3], $0x1400, $0x38;
	[tilespmem:$0x1E800] =	vst v63  }
0x18: {  	_ =	swait.ge [sflag:s16], $0x1400  }
0x19: {  	[sflag:s16] =	ssyncset.done $0x0  }
0x1a: {  	s0 =	sor.u32 s7, s0;
	[sflag:s16] =	ssyncadd.s32 $0xFFFFEC00  }
0x1b: {  	[tilespmem:s17], [sflag:$0x3] =	stream.linear.gather [hbm4b:s11+s3], $0x1400, $0x38;
	[tilespmem:$0x1E800] =	vst v63  }
0x1c: {  	s25 =	smul.u32 $0x28000, s0;
	_ =	swait.ge [sflag:s16], $0x1400  }
0x1d: {  	[sflag:s16] =	ssyncset.done $0x0;
	s14 =	rddreg [dreg:$0x3]  }
0x1e: {  	[sflag:s16] =	ssyncadd.s32 $0xFFFFEC00;
	s26 =	sadd.s32 s14, s25  }
0x1f: {  	[tilespmem:s19], [sflag:$0x3] =	stream.indirect.gather [hbm4b:s26+s18], $0x80, s3, s18, $0xb8;
	[tilespmem:$0x1E800] =	vst v63  }
0x20: {  	_ =	swait.ge [sflag:s16], $0x4000  }
0x21: {  	[sflag:s16] =	ssyncset.done $0x0  }
0x22: {  	[sflag:s16] =	ssyncadd.s32 $0xFFFFC000  }
0x23: {  	[spmem:s1] =	stream.indirect.scatter.add.f32 [tilespmem:s19], [sflag:$0x1], $0x80, s17, s18, $0xb8;
	[tilespmem:$0x1E800] =	vst v63  }
0x24: {  	_ = 	snop  }
0x25: {  	[tilespmem:s20], [sflag:$0x3] =	stream.indirect.gather [hbm4b:s26+s18], $0x80, s18, s18, $0xb8;
	[tilespmem:$0x1E800] =	vst v63  }
0x26: {  	s24 =	simm.s32 $0x2;
	_ =	swait.ge [sflag:s16], $0x4000  }
0x27: {  	s0 =	sand.u32 $0x1, s24;
	[sflag:s16] =	ssyncset.done $0x0  }
0x28: {  	s29 =	sadd.s32 $0x1, s0;
	[sflag:s16] =	ssyncadd.s32 $0xFFFFC000  }
0x29: {  	[spmem:s1] =	stream.indirect.scatter.add.f32 [tilespmem:s20], [sflag:$0x2], $0x80, s21, s18, $0xb8;
	[tilespmem:$0x1E800] =	vst v63  }
0x2a: {  	s2 =	simm.s32 $0x100;
	s31 =	simm.s32 $0x1500;
	_ =	swait.ge [sflag:s29], $0x4000  }
0x2b: {  	s30 =	simm.s32 $0x3;
	s0 =	sshll.u32 s0, $0xE;
	[sflag:s29] =	ssyncset.done $0x0  }
0x2c: {  	s28 =	simm.s32 $0x1580;
	s0 =	sor.u32 $0x2800, s0;
	[sflag:s29] =	ssyncadd.s32 $0xFFFFC000  }
0x2d: {  	[tilespmem:s0], [sflag:$0x3] =	stream.indirect.gather [hbm4b:s26+s18], $0x80, s2, s18, $0xb8;
	[tilespmem:$0x1E800] =	vst v63  }
0x2e: {  	p0 =	por p1, p1;
	s14 =	simm.s32 $0x4;
	_ =	swait.ge [sflag:s16], $0x4000  }
0x2f: {  	s2 =	sand.u32 $0x1, s30;
	s30 =	simm.s32 $0x180;
	[sflag:s16] =	ssyncset.done $0x0  }
.LBB2_3:
0x30: {  	s24 =	sadd.s32 $0x1, s2  }
0x31: {  	[sflag:s16] =	ssyncadd.s32 $0xFFFFC000;
	s4 =	smov.u32 s14;
	s5 =	sadd.s32 $0x1, s14  }
0x32: {  	[spmem:s1] =	stream.indirect.scatter.add.f32 [tilespmem:s0], [sflag:s29], $0x80, s31, s18, $0xb8;
	[tilespmem:$0x1E800] =	vst v63  }
0x33: {  	p1 =	sne.s32 s14, $0x27;
	s29 =	smov.u32 s24;
	_ =	swait.ge [sflag:s24], $0x4000  }
.Ltmp0:
0x34: {  	s0 =	sshll.u32 s2, $0xE;
	[sflag:s29] =	ssyncset.done $0x0;
	(pc) =	sbr.rel @p1 .LBB2_3-.Ltmp0, $4  }
0x35: {  	s31 =	smov.u32 s28;
	s0 =	sor.u32 $0x2800, s0;
	[sflag:s29] =	ssyncadd.s32 $0xFFFFC000  }
0x36: {  	[tilespmem:s0], [sflag:$0x3] =	stream.indirect.gather [hbm4b:s26+s18], $0x80, s30, s18, $0xb8;
	[tilespmem:$0x1E800] =	vst v63  }
0x37: {  	s28 =	sadd.s32 $0x80, s28;
	s2 =	sand.u32 $0x1, s4;
	_ =	swait.ge [sflag:s16], $0x4000  }
0x38: {  	s14 =	smov.u32 s5;
	s30 =	sadd.s32 $0x80, s30;
	[sflag:s16] =	ssyncset.done $0x0  }
0x39: {  	s4 =	sadd.s32 $0x1, s2;
	[sflag:s16] =	ssyncadd.s32 $0xFFFFC000  }
0x3a: {  	[spmem:s1] =	stream.indirect.scatter.add.f32 [tilespmem:s0], [sflag:s29], $0x80, s31, s18, $0xb8;
	[tilespmem:$0x1E800] =	vst v63  }
0x3b: {  	_ =	swait.ge [sflag:s4], $0x4000  }
0x3c: {  	s2 =	sshll.u32 s2, $0xE;
	[sflag:s4] =	ssyncset.done $0x0  }
0x3d: {  	s0 =	sor.u32 $0x2800, s2;
	[sflag:s4] =	ssyncadd.s32 $0xFFFFC000  }
0x3e: {  	[tilespmem:s0], [sflag:$0x3] =	stream.indirect.gather [hbm4b:s26+s18], $0x80, s30, s18, $0xb8;
	[tilespmem:$0x1E800] =	vst v63  }
0x3f: {  	_ =	swait.ge [sflag:s16], $0x4000  }
0x40: {  	[sflag:s16] =	ssyncset.done $0x0  }
0x41: {  	[sflag:s16] =	ssyncadd.s32 $0xFFFFC000  }
0x42: {  	[spmem:s1] =	stream.indirect.scatter.add.f32 [tilespmem:s0], [sflag:s4], $0x80, s28, s18, $0xb8;
	[tilespmem:$0x1E800] =	vst v63  }
0x43: {  	_ =	swait.ge [sflag:s22], $0x4000  }
0x44: {  	[sflag:s22] =	ssyncset.done $0x0  }
0x45: {  	s5 =	simm.s32 $0x2;
	[sflag:s22] =	ssyncadd.s32 $0xFFFFC000  }
0x46: {  	_ =	swait.ge [sflag:s5], $0x4000  }
0x47: {  	[sflag:s5] =	ssyncset.done $0x0  }
0x48: {  	[sflag:s5] =	ssyncadd.s32 $0xFFFFC000  }
0x49: {  	[tilespmem:s3], [sflag:$0x3] =	stream.linear.gather [hbm4b:s12+s3], $0x1400, $0x38;
	[tilespmem:$0x1E800] =	vst v63  }
0x4a: {  	_ =	swait.ge [sflag:s16], $0x1400  }
0x4b: {  	[sflag:s16] =	ssyncset.done $0x0  }
0x4c: {  	[sflag:s16] =	ssyncadd.s32 $0xFFFFEC00  }
0x4d: {  	[tilespmem:s17], [sflag:$0x3] =	stream.linear.gather [hbm4b:s13+s3], $0x1400, $0x38;
	[tilespmem:$0x1E800] =	vst v63  }
0x4e: {  	_ =	swait.ge [sflag:s16], $0x1400  }
0x4f: {  	[sflag:s16] =	ssyncset.done $0x0  }
0x50: {  	[sflag:s16] =	ssyncadd.s32 $0xFFFFEC00  }
0x51: {  	[tilespmem:s19], [sflag:$0x3] =	stream.indirect.gather [hbm4b:s26+s18], $0x80, s3, s18, $0xb8;
	[tilespmem:$0x1E800] =	vst v63  }
0x52: {  	_ =	swait.ge [sflag:s16], $0x4000  }
0x53: {  	[sflag:s16] =	ssyncset.done $0x0  }
0x54: {  	[sflag:s16] =	ssyncadd.s32 $0xFFFFC000  }
0x55: {  	[spmem:s1] =	stream.indirect.scatter.add.f32 [tilespmem:s19], [sflag:$0x1], $0x80, s17, s18, $0xb8;
	[tilespmem:$0x1E800] =	vst v63  }
0x56: {  	_ = 	snop  }
0x57: {  	[tilespmem:s20], [sflag:$0x3] =	stream.indirect.gather [hbm4b:s26+s18], $0x80, s18, s18, $0xb8;
	[tilespmem:$0x1E800] =	vst v63  }
0x58: {  	_ =	swait.ge [sflag:s16], $0x4000  }
0x59: {  	s0 =	sand.u32 $0x1, s5;
	[sflag:s16] =	ssyncset.done $0x0  }
0x5a: {  	s29 =	sadd.s32 $0x1, s0;
	[sflag:s16] =	ssyncadd.s32 $0xFFFFC000  }
0x5b: {  	[spmem:s1] =	stream.indirect.scatter.add.f32 [tilespmem:s20], [sflag:$0x2], $0x80, s21, s18, $0xb8;
	[tilespmem:$0x1E800] =	vst v63  }
0x5c: {  	s14 =	simm.s32 $0x100;
	_ =	swait.ge [sflag:s29], $0x4000  }
0x5d: {  	s24 =	simm.s32 $0x3;
	s0 =	sshll.u32 s0, $0xE;
	[sflag:s29] =	ssyncset.done $0x0  }
0x5e: {  	s31 =	simm.s32 $0x1500;
	s0 =	sor.u32 $0x2800, s0;
	[sflag:s29] =	ssyncadd.s32 $0xFFFFC000  }
0x5f: {  	[tilespmem:s0], [sflag:$0x3] =	stream.indirect.gather [hbm4b:s26+s18], $0x80, s14, s18, $0xb8;
	[tilespmem:$0x1E800] =	vst v63  }
0x60: {  	s2 =	sand.u32 $0x1, s24;
	s30 =	simm.s32 $0x180;
	_ =	swait.ge [sflag:s16], $0x4000  }
0x61: {  	s28 =	simm.s32 $0x1580;
	s14 =	simm.s32 $0x4;
	[sflag:s16] =	ssyncset.done $0x0  }
.LBB2_5:
0x62: {  	s4 =	sadd.s32 $0x1, s2  }
0x63: {  	[sflag:s16] =	ssyncadd.s32 $0xFFFFC000;
	s5 =	smov.u32 s14;
	s24 =	sadd.s32 $0x1, s14  }
0x64: {  	[spmem:s1] =	stream.indirect.scatter.add.f32 [tilespmem:s0], [sflag:s29], $0x80, s31, s18, $0xb8;
	[tilespmem:$0x1E800] =	vst v63  }
0x65: {  	p1 =	sne.s32 s14, $0x27;
	s29 =	smov.u32 s4;
	_ =	swait.ge [sflag:s4], $0x4000  }
.Ltmp1:
0x66: {  	s0 =	sshll.u32 s2, $0xE;
	[sflag:s29] =	ssyncset.done $0x0;
	(pc) =	sbr.rel @p1 .LBB2_5-.Ltmp1, $4  }
0x67: {  	s31 =	smov.u32 s28;
	s0 =	sor.u32 $0x2800, s0;
	[sflag:s29] =	ssyncadd.s32 $0xFFFFC000  }
0x68: {  	[tilespmem:s0], [sflag:$0x3] =	stream.indirect.gather [hbm4b:s26+s18], $0x80, s30, s18, $0xb8;
	[tilespmem:$0x1E800] =	vst v63  }
0x69: {  	s28 =	sadd.s32 $0x80, s28;
	s2 =	sand.u32 $0x1, s5;
	_ =	swait.ge [sflag:s16], $0x4000  }
0x6a: {  	s14 =	smov.u32 s24;
	s30 =	sadd.s32 $0x80, s30;
	[sflag:s16] =	ssyncset.done $0x0  }
0x6b: {  	s4 =	sadd.s32 $0x1, s2;
	[sflag:s16] =	ssyncadd.s32 $0xFFFFC000  }
0x6c: {  	[spmem:s1] =	stream.indirect.scatter.add.f32 [tilespmem:s0], [sflag:s29], $0x80, s31, s18, $0xb8;
	[tilespmem:$0x1E800] =	vst v63  }
0x6d: {  	_ =	swait.ge [sflag:s4], $0x4000  }
0x6e: {  	s29 =	sshll.u32 s2, $0xE;
	[sflag:s4] =	ssyncset.done $0x0  }
0x6f: {  	s0 =	sor.u32 $0x2800, s29;
	[sflag:s4] =	ssyncadd.s32 $0xFFFFC000  }
0x70: {  	[tilespmem:s0], [sflag:$0x3] =	stream.indirect.gather [hbm4b:s26+s18], $0x80, s30, s18, $0xb8;
	[tilespmem:$0x1E800] =	vst v63  }
0x71: {  	_ =	swait.ge [sflag:s16], $0x4000  }
0x72: {  	[sflag:s16] =	ssyncset.done $0x0  }
0x73: {  	[sflag:s16] =	ssyncadd.s32 $0xFFFFC000  }
0x74: {  	[spmem:s1] =	stream.indirect.scatter.add.f32 [tilespmem:s0], [sflag:s4], $0x80, s28, s18, $0xb8;
	[tilespmem:$0x1E800] =	vst v63  }
0x75: {  	s0 =	simm.s32 $0x1  }
0x76: {  	_ =	swait.ge [sflag:s0], $0x4000  }
0x77: {  	[sflag:s0] =	ssyncset.done $0x0  }
0x78: {  	[sflag:s0] =	ssyncadd.s32 $0xFFFFC000  }
0x79: {  	_ =	swait.ge [sflag:s23], $0x4000  }
0x7a: {  	[sflag:s23] =	ssyncset.done $0x0;
	s31 =	rddreg [dreg:$0x4]  }
0x7b: {  	[sflag:s23] =	ssyncadd.s32 $0xFFFFC000;
	s2 =	sadd.s32 s31, s25  }
0x7c: {  	[bflag:$0x0] =	sbarrier.arrive $0xFFFF;
	s2 =	sadd.s32 s6, s2  }
0x7d: {  	[hbm:s2], [sflag:s9] =	dma.local [spmem:s15], $0x2800  }
.Ltmp2:
0x7e: {  	_ =	swait.ge [sflag:s16], $0x2800;
	(pc) =	sbr.rel @p0 .LBB2_2-.Ltmp2, $4  }
0x7f: {  	[sflag:s16] =	ssyncset.done $0x0  }
0x80: {  	[sflag:s16] =	ssyncadd.s32 $0xFFFFD800  }
0x81: {  	[bflag:$0x0] =	sbarrier.arrive $0xFFFF  }
0x82: {  	p1 =	por $0x0, $0x0  }
0x83: {  	s2 =	rddreg [dreg:$0x6]  }
0x84: {  	s0 =	rddreg [dreg:$0x5];
	s2 =	sadd.s32 $0x1, s2  }
0x85: {  	p0 =	sne.s32 s2, s0  }
.Ltmp3:
0x86: {  	_ = 	snop;
	(pc) =	sbr.rel @p0 .LBB2_1-.Ltmp3, $1  }
0x87: {  	_ =	sdelay $0x3  }
0x88: {  	_ =	sfence.sel $0x180000  }
0x89: {  	[bflag:$0x0] =	sbarrier.arrive $0xFFFF  }
0x8a: {  	_ =	strace $0x9000004D  }
0x8b: {  	s0 =	stileid.u32;
	[bflag:$0x2] =	sbarrier.arrive $0xFFFF  }
0x8c: {  	p0 =	sne.s32 s0, $0x0;
	s0 =	rddreg [dreg:$0x2]  }
0x8d: {  	s0 =	sadd.s32 @!p0 $0x100000, s0  }
0x8e: {  	[sflag:s0] =	ssyncadd.tile.s32 @!p0 $0x1;
	_ =	shalt  }
.Lfunc_end2:
_tile_overlayer_lowered:
.L_overlay_start_2:
0x8f: {  	(tag) =	ssettag $0x2  }
0x90: {  	s0 =	rddreg [dreg:$0x0];
	s2 =	stileid.u32  }
0x91: {  	s1 =	rddreg [dreg:$0x1];
	p0 =	sne.s32 s2, $0x0  }
0x92: {  	s3 =	rddreg [dreg:$0x2];
	[bflag:$0x3] =	sbarrier.arrive $0xFFFF;
	s2 =	simm.s32 @!p0 $0x1C03  }
0x93: {  	[timem:s3], [sflag:s2] =	dma.local @!p0 [hbm:s0], s1  }
0x94: {  	s0 =	simm.s32 @!p0 $0x3  }
0x95: {  	_ =	swait.ge @!p0 [sflag:s0], s1  }
0x96: {  	s1 =	ssub.s32 @!p0 $0x0, s1;
	[sflag:s0] =	ssyncset.done @!p0 $0x0  }
0x97: {  	[sflag:s0] =	ssyncadd.s32 @!p0 s1  }
0x98: {  	[bflag:$0x3] =	sbarrier.arrive $0xFFFF  }
0x99: {  	_ =	shalt  }

// kernel: kernel.18.cloned.1.call-start
scs
__scs_entry_jumppad:
0x0: {  	(pc) =	sbr.rel $0x88, $3  }
0x1: {  	(tag) =	ssettag $0x0;
	lr =	simm.s32 $0x1  }
0x2: {  	[smem:$0x3F95] =	sst lr;
	_ =	strace $0xD0000000  }
0x3: {  	_ = 	snop  }
0x4: {  	_ = 	snop  }
0x5: {  	_ = 	snop  }
0x6: {  	_ = 	snop  }
0x7: {  	_ = 	snop  }
__scs_overlays_trampoline_lowered:
0x8: {  	[smem:$0x3FA4] =	sst s0  }
0x9: {  	[smem:$0x3FA5] =	sst s1  }
0xa: {  	[smem:$0x3FA6] =	sst s2  }
0xb: {  	[smem:$0x3FA7] =	sst s3  }
0xc: {  	[smem:$0x3FA8] =	sst s4  }
0xd: {  	[smem:$0x3FA9] =	sst s5  }
0xe: {  	[smem:$0x3FAA] =	sst s6  }
0xf: {  	[smem:$0x3FAB] =	sst s7  }
0x10: {  	[smem:$0x3FAC] =	sst s8  }
0x11: {  	[smem:$0x3FAD] =	sst s9;
	s0 =	simm.s32 @!p0 $0x0  }
0x12: {  	s1 =	sld [smem:$0x3F93];
	s0 =	simm.s32 @p0 $0x1  }
0x13: {  	[smem:$0x3FAE] =	sst s0;
	s0 =	simm.s32 @!p1 $0x0  }
0x14: {  	s2 =	sld [smem:$0x3F92];
	s0 =	simm.s32 @p1 $0x1  }
0x15: {  	[smem:$0x3FAF] =	sst s0;
	s0 =	simm.s32 @!p2 $0x0  }
0x16: {  	s3 =	sld [smem:$0x3FDB];
	s0 =	simm.s32 @p2 $0x1  }
0x17: {  	s4 =	simm.s32 $0x1BF5;
	[smem:$0x3FB1] =	sst s0  }
0x18: {  	s0 =	sld [smem:$0x3F94];
	_ =	swait.ge [sflag:s4], $0x0  }
0x19: {  	s7 =	sld [smem:$0x3F95]  }
0x1a: {  	s8 =	sadd.s32 $0xFFFFE003, lr  }
0x1b: {  	s9 =	sadd.s32 $0xFFFFFEF7, lr;
	s5 =	simm.s32 $0xFFFFFFFF;
	p2 =	slt.u32 s8, $0xFFFFF086  }
0x1c: {  	p1 =	slt.u32 s9, $0xF7A;
	s5 =	simm.s32 @!p2 $0x0  }
0x1d: {  	s5 =	simm.s32 @p1 $0x1;
	p0 =	seq.s32 s7, s2  }
0x1e: {  	s7 =	smul.u32 @!p0 $0xF7A, s2;
	p2 =	seq.s32 @!p0 s5, $0x0  }
0x1f: {  	s9 =	smul.u32 $0xF7A, s1;
	s8 =	simm.s32 @!p0 $0x1BF5;
	p2 =	por !p2, p0  }
0x20: {  	[sflag:s8] =	ssyncset.s32 @!p0 $0xFFFFF086;
	s6 =	sadd.s32 @!p0 s3, s7;
	s7 =	simm.s32 @!p0 $0x108  }
0x21: {  	s3 =	sadd.s32 s3, s9;
	s6 =	sadd.s32 @!p0 $0x88, s6;
	s7 =	simm.s32 @p2 $0x1082  }
0x22: {  	[simem:s7], [sflag:s8] =	dma.local @!p0 [hbm:s6], $0xF7A  }
0x23: {  	s9 =	sor.u32 $0xD0000000, s2;
	s6 =	simm.s32 $0x108;
	_ =	swait.ge @!p0 [sflag:s8], $0x0  }
0x24: {  	s3 =	sadd.s32 $0x88, s3;
	s6 =	simm.s32 @!p1 $0x1082;
	[sflag:s4] =	ssyncset.s32 $0xFFFFF086  }
0x25: {  	[simem:s6], [sflag:s4] =	dma.local [hbm:s3], $0xF7A  }
0x26: {  	[smem:$0x3F95] =	sst s1;
	(tag) =	ssettag s2;
	_ =	strace s9  }
0x27: {  	s1 =	sld [smem:$0x3FA5]  }
0x28: {  	s2 =	sld [smem:$0x3FA6]  }
0x29: {  	s4 =	sld [smem:$0x3FA8]  }
0x2a: {  	p0 =	seq.s32 s5, $0x0;
	s5 =	sld [smem:$0x3FA9]  }
0x2b: {  	s6 =	sld [smem:$0x3FAA]  }
0x2c: {  	s7 =	sld [smem:$0x3FAB]  }
0x2d: {  	s3 =	simm.s32 $0x108;
	s8 =	sld [smem:$0x3FAC]  }
0x2e: {  	s3 =	simm.s32 @!p0 $0x1082;
	s9 =	sld [smem:$0x3FAD]  }
0x2f: {  	lr =	sadd.s32 s0, s3;
	s0 =	sld [smem:$0x3FA4]  }
0x30: {  	s3 =	sld [smem:$0x3FA7]  }
0x31: {  	[smem:$0x3FB0] =	sst s10  }
0x32: {  	s10 =	sld [smem:$0x3FAE];
	_ =	sdelay $0x3  }
0x33: {  	p0 =	seq.s32 s10, $0x1;
	s10 =	sld [smem:$0x3FB0];
	_ =	sdelay $0x3  }
0x34: {  	[smem:$0x3FB0] =	sst s10  }
0x35: {  	s10 =	sld [smem:$0x3FAF];
	_ =	sdelay $0x3  }
0x36: {  	p1 =	seq.s32 s10, $0x1;
	s10 =	sld [smem:$0x3FB0];
	_ =	sdelay $0x3  }
0x37: {  	[smem:$0x3FB0] =	sst s10  }
0x38: {  	s10 =	sld [smem:$0x3FB1]  }
0x39: {  	_ = 	snop;
	(pc) =	sbr.ind lr, $3  }
0x3a: {  	_ = 	snop  }
0x3b: {  	_ = 	snop  }
0x3c: {  	p2 =	seq.s32 s10, $0x1;
	s10 =	sld [smem:$0x3FB0]  }
0x3d: {  	_ =	shalt  }
0x3e: {  	_ =	shalt  }
0x3f: {  	_ =	shalt  }
0x40: {  	_ =	shalt  }
0x41: {  	_ =	shalt  }
0x42: {  	_ =	shalt  }
0x43: {  	_ =	shalt  }
0x44: {  	_ =	shalt  }
0x45: {  	_ =	shalt  }
0x46: {  	_ =	shalt  }
0x47: {  	_ =	shalt  }
0x48: {  	_ =	shalt  }
0x49: {  	_ =	shalt  }
0x4a: {  	_ =	shalt  }
0x4b: {  	_ =	shalt  }
0x4c: {  	_ =	shalt  }
0x4d: {  	_ =	shalt  }
0x4e: {  	_ =	shalt  }
0x4f: {  	_ =	shalt  }
0x50: {  	_ =	shalt  }
0x51: {  	_ =	shalt  }
0x52: {  	_ =	shalt  }
0x53: {  	_ =	shalt  }
0x54: {  	_ =	shalt  }
0x55: {  	_ =	shalt  }
0x56: {  	_ =	shalt  }
0x57: {  	_ =	shalt  }
0x58: {  	_ =	shalt  }
0x59: {  	_ =	shalt  }
0x5a: {  	_ =	shalt  }
0x5b: {  	_ =	shalt  }
0x5c: {  	_ =	shalt  }
0x5d: {  	_ =	shalt  }
0x5e: {  	_ =	shalt  }
0x5f: {  	_ =	shalt  }
0x60: {  	_ =	shalt  }
0x61: {  	_ =	shalt  }
0x62: {  	_ =	shalt  }
0x63: {  	_ =	shalt  }
0x64: {  	_ =	shalt  }
0x65: {  	_ =	shalt  }
0x66: {  	_ =	shalt  }
0x67: {  	_ =	shalt  }
0x68: {  	_ =	shalt  }
0x69: {  	_ =	shalt  }
0x6a: {  	_ =	shalt  }
0x6b: {  	_ =	shalt  }
0x6c: {  	_ =	shalt  }
0x6d: {  	_ =	shalt  }
0x6e: {  	_ =	shalt  }
0x6f: {  	_ =	shalt  }
0x70: {  	_ =	shalt  }
0x71: {  	_ =	shalt  }
0x72: {  	_ =	shalt  }
0x73: {  	_ =	shalt  }
0x74: {  	_ =	shalt  }
0x75: {  	_ =	shalt  }
0x76: {  	_ =	shalt  }
0x77: {  	_ =	shalt  }
0x78: {  	_ =	shalt  }
0x79: {  	_ =	shalt  }
0x7a: {  	_ =	shalt  }
0x7b: {  	_ =	shalt  }
0x7c: {  	_ =	shalt  }
0x7d: {  	_ =	shalt  }
0x7e: {  	_ =	shalt  }
0x7f: {  	_ =	shalt  }
0x80: {  	_ =	shalt  }
0x81: {  	_ =	shalt  }
0x82: {  	_ =	shalt  }
0x83: {  	_ =	shalt  }
0x84: {  	_ =	shalt  }
0x85: {  	_ =	shalt  }
0x86: {  	_ =	shalt  }
0x87: {  	_ =	shalt  }
.Lfunc_end0:
.L_simem_size_0:
called_computation.3_lowered:
.L_overlay_start_0:
0x88: {  	s2 =	sld [smem:$0x3FD9]  }
0x89: {  	s3 =	sld [smem:$0x3FFE];
	_ =	sdelay $0x1  }
0x8a: {  	s1 =	srdreg.scid  }
0x8b: {  	s0 =	sand.u32 $0x1, s1  }
0x8c: {  	s16 =	sshll.u32 s0, $0xA;
	s2 =	sadd.s32 s3, s2  }
0x8d: {  	s2 =	sadd.s32 s2, s16  }
0x8e: {  	[smem:$0x3FBC] =	sst s2  }
0x8f: {  	_ = 	snop  }
0x90: {  	(tm) =	ssettm $0x1  }
0x91: {  	s17 =	sld [smem:$0x3FFB];
	_ =	sdelay $0x3  }
0x92: {  	_ =	strace s17  }
0x93: {  	s2 =	sld [smem:$0x3FFC];
	_ =	sdelay $0x3  }
0x94: {  	_ =	strace s2  }
0x95: {  	s2 =	sld [smem:$0x3FFD];
	_ =	sdelay $0x3  }
0x96: {  	_ =	strace s2  }
0x97: {  	_ =	strace $0x8FFFFFFF  }
0x98: {  	s18 =	sld [smem:$0x3FDB];
	_ =	sdelay $0x1  }
0x99: {  	s19 =	simm.s32 $_scs_section_size  }
0x9a: {  	s4 =	simm.s32 $_size__tile_overlayer_lowered;
	s5 =	simm.s32 $_tile_overlayer_lowered  }
0x9b: {  	s22 =	simm.s32 $0x1BFF;
	s21 =	sshll.u32 s5, $0x1;
	s2 =	sadd.s32 s19, s18  }
0x9c: {  	s6 =	simm.s32 $0x0;
	s20 =	sshll.u32 s4, $0x1;
	s4 =	sadd.s32 s21, s2  }
0x9d: {  	[timem:s6], [sflag:s22] =	dma.local [hbm:s4], s20  }
0x9e: {  	_ =	swait.ge [sflag:s22], s20  }
0x9f: {  	s3 =	ssub.s32 $0x0, s20;
	[sflag:s22] =	ssyncset.done $0x0  }
0xa0: {  	[sflag:s22] =	ssyncadd.s32 s3;
	_ =	sdelay $0x1  }
0xa1: {  	s23 =	simm.s32 $0x1B8B  }
0xa2: {  	_ =	swait.ge [sflag:s23], $0x1  }
0xa3: {  	[sflag:s23] =	ssyncset.done $0x0  }
0xa4: {  	s25 =	simm.s32 $0x1B8E;
	s24 =	sld [smem:$0x3FFE];
	[sflag:s23] =	ssyncadd.s32 $0xFFFFFFFF  }
0xa5: {  	s26 =	simm.s32 $execute0_lowered;
	[smem:$0x3FD2] =	sst s25  }
0xa6: {  	s4 =	sshll.u32 s26, $0x1;
	_ =	strace $0x8000004F;
	[dreg:$0x1] =	wrdreg $0xFFFFFFFF  }
0xa7: {  	s28 =	simm.s32 $_size_execute0_lowered;
	s2 =	sadd.s32 s2, s4;
	[dreg:$0x0] =	wrdreg $0x0  }
0xa8: {  	s4 =	sshll.u32 s28, $0x1;
	[dreg:$0x2] =	wrdreg s2  }
0xa9: {  	[dreg:$0x3] =	wrdreg s4  }
0xaa: {  	[dreg:$0x4] =	wrdreg $0xC0  }
0xab: {  	_ =	task [dreg:s6], $0x5FFFF  }
0xac: {  	[dreg:$0x1] =	wrdreg $0xFFFFFFFF  }
0xad: {  	[dreg:$0x0] =	wrdreg $0x60  }
0xae: {  	[dreg:$0x2] =	wrdreg s24  }
0xaf: {  	[dreg:$0x3] =	wrdreg $0xA8000  }
0xb0: {  	[dreg:$0x4] =	wrdreg $0x9  }
0xb1: {  	_ =	task.clear_ibuf [dreg:s6], $0x5FFFF;
	_ =	strace $0x9000004F  }
0xb2: {  	s29 =	simm.s32 $0x9;
	_ =	strace $0x80000051  }
0xb3: {  	_ =	swait.ge [sflag:s29], $0x1  }
0xb4: {  	[sflag:s29] =	ssyncadd.s32 $0xFFFFFFFF  }
0xb5: {  	_ =	strace $0x90000051  }
0xb6: {  	_ =	sfence  }
0xb7: {  	s30 =	sld [smem:$0x0];
	_ =	sdelay $0x2  }
0xb8: {  	s31 =	sshll.u32 s1, $0xD;
	s1 =	sshrl.u32 s1, $0x2  }
0xb9: {  	s3 =	sand.u32 $0x4000, s31;
	s1 =	sadd.s32 s1, s30  }
0xba: {  	s0 =	sor.u32 s3, s0;
	s1 =	sshll.u32 s1, $0x11  }
0xbb: {  	s0 =	sor.u32 s1, s0  }
0xbc: {  	s0 =	sadd.s32 $0x8F2B, s0  }
0xbd: {  	[sflag:s0] =	ssyncadd.remote.s32 $0x1  }
0xbe: {  	_ =	sfence.sel $0xFFFF  }
0xbf: {  	[dreg:$0x0] =	wrdreg $0xFFFFFFFF;
	(pc) =	sbr.abs _section_cstart, $3  }
0xc0: {  	[dreg:$0x1] =	wrdreg $0xFFFFFFFF  }
0xc1: {  	_ =	task.clear_ibuf [dreg:s6], $0x2FFFF;
	_ =	strace $0x9FFFFFFF  }
0xc2: {  	(tm) =	ssettm $0x7FFFFFFF  }
0xc3: {  	_ =	shalt  }
tec
execute0_lowered:
.L_overlay_start_1:
0x0: {  	(tag) =	ssettag $0x1  }
0x1: {  	s0 =	rddreg [dreg:$0x0]  }
0x2: {  	s1 =	rddreg [dreg:$0x1];
	s3 =	simm.s32 $0x0  }
0x3: {  	s4 =	stileid.u32;
	s29 =	srdreg.scid;
	s16 =	simm.s32 $0x3  }
0x4: {  	s17 =	simm.s32 $0x1400;
	s18 =	simm.s32 $0x80;
	s19 =	simm.s32 $0x2800  }
0x5: {  	s20 =	simm.s32 $0x6800;
	s21 =	simm.s32 $0x1480;
	s22 =	simm.s32 $0x1  }
0x6: {  	s23 =	simm.s32 $0x2;
	[smem:$0x7FF] =	sst s3;
	s5 =	smul.u32 $0x2800, s4  }
0x7: {  	s2 =	sadd.s32 $0x1C5C00, s0;
	s12 =	sadd.s32 $0x3C00, s0;
	s8 =	smul.u32 $0x50000, s4  }
0x8: {  	_ =	strace $0x80000050;
	[dreg:$0x3] =	wrdreg s2;
	s2 =	sand.u32 $0x1, s29  }
0x9: {  	s13 =	sadd.s32 $0x8C00, s0;
	s10 =	sshll.u32 s4, $0x6;
	s7 =	ssub.s32 $0x2, s2  }
0xa: {  	s9 =	sadd.s32 s5, s0;
	s0 =	sadd.s32 $0x35C00, s0;
	s31 =	sshrl.u32 s8, $0x2  }
0xb: {  	s6 =	smov.u32 s5;
	s11 =	sshrl.u32 s5, $0x3;
	[dreg:$0x4] =	wrdreg s0  }
0xc: {  	s30 =	sshrl.u32 s7, $0x1;
	s8 =	sadd.s32 $0xDC00, s9;
	s9 =	sor.u32 $0x1C03, s10  }
0xd: {  	s14 =	sadd.s32 $0x280, s11;
	s10 =	sadd.s32 s12, s11;
	s11 =	sadd.s32 s13, s11  }
0xe: {  	s0 =	ssub.s32 s7, s30;
	s7 =	sshll.u32 s2, $0x1;
	s2 =	sadd.s32 s31, s1  }
0xf: {  	s12 =	sadd.s32 s12, s14;
	s13 =	sadd.s32 s13, s14;
	s0 =	smax.u32 s0, $0x1  }
0x10: {  	s15 =	sshrl.u32 s2, $0x3;
	s2 =	simm.s32 $0x0;
	[dreg:$0x5] =	wrdreg s0  }
.LBB2_1:
0x11: {  	[dreg:$0x6] =	wrdreg s2;
	p1 =	por $0x1, $0x1;
	s0 =	simm.s32 $0x0  }
.LBB2_2:
0x12: {  	[spmem:s15], [sflag:s9] =	dma.local [hbm:s8], $0x2800  }
0x13: {  	_ =	swait.ge [sflag:s16], $0x2800  }
0x14: {  	[sflag:s16] =	ssyncset.done $0x0  }
0x15: {  	[sflag:s16] =	ssyncadd.s32 $0xFFFFD800  }
0x16: {  	[bflag:$0x0] =	sbarrier.arrive $0xFFFF  }
0x17: {  	[tilespmem:s3], [sflag:$0x3] =	stream.linear.gather [hbm4b:s10+s3], $0x1400, $0x38;
	[tilespmem:$0x1E800] =	vst v63  }
0x18: {  	_ =	swait.ge [sflag:s16], $0x1400  }
0x19: {  	[sflag:s16] =	ssyncset.done $0x0  }
0x1a: {  	s0 =	sor.u32 s7, s0;
	[sflag:s16] =	ssyncadd.s32 $0xFFFFEC00  }
0x1b: {  	[tilespmem:s17], [sflag:$0x3] =	stream.linear.gather [hbm4b:s11+s3], $0x1400, $0x38;
	[tilespmem:$0x1E800] =	vst v63  }
0x1c: {  	s25 =	smul.u32 $0x28000, s0;
	_ =	swait.ge [sflag:s16], $0x1400  }
0x1d: {  	[sflag:s16] =	ssyncset.done $0x0;
	s14 =	rddreg [dreg:$0x3]  }
0x1e: {  	[sflag:s16] =	ssyncadd.s32 $0xFFFFEC00;
	s26 =	sadd.s32 s14, s25  }
0x1f: {  	[tilespmem:s19], [sflag:$0x3] =	stream.indirect.gather [hbm4b:s26+s18], $0x80, s3, s18, $0xb8;
	[tilespmem:$0x1E800] =	vst v63  }
0x20: {  	_ =	swait.ge [sflag:s16], $0x4000  }
0x21: {  	[sflag:s16] =	ssyncset.done $0x0  }
0x22: {  	[sflag:s16] =	ssyncadd.s32 $0xFFFFC000  }
0x23: {  	[spmem:s1] =	stream.indirect.scatter.add.f32 [tilespmem:s19], [sflag:$0x1], $0x80, s17, s18, $0xb8;
	[tilespmem:$0x1E800] =	vst v63  }
0x24: {  	_ = 	snop  }
0x25: {  	[tilespmem:s20], [sflag:$0x3] =	stream.indirect.gather [hbm4b:s26+s18], $0x80, s18, s18, $0xb8;
	[tilespmem:$0x1E800] =	vst v63  }
0x26: {  	s24 =	simm.s32 $0x2;
	_ =	swait.ge [sflag:s16], $0x4000  }
0x27: {  	s0 =	sand.u32 $0x1, s24;
	[sflag:s16] =	ssyncset.done $0x0  }
0x28: {  	s29 =	sadd.s32 $0x1, s0;
	[sflag:s16] =	ssyncadd.s32 $0xFFFFC000  }
0x29: {  	[spmem:s1] =	stream.indirect.scatter.add.f32 [tilespmem:s20], [sflag:$0x2], $0x80, s21, s18, $0xb8;
	[tilespmem:$0x1E800] =	vst v63  }
0x2a: {  	s2 =	simm.s32 $0x100;
	s31 =	simm.s32 $0x1500;
	_ =	swait.ge [sflag:s29], $0x4000  }
0x2b: {  	s30 =	simm.s32 $0x3;
	s0 =	sshll.u32 s0, $0xE;
	[sflag:s29] =	ssyncset.done $0x0  }
0x2c: {  	s28 =	simm.s32 $0x1580;
	s0 =	sor.u32 $0x2800, s0;
	[sflag:s29] =	ssyncadd.s32 $0xFFFFC000  }
0x2d: {  	[tilespmem:s0], [sflag:$0x3] =	stream.indirect.gather [hbm4b:s26+s18], $0x80, s2, s18, $0xb8;
	[tilespmem:$0x1E800] =	vst v63  }
0x2e: {  	p0 =	por p1, p1;
	s14 =	simm.s32 $0x4;
	_ =	swait.ge [sflag:s16], $0x4000  }
0x2f: {  	s2 =	sand.u32 $0x1, s30;
	s30 =	simm.s32 $0x180;
	[sflag:s16] =	ssyncset.done $0x0  }
.LBB2_3:
0x30: {  	s24 =	sadd.s32 $0x1, s2  }
0x31: {  	[sflag:s16] =	ssyncadd.s32 $0xFFFFC000;
	s4 =	smov.u32 s14;
	s5 =	sadd.s32 $0x1, s14  }
0x32: {  	[spmem:s1] =	stream.indirect.scatter.add.f32 [tilespmem:s0], [sflag:s29], $0x80, s31, s18, $0xb8;
	[tilespmem:$0x1E800] =	vst v63  }
0x33: {  	p1 =	sne.s32 s14, $0x27;
	s29 =	smov.u32 s24;
	_ =	swait.ge [sflag:s24], $0x4000  }
.Ltmp0:
0x34: {  	s0 =	sshll.u32 s2, $0xE;
	[sflag:s29] =	ssyncset.done $0x0;
	(pc) =	sbr.rel @p1 .LBB2_3-.Ltmp0, $4  }
0x35: {  	s31 =	smov.u32 s28;
	s0 =	sor.u32 $0x2800, s0;
	[sflag:s29] =	ssyncadd.s32 $0xFFFFC000  }
0x36: {  	[tilespmem:s0], [sflag:$0x3] =	stream.indirect.gather [hbm4b:s26+s18], $0x80, s30, s18, $0xb8;
	[tilespmem:$0x1E800] =	vst v63  }
0x37: {  	s28 =	sadd.s32 $0x80, s28;
	s2 =	sand.u32 $0x1, s4;
	_ =	swait.ge [sflag:s16], $0x4000  }
0x38: {  	s14 =	smov.u32 s5;
	s30 =	sadd.s32 $0x80, s30;
	[sflag:s16] =	ssyncset.done $0x0  }
0x39: {  	s4 =	sadd.s32 $0x1, s2;
	[sflag:s16] =	ssyncadd.s32 $0xFFFFC000  }
0x3a: {  	[spmem:s1] =	stream.indirect.scatter.add.f32 [tilespmem:s0], [sflag:s29], $0x80, s31, s18, $0xb8;
	[tilespmem:$0x1E800] =	vst v63  }
0x3b: {  	_ =	swait.ge [sflag:s4], $0x4000  }
0x3c: {  	s2 =	sshll.u32 s2, $0xE;
	[sflag:s4] =	ssyncset.done $0x0  }
0x3d: {  	s0 =	sor.u32 $0x2800, s2;
	[sflag:s4] =	ssyncadd.s32 $0xFFFFC000  }
0x3e: {  	[tilespmem:s0], [sflag:$0x3] =	stream.indirect.gather [hbm4b:s26+s18], $0x80, s30, s18, $0xb8;
	[tilespmem:$0x1E800] =	vst v63  }
0x3f: {  	_ =	swait.ge [sflag:s16], $0x4000  }
0x40: {  	[sflag:s16] =	ssyncset.done $0x0  }
0x41: {  	[sflag:s16] =	ssyncadd.s32 $0xFFFFC000  }
0x42: {  	[spmem:s1] =	stream.indirect.scatter.add.f32 [tilespmem:s0], [sflag:s4], $0x80, s28, s18, $0xb8;
	[tilespmem:$0x1E800] =	vst v63  }
0x43: {  	_ =	swait.ge [sflag:s22], $0x4000  }
0x44: {  	[sflag:s22] =	ssyncset.done $0x0  }
0x45: {  	s5 =	simm.s32 $0x2;
	[sflag:s22] =	ssyncadd.s32 $0xFFFFC000  }
0x46: {  	_ =	swait.ge [sflag:s5], $0x4000  }
0x47: {  	[sflag:s5] =	ssyncset.done $0x0  }
0x48: {  	[sflag:s5] =	ssyncadd.s32 $0xFFFFC000  }
0x49: {  	[tilespmem:s3], [sflag:$0x3] =	stream.linear.gather [hbm4b:s12+s3], $0x1400, $0x38;
	[tilespmem:$0x1E800] =	vst v63  }
0x4a: {  	_ =	swait.ge [sflag:s16], $0x1400  }
0x4b: {  	[sflag:s16] =	ssyncset.done $0x0  }
0x4c: {  	[sflag:s16] =	ssyncadd.s32 $0xFFFFEC00  }
0x4d: {  	[tilespmem:s17], [sflag:$0x3] =	stream.linear.gather [hbm4b:s13+s3], $0x1400, $0x38;
	[tilespmem:$0x1E800] =	vst v63  }
0x4e: {  	_ =	swait.ge [sflag:s16], $0x1400  }
0x4f: {  	[sflag:s16] =	ssyncset.done $0x0  }
0x50: {  	[sflag:s16] =	ssyncadd.s32 $0xFFFFEC00  }
0x51: {  	[tilespmem:s19], [sflag:$0x3] =	stream.indirect.gather [hbm4b:s26+s18], $0x80, s3, s18, $0xb8;
	[tilespmem:$0x1E800] =	vst v63  }
0x52: {  	_ =	swait.ge [sflag:s16], $0x4000  }
0x53: {  	[sflag:s16] =	ssyncset.done $0x0  }
0x54: {  	[sflag:s16] =	ssyncadd.s32 $0xFFFFC000  }
0x55: {  	[spmem:s1] =	stream.indirect.scatter.add.f32 [tilespmem:s19], [sflag:$0x1], $0x80, s17, s18, $0xb8;
	[tilespmem:$0x1E800] =	vst v63  }
0x56: {  	_ = 	snop  }
0x57: {  	[tilespmem:s20], [sflag:$0x3] =	stream.indirect.gather [hbm4b:s26+s18], $0x80, s18, s18, $0xb8;
	[tilespmem:$0x1E800] =	vst v63  }
0x58: {  	_ =	swait.ge [sflag:s16], $0x4000  }
0x59: {  	s0 =	sand.u32 $0x1, s5;
	[sflag:s16] =	ssyncset.done $0x0  }
0x5a: {  	s29 =	sadd.s32 $0x1, s0;
	[sflag:s16] =	ssyncadd.s32 $0xFFFFC000  }
0x5b: {  	[spmem:s1] =	stream.indirect.scatter.add.f32 [tilespmem:s20], [sflag:$0x2], $0x80, s21, s18, $0xb8;
	[tilespmem:$0x1E800] =	vst v63  }
0x5c: {  	s14 =	simm.s32 $0x100;
	_ =	swait.ge [sflag:s29], $0x4000  }
0x5d: {  	s24 =	simm.s32 $0x3;
	s0 =	sshll.u32 s0, $0xE;
	[sflag:s29] =	ssyncset.done $0x0  }
0x5e: {  	s31 =	simm.s32 $0x1500;
	s0 =	sor.u32 $0x2800, s0;
	[sflag:s29] =	ssyncadd.s32 $0xFFFFC000  }
0x5f: {  	[tilespmem:s0], [sflag:$0x3] =	stream.indirect.gather [hbm4b:s26+s18], $0x80, s14, s18, $0xb8;
	[tilespmem:$0x1E800] =	vst v63  }
0x60: {  	s2 =	sand.u32 $0x1, s24;
	s30 =	simm.s32 $0x180;
	_ =	swait.ge [sflag:s16], $0x4000  }
0x61: {  	s28 =	simm.s32 $0x1580;
	s14 =	simm.s32 $0x4;
	[sflag:s16] =	ssyncset.done $0x0  }
.LBB2_5:
0x62: {  	s4 =	sadd.s32 $0x1, s2  }
0x63: {  	[sflag:s16] =	ssyncadd.s32 $0xFFFFC000;
	s5 =	smov.u32 s14;
	s24 =	sadd.s32 $0x1, s14  }
0x64: {  	[spmem:s1] =	stream.indirect.scatter.add.f32 [tilespmem:s0], [sflag:s29], $0x80, s31, s18, $0xb8;
	[tilespmem:$0x1E800] =	vst v63  }
0x65: {  	p1 =	sne.s32 s14, $0x27;
	s29 =	smov.u32 s4;
	_ =	swait.ge [sflag:s4], $0x4000  }
.Ltmp1:
0x66: {  	s0 =	sshll.u32 s2, $0xE;
	[sflag:s29] =	ssyncset.done $0x0;
	(pc) =	sbr.rel @p1 .LBB2_5-.Ltmp1, $4  }
0x67: {  	s31 =	smov.u32 s28;
	s0 =	sor.u32 $0x2800, s0;
	[sflag:s29] =	ssyncadd.s32 $0xFFFFC000  }
0x68: {  	[tilespmem:s0], [sflag:$0x3] =	stream.indirect.gather [hbm4b:s26+s18], $0x80, s30, s18, $0xb8;
	[tilespmem:$0x1E800] =	vst v63  }
0x69: {  	s28 =	sadd.s32 $0x80, s28;
	s2 =	sand.u32 $0x1, s5;
	_ =	swait.ge [sflag:s16], $0x4000  }
0x6a: {  	s14 =	smov.u32 s24;
	s30 =	sadd.s32 $0x80, s30;
	[sflag:s16] =	ssyncset.done $0x0  }
0x6b: {  	s4 =	sadd.s32 $0x1, s2;
	[sflag:s16] =	ssyncadd.s32 $0xFFFFC000  }
0x6c: {  	[spmem:s1] =	stream.indirect.scatter.add.f32 [tilespmem:s0], [sflag:s29], $0x80, s31, s18, $0xb8;
	[tilespmem:$0x1E800] =	vst v63  }
0x6d: {  	_ =	swait.ge [sflag:s4], $0x4000  }
0x6e: {  	s29 =	sshll.u32 s2, $0xE;
	[sflag:s4] =	ssyncset.done $0x0  }
0x6f: {  	s0 =	sor.u32 $0x2800, s29;
	[sflag:s4] =	ssyncadd.s32 $0xFFFFC000  }
0x70: {  	[tilespmem:s0], [sflag:$0x3] =	stream.indirect.gather [hbm4b:s26+s18], $0x80, s30, s18, $0xb8;
	[tilespmem:$0x1E800] =	vst v63  }
0x71: {  	_ =	swait.ge [sflag:s16], $0x4000  }
0x72: {  	[sflag:s16] =	ssyncset.done $0x0  }
0x73: {  	[sflag:s16] =	ssyncadd.s32 $0xFFFFC000  }
0x74: {  	[spmem:s1] =	stream.indirect.scatter.add.f32 [tilespmem:s0], [sflag:s4], $0x80, s28, s18, $0xb8;
	[tilespmem:$0x1E800] =	vst v63  }
0x75: {  	s0 =	simm.s32 $0x1  }
0x76: {  	_ =	swait.ge [sflag:s0], $0x4000  }
0x77: {  	[sflag:s0] =	ssyncset.done $0x0  }
0x78: {  	[sflag:s0] =	ssyncadd.s32 $0xFFFFC000  }
0x79: {  	_ =	swait.ge [sflag:s23], $0x4000  }
0x7a: {  	[sflag:s23] =	ssyncset.done $0x0;
	s31 =	rddreg [dreg:$0x4]  }
0x7b: {  	[sflag:s23] =	ssyncadd.s32 $0xFFFFC000;
	s2 =	sadd.s32 s31, s25  }
0x7c: {  	[bflag:$0x0] =	sbarrier.arrive $0xFFFF;
	s2 =	sadd.s32 s6, s2  }
0x7d: {  	[hbm:s2], [sflag:s9] =	dma.local [spmem:s15], $0x2800  }
.Ltmp2:
0x7e: {  	_ =	swait.ge [sflag:s16], $0x2800;
	(pc) =	sbr.rel @p0 .LBB2_2-.Ltmp2, $4  }
0x7f: {  	[sflag:s16] =	ssyncset.done $0x0  }
0x80: {  	[sflag:s16] =	ssyncadd.s32 $0xFFFFD800  }
0x81: {  	[bflag:$0x0] =	sbarrier.arrive $0xFFFF  }
0x82: {  	p1 =	por $0x0, $0x0  }
0x83: {  	s2 =	rddreg [dreg:$0x6]  }
0x84: {  	s0 =	rddreg [dreg:$0x5];
	s2 =	sadd.s32 $0x1, s2  }
0x85: {  	p0 =	sne.s32 s2, s0  }
.Ltmp3:
0x86: {  	_ = 	snop;
	(pc) =	sbr.rel @p0 .LBB2_1-.Ltmp3, $1  }
0x87: {  	_ =	sdelay $0x3  }
0x88: {  	_ =	sfence.sel $0x180000  }
0x89: {  	[bflag:$0x0] =	sbarrier.arrive $0xFFFF  }
0x8a: {  	_ =	strace $0x90000050  }
0x8b: {  	s0 =	stileid.u32;
	[bflag:$0x2] =	sbarrier.arrive $0xFFFF  }
0x8c: {  	p0 =	sne.s32 s0, $0x0;
	s0 =	rddreg [dreg:$0x2]  }
0x8d: {  	s0 =	sadd.s32 @!p0 $0x100000, s0  }
0x8e: {  	[sflag:s0] =	ssyncadd.tile.s32 @!p0 $0x1;
	_ =	shalt  }
.Lfunc_end2:
_tile_overlayer_lowered:
.L_overlay_start_2:
0x8f: {  	(tag) =	ssettag $0x2  }
0x90: {  	s0 =	rddreg [dreg:$0x0];
	s2 =	stileid.u32  }
0x91: {  	s1 =	rddreg [dreg:$0x1];
	p0 =	sne.s32 s2, $0x0  }
0x92: {  	s3 =	rddreg [dreg:$0x2];
	[bflag:$0x3] =	sbarrier.arrive $0xFFFF;
	s2 =	simm.s32 @!p0 $0x1C03  }
0x93: {  	[timem:s3], [sflag:s2] =	dma.local @!p0 [hbm:s0], s1  }
0x94: {  	s0 =	simm.s32 @!p0 $0x3  }
0x95: {  	_ =	swait.ge @!p0 [sflag:s0], s1  }
0x96: {  	s1 =	ssub.s32 @!p0 $0x0, s1;
	[sflag:s0] =	ssyncset.done @!p0 $0x0  }
0x97: {  	[sflag:s0] =	ssyncadd.s32 @!p0 s1  }
0x98: {  	[bflag:$0x3] =	sbarrier.arrive $0xFFFF  }
0x99: {  	_ =	shalt  }

// kernel: kernel.9.cloned.1.call-start
scs
__scs_entry_jumppad:
0x0: {  	(pc) =	sbr.rel $0x88, $3  }
0x1: {  	(tag) =	ssettag $0x0;
	lr =	simm.s32 $0x1  }
0x2: {  	[smem:$0x3F95] =	sst lr;
	_ =	strace $0xD0000000  }
0x3: {  	_ = 	snop  }
0x4: {  	_ = 	snop  }
0x5: {  	_ = 	snop  }
0x6: {  	_ = 	snop  }
0x7: {  	_ = 	snop  }
__scs_overlays_trampoline_lowered:
0x8: {  	[smem:$0x3FA4] =	sst s0  }
0x9: {  	[smem:$0x3FA5] =	sst s1  }
0xa: {  	[smem:$0x3FA6] =	sst s2  }
0xb: {  	[smem:$0x3FA7] =	sst s3  }
0xc: {  	[smem:$0x3FA8] =	sst s4  }
0xd: {  	[smem:$0x3FA9] =	sst s5  }
0xe: {  	[smem:$0x3FAA] =	sst s6  }
0xf: {  	[smem:$0x3FAB] =	sst s7  }
0x10: {  	[smem:$0x3FAC] =	sst s8  }
0x11: {  	[smem:$0x3FAD] =	sst s9;
	s0 =	simm.s32 @!p0 $0x0  }
0x12: {  	s1 =	sld [smem:$0x3F93];
	s0 =	simm.s32 @p0 $0x1  }
0x13: {  	[smem:$0x3FAE] =	sst s0;
	s0 =	simm.s32 @!p1 $0x0  }
0x14: {  	s2 =	sld [smem:$0x3F92];
	s0 =	simm.s32 @p1 $0x1  }
0x15: {  	[smem:$0x3FAF] =	sst s0;
	s0 =	simm.s32 @!p2 $0x0  }
0x16: {  	s3 =	sld [smem:$0x3FDB];
	s0 =	simm.s32 @p2 $0x1  }
0x17: {  	s4 =	simm.s32 $0x1BF5;
	[smem:$0x3FB1] =	sst s0  }
0x18: {  	s0 =	sld [smem:$0x3F94];
	_ =	swait.ge [sflag:s4], $0x0  }
0x19: {  	s7 =	sld [smem:$0x3F95]  }
0x1a: {  	s8 =	sadd.s32 $0xFFFFE003, lr  }
0x1b: {  	s9 =	sadd.s32 $0xFFFFFEF7, lr;
	s5 =	simm.s32 $0xFFFFFFFF;
	p2 =	slt.u32 s8, $0xFFFFF086  }
0x1c: {  	p1 =	slt.u32 s9, $0xF7A;
	s5 =	simm.s32 @!p2 $0x0  }
0x1d: {  	s5 =	simm.s32 @p1 $0x1;
	p0 =	seq.s32 s7, s2  }
0x1e: {  	s7 =	smul.u32 @!p0 $0xF7A, s2;
	p2 =	seq.s32 @!p0 s5, $0x0  }
0x1f: {  	s9 =	smul.u32 $0xF7A, s1;
	s8 =	simm.s32 @!p0 $0x1BF5;
	p2 =	por !p2, p0  }
0x20: {  	[sflag:s8] =	ssyncset.s32 @!p0 $0xFFFFF086;
	s6 =	sadd.s32 @!p0 s3, s7;
	s7 =	simm.s32 @!p0 $0x108  }
0x21: {  	s3 =	sadd.s32 s3, s9;
	s6 =	sadd.s32 @!p0 $0x88, s6;
	s7 =	simm.s32 @p2 $0x1082  }
0x22: {  	[simem:s7], [sflag:s8] =	dma.local @!p0 [hbm:s6], $0xF7A  }
0x23: {  	s9 =	sor.u32 $0xD0000000, s2;
	s6 =	simm.s32 $0x108;
	_ =	swait.ge @!p0 [sflag:s8], $0x0  }
0x24: {  	s3 =	sadd.s32 $0x88, s3;
	s6 =	simm.s32 @!p1 $0x1082;
	[sflag:s4] =	ssyncset.s32 $0xFFFFF086  }
0x25: {  	[simem:s6], [sflag:s4] =	dma.local [hbm:s3], $0xF7A  }
0x26: {  	[smem:$0x3F95] =	sst s1;
	(tag) =	ssettag s2;
	_ =	strace s9  }
0x27: {  	s1 =	sld [smem:$0x3FA5]  }
0x28: {  	s2 =	sld [smem:$0x3FA6]  }
0x29: {  	s4 =	sld [smem:$0x3FA8]  }
0x2a: {  	p0 =	seq.s32 s5, $0x0;
	s5 =	sld [smem:$0x3FA9]  }
0x2b: {  	s6 =	sld [smem:$0x3FAA]  }
0x2c: {  	s7 =	sld [smem:$0x3FAB]  }
0x2d: {  	s3 =	simm.s32 $0x108;
	s8 =	sld [smem:$0x3FAC]  }
0x2e: {  	s3 =	simm.s32 @!p0 $0x1082;
	s9 =	sld [smem:$0x3FAD]  }
0x2f: {  	lr =	sadd.s32 s0, s3;
	s0 =	sld [smem:$0x3FA4]  }
0x30: {  	s3 =	sld [smem:$0x3FA7]  }
0x31: {  	[smem:$0x3FB0] =	sst s10  }
0x32: {  	s10 =	sld [smem:$0x3FAE];
	_ =	sdelay $0x3  }
0x33: {  	p0 =	seq.s32 s10, $0x1;
	s10 =	sld [smem:$0x3FB0];
	_ =	sdelay $0x3  }
0x34: {  	[smem:$0x3FB0] =	sst s10  }
0x35: {  	s10 =	sld [smem:$0x3FAF];
	_ =	sdelay $0x3  }
0x36: {  	p1 =	seq.s32 s10, $0x1;
	s10 =	sld [smem:$0x3FB0];
	_ =	sdelay $0x3  }
0x37: {  	[smem:$0x3FB0] =	sst s10  }
0x38: {  	s10 =	sld [smem:$0x3FB1]  }
0x39: {  	_ = 	snop;
	(pc) =	sbr.ind lr, $3  }
0x3a: {  	_ = 	snop  }
0x3b: {  	_ = 	snop  }
0x3c: {  	p2 =	seq.s32 s10, $0x1;
	s10 =	sld [smem:$0x3FB0]  }
0x3d: {  	_ =	shalt  }
0x3e: {  	_ =	shalt  }
0x3f: {  	_ =	shalt  }
0x40: {  	_ =	shalt  }
0x41: {  	_ =	shalt  }
0x42: {  	_ =	shalt  }
0x43: {  	_ =	shalt  }
0x44: {  	_ =	shalt  }
0x45: {  	_ =	shalt  }
0x46: {  	_ =	shalt  }
0x47: {  	_ =	shalt  }
0x48: {  	_ =	shalt  }
0x49: {  	_ =	shalt  }
0x4a: {  	_ =	shalt  }
0x4b: {  	_ =	shalt  }
0x4c: {  	_ =	shalt  }
0x4d: {  	_ =	shalt  }
0x4e: {  	_ =	shalt  }
0x4f: {  	_ =	shalt  }
0x50: {  	_ =	shalt  }
0x51: {  	_ =	shalt  }
0x52: {  	_ =	shalt  }
0x53: {  	_ =	shalt  }
0x54: {  	_ =	shalt  }
0x55: {  	_ =	shalt  }
0x56: {  	_ =	shalt  }
0x57: {  	_ =	shalt  }
0x58: {  	_ =	shalt  }
0x59: {  	_ =	shalt  }
0x5a: {  	_ =	shalt  }
0x5b: {  	_ =	shalt  }
0x5c: {  	_ =	shalt  }
0x5d: {  	_ =	shalt  }
0x5e: {  	_ =	shalt  }
0x5f: {  	_ =	shalt  }
0x60: {  	_ =	shalt  }
0x61: {  	_ =	shalt  }
0x62: {  	_ =	shalt  }
0x63: {  	_ =	shalt  }
0x64: {  	_ =	shalt  }
0x65: {  	_ =	shalt  }
0x66: {  	_ =	shalt  }
0x67: {  	_ =	shalt  }
0x68: {  	_ =	shalt  }
0x69: {  	_ =	shalt  }
0x6a: {  	_ =	shalt  }
0x6b: {  	_ =	shalt  }
0x6c: {  	_ =	shalt  }
0x6d: {  	_ =	shalt  }
0x6e: {  	_ =	shalt  }
0x6f: {  	_ =	shalt  }
0x70: {  	_ =	shalt  }
0x71: {  	_ =	shalt  }
0x72: {  	_ =	shalt  }
0x73: {  	_ =	shalt  }
0x74: {  	_ =	shalt  }
0x75: {  	_ =	shalt  }
0x76: {  	_ =	shalt  }
0x77: {  	_ =	shalt  }
0x78: {  	_ =	shalt  }
0x79: {  	_ =	shalt  }
0x7a: {  	_ =	shalt  }
0x7b: {  	_ =	shalt  }
0x7c: {  	_ =	shalt  }
0x7d: {  	_ =	shalt  }
0x7e: {  	_ =	shalt  }
0x7f: {  	_ =	shalt  }
0x80: {  	_ =	shalt  }
0x81: {  	_ =	shalt  }
0x82: {  	_ =	shalt  }
0x83: {  	_ =	shalt  }
0x84: {  	_ =	shalt  }
0x85: {  	_ =	shalt  }
0x86: {  	_ =	shalt  }
0x87: {  	_ =	shalt  }
.Lfunc_end0:
.L_simem_size_0:
called_computation_lowered:
.L_overlay_start_0:
0x88: {  	s2 =	sld [smem:$0x3FD9]  }
0x89: {  	s3 =	sld [smem:$0x3FFE];
	_ =	sdelay $0x1  }
0x8a: {  	s1 =	srdreg.scid  }
0x8b: {  	s0 =	sand.u32 $0x1, s1  }
0x8c: {  	s16 =	sshll.u32 s0, $0xA;
	s2 =	sadd.s32 s3, s2  }
0x8d: {  	s2 =	sadd.s32 s2, s16  }
0x8e: {  	[smem:$0x3FBC] =	sst s2  }
0x8f: {  	_ = 	snop  }
0x90: {  	(tm) =	ssettm $0x1  }
0x91: {  	s17 =	sld [smem:$0x3FFB];
	_ =	sdelay $0x3  }
0x92: {  	_ =	strace s17  }
0x93: {  	s2 =	sld [smem:$0x3FFC];
	_ =	sdelay $0x3  }
0x94: {  	_ =	strace s2  }
0x95: {  	s2 =	sld [smem:$0x3FFD];
	_ =	sdelay $0x3  }
0x96: {  	_ =	strace s2  }
0x97: {  	_ =	strace $0x8FFFFFFF  }
0x98: {  	s18 =	sld [smem:$0x3FDB];
	_ =	sdelay $0x1  }
0x99: {  	s19 =	simm.s32 $_scs_section_size  }
0x9a: {  	s4 =	simm.s32 $_size__tile_overlayer_lowered;
	s5 =	simm.s32 $_tile_overlayer_lowered  }
0x9b: {  	s22 =	simm.s32 $0x1BFF;
	s21 =	sshll.u32 s5, $0x1;
	s2 =	sadd.s32 s19, s18  }
0x9c: {  	s6 =	simm.s32 $0x0;
	s20 =	sshll.u32 s4, $0x1;
	s4 =	sadd.s32 s21, s2  }
0x9d: {  	[timem:s6], [sflag:s22] =	dma.local [hbm:s4], s20  }
0x9e: {  	_ =	swait.ge [sflag:s22], s20  }
0x9f: {  	s3 =	ssub.s32 $0x0, s20;
	[sflag:s22] =	ssyncset.done $0x0  }
0xa0: {  	[sflag:s22] =	ssyncadd.s32 s3;
	_ =	sdelay $0x1  }
0xa1: {  	s23 =	simm.s32 $0x1B8B  }
0xa2: {  	_ =	swait.ge [sflag:s23], $0x1  }
0xa3: {  	[sflag:s23] =	ssyncset.done $0x0  }
0xa4: {  	s25 =	simm.s32 $0x1B8E;
	s24 =	sld [smem:$0x3FFE];
	[sflag:s23] =	ssyncadd.s32 $0xFFFFFFFF  }
0xa5: {  	s26 =	simm.s32 $execute0_lowered;
	[smem:$0x3FD2] =	sst s25  }
0xa6: {  	s4 =	sshll.u32 s26, $0x1;
	_ =	strace $0x80000046;
	[dreg:$0x1] =	wrdreg $0xFFFFFFFF  }
0xa7: {  	s28 =	simm.s32 $_size_execute0_lowered;
	s2 =	sadd.s32 s2, s4;
	[dreg:$0x0] =	wrdreg $0x0  }
0xa8: {  	s4 =	sshll.u32 s28, $0x1;
	[dreg:$0x2] =	wrdreg s2  }
0xa9: {  	[dreg:$0x3] =	wrdreg s4  }
0xaa: {  	[dreg:$0x4] =	wrdreg $0xC0  }
0xab: {  	_ =	task [dreg:s6], $0x5FFFF  }
0xac: {  	[dreg:$0x1] =	wrdreg $0xFFFFFFFF  }
0xad: {  	[dreg:$0x0] =	wrdreg $0x60  }
0xae: {  	[dreg:$0x2] =	wrdreg s24  }
0xaf: {  	[dreg:$0x3] =	wrdreg $0x94000  }
0xb0: {  	[dreg:$0x4] =	wrdreg $0x9  }
0xb1: {  	_ =	task.clear_ibuf [dreg:s6], $0x5FFFF;
	_ =	strace $0x90000046  }
0xb2: {  	s29 =	simm.s32 $0x9;
	_ =	strace $0x80000048  }
0xb3: {  	_ =	swait.ge [sflag:s29], $0x1  }
0xb4: {  	[sflag:s29] =	ssyncadd.s32 $0xFFFFFFFF  }
0xb5: {  	_ =	strace $0x90000048  }
0xb6: {  	_ =	sfence  }
0xb7: {  	s30 =	sld [smem:$0x0];
	_ =	sdelay $0x2  }
0xb8: {  	s31 =	sshll.u32 s1, $0xD;
	s1 =	sshrl.u32 s1, $0x2  }
0xb9: {  	s3 =	sand.u32 $0x4000, s31;
	s1 =	sadd.s32 s1, s30  }
0xba: {  	s0 =	sor.u32 s3, s0;
	s1 =	sshll.u32 s1, $0x11  }
0xbb: {  	s0 =	sor.u32 s1, s0  }
0xbc: {  	s0 =	sadd.s32 $0x8F2B, s0  }
0xbd: {  	[sflag:s0] =	ssyncadd.remote.s32 $0x1  }
0xbe: {  	_ =	sfence.sel $0xFFFF  }
0xbf: {  	[dreg:$0x0] =	wrdreg $0xFFFFFFFF;
	(pc) =	sbr.abs _section_cstart, $3  }
0xc0: {  	[dreg:$0x1] =	wrdreg $0xFFFFFFFF  }
0xc1: {  	_ =	task.clear_ibuf [dreg:s6], $0x2FFFF;
	_ =	strace $0x9FFFFFFF  }
0xc2: {  	(tm) =	ssettm $0x7FFFFFFF  }
0xc3: {  	_ =	shalt  }
tec
execute0_lowered:
.L_overlay_start_1:
0x0: {  	(tag) =	ssettag $0x1  }
0x1: {  	s1 =	srdreg.scid;
	s4 =	rddreg [dreg:$0x0]  }
0x2: {  	s0 =	stileid.u32;
	s2 =	rddreg [dreg:$0x1];
	s3 =	simm.s32 $0x0  }
0x3: {  	s15 =	simm.s32 $0x5400;
	s16 =	simm.s32 $0x1;
	s18 =	smul.u32 $0x2800, s0  }
0x4: {  	s5 =	sand.u32 $0x1, s1;
	s1 =	rddreg [dreg:$0x2];
	s12 =	smul.u32 $0x50000, s0  }
0x5: {  	s17 =	simm.s32 $0x2;
	[smem:$0x7FF] =	sst s3;
	s25 =	smul.u32 $0x140000, s0  }
0x6: {  	s10 =	sadd.s32 $0x275400, s4;
	s28 =	sshll.u32 s0, $0x6;
	s6 =	smul.u32 $0x1400, s5  }
0x7: {  	_ =	strace $0x80000047;
	s7 =	smul.u32 $0x28000, s5;
	s8 =	ssub.s32 $0x2, s5  }
0x8: {  	s13 =	smul.u32 $0xA0000, s5;
	s5 =	sor.u32 $0x1C03, s28;
	s9 =	sadd.s32 s18, s4  }
0x9: {  	s11 =	sshrl.u32 s8, $0x1;
	s26 =	sshrl.u32 s12, $0x2;
	s12 =	simm.s32 $0x3  }
0xa: {  	s6 =	sadd.s32 s6, s18;
	s7 =	sadd.s32 s7, s4;
	s8 =	ssub.s32 s8, s11  }
0xb: {  	s14 =	sadd.s32 s26, s2;
	s29 =	sadd.s32 s25, s13;
	s13 =	simm.s32 $0x1400  }
0xc: {  	s6 =	sshrl.u32 s6, $0x3;
	s19 =	sadd.s32 $0x35C00, s7;
	s7 =	smax.u32 s8, $0x1  }
0xd: {  	s30 =	sor.u32 $0x4000, s29;
	s11 =	sor.u32 $0x8000, s29;
	s6 =	sadd.s32 s6, s4  }
0xe: {  	s4 =	sadd.s32 $0xDC00, s9;
	s9 =	sshrl.u32 s29, $0x3;
	s31 =	sshrl.u32 s30, $0x3  }
0xf: {  	s11 =	sshrl.u32 s11, $0x3;
	s18 =	sadd.s32 s18, s19;
	s19 =	simm.s32 $0x0  }
0x10: {  	s6 =	sadd.s32 $0x8C00, s6;
	s8 =	sadd.s32 s10, s9;
	s9 =	sadd.s32 s10, s31  }
0x11: {  	s10 =	sadd.s32 s11, s10;
	s11 =	sshrl.u32 s14, $0x3;
	s14 =	simm.s32 $0x80  }
.LBB2_1:
0x12: {  	[spmem:s11], [sflag:s5] =	dma.local [hbm:s4], $0x2800  }
0x13: {  	_ =	swait.ge [sflag:s12], $0x2800  }
0x14: {  	[sflag:s12] =	ssyncset.done $0x0  }
0x15: {  	[sflag:s12] =	ssyncadd.s32 $0xFFFFD800  }
0x16: {  	[bflag:$0x0] =	sbarrier.arrive $0xFFFF  }
0x17: {  	[tilespmem:s3], [sflag:$0x3] =	stream.linear.gather [hbm4b:s6+s3], $0x1400, $0x38;
	[tilespmem:$0x1D400] =	vst v63  }
0x18: {  	_ =	swait.ge [sflag:s12], $0x1400  }
0x19: {  	[sflag:s12] =	ssyncset.done $0x0  }
0x1a: {  	[sflag:s12] =	ssyncadd.s32 $0xFFFFEC00  }
0x1b: {  	[tilespmem:s13], [sflag:$0x3] =	stream.linear.gather [hbm4b:s8+s3], $0x4000, $0x38;
	[tilespmem:$0x1D400] =	vst v63  }
0x1c: {  	_ =	swait.ge [sflag:s12], $0x4000  }
0x1d: {  	[sflag:s12] =	ssyncset.done $0x0  }
0x1e: {  	[sflag:s12] =	ssyncadd.s32 $0xFFFFC000  }
0x1f: {  	[spmem:s2] =	stream.indirect.scatter.add.f32 [tilespmem:s13], [sflag:$0x1], $0x80, s3, s14, $0xb8;
	[tilespmem:$0x1D400] =	vst v63  }
0x20: {  	_ = 	snop  }
0x21: {  	[tilespmem:s15], [sflag:$0x3] =	stream.linear.gather [hbm4b:s9+s3], $0x4000, $0x38;
	[tilespmem:$0x1D400] =	vst v63  }
0x22: {  	_ =	swait.ge [sflag:s12], $0x4000  }
0x23: {  	s21 =	sand.u32 $0x1, s17;
	[sflag:s12] =	ssyncset.done $0x0  }
0x24: {  	s20 =	sadd.s32 $0x1, s21;
	[sflag:s12] =	ssyncadd.s32 $0xFFFFC000  }
0x25: {  	[spmem:s2] =	stream.indirect.scatter.add.f32 [tilespmem:s15], [sflag:$0x2], $0x80, s14, s14, $0xb8;
	[tilespmem:$0x1D400] =	vst v63  }
0x26: {  	_ =	swait.ge [sflag:s20], $0x4000  }
0x27: {  	s23 =	simm.s32 $0x100;
	s21 =	sshll.u32 s21, $0xE;
	[sflag:s20] =	ssyncset.done $0x0  }
0x28: {  	s25 =	simm.s32 $0x3;
	s24 =	sor.u32 $0x1400, s21;
	[sflag:s20] =	ssyncadd.s32 $0xFFFFC000  }
0x29: {  	[tilespmem:s24], [sflag:$0x3] =	stream.linear.gather [hbm4b:s10+s3], $0x4000, $0x38;
	[tilespmem:$0x1D400] =	vst v63  }
0x2a: {  	s26 =	simm.s32 $0x4;
	s22 =	sadd.s32 $0x800, s10;
	_ =	swait.ge [sflag:s12], $0x4000  }
0x2b: {  	s25 =	sand.u32 $0x1, s25;
	s21 =	simm.s32 $0x180;
	[sflag:s12] =	ssyncset.done $0x0  }
.LBB2_2:
0x2c: {  	s28 =	sadd.s32 $0x1, s25  }
0x2d: {  	[sflag:s12] =	ssyncadd.s32 $0xFFFFC000;
	s29 =	smov.u32 s26;
	s30 =	sadd.s32 $0x1, s26  }
0x2e: {  	[spmem:s2] =	stream.indirect.scatter.add.f32 [tilespmem:s24], [sflag:s20], $0x80, s23, s14, $0xb8;
	[tilespmem:$0x1D400] =	vst v63  }
0x2f: {  	p0 =	sne.s32 s26, $0x27;
	s20 =	smov.u32 s28;
	_ =	swait.ge [sflag:s28], $0x4000  }
.Ltmp0:
0x30: {  	s23 =	sshll.u32 s25, $0xE;
	[sflag:s20] =	ssyncset.done $0x0;
	(pc) =	sbr.rel @p0 .LBB2_2-.Ltmp0, $4  }
0x31: {  	s24 =	sor.u32 $0x1400, s23;
	s23 =	smov.u32 s21;
	[sflag:s20] =	ssyncadd.s32 $0xFFFFC000  }
0x32: {  	[tilespmem:s24], [sflag:$0x3] =	stream.linear.gather [hbm4b:s22+s3], $0x4000, $0x38;
	[tilespmem:$0x1D400] =	vst v63  }
0x33: {  	s25 =	sand.u32 $0x1, s29;
	s22 =	sadd.s32 $0x800, s22;
	_ =	swait.ge [sflag:s12], $0x4000  }
0x34: {  	s26 =	smov.u32 s30;
	s21 =	sadd.s32 $0x80, s21;
	[sflag:s12] =	ssyncset.done $0x0  }
0x35: {  	s26 =	sadd.s32 $0x1, s25;
	[sflag:s12] =	ssyncadd.s32 $0xFFFFC000  }
0x36: {  	[spmem:s2] =	stream.indirect.scatter.add.f32 [tilespmem:s24], [sflag:s20], $0x80, s23, s14, $0xb8;
	[tilespmem:$0x1D400] =	vst v63  }
0x37: {  	_ =	swait.ge [sflag:s26], $0x4000  }
0x38: {  	s31 =	sshll.u32 s25, $0xE;
	[sflag:s26] =	ssyncset.done $0x0  }
0x39: {  	s20 =	sor.u32 $0x1400, s31;
	[sflag:s26] =	ssyncadd.s32 $0xFFFFC000  }
0x3a: {  	[tilespmem:s20], [sflag:$0x3] =	stream.linear.gather [hbm4b:s22+s3], $0x4000, $0x38;
	[tilespmem:$0x1D400] =	vst v63  }
0x3b: {  	_ =	swait.ge [sflag:s12], $0x4000  }
0x3c: {  	[sflag:s12] =	ssyncset.done $0x0  }
0x3d: {  	[sflag:s12] =	ssyncadd.s32 $0xFFFFC000  }
0x3e: {  	[spmem:s2] =	stream.indirect.scatter.add.f32 [tilespmem:s20], [sflag:s26], $0x80, s21, s14, $0xb8;
	[tilespmem:$0x1D400] =	vst v63  }
0x3f: {  	_ =	swait.ge [sflag:s16], $0x4000  }
0x40: {  	[sflag:s16] =	ssyncset.done $0x0  }
0x41: {  	[sflag:s16] =	ssyncadd.s32 $0xFFFFC000  }
0x42: {  	_ =	swait.ge [sflag:s17], $0x4000  }
0x43: {  	[sflag:s17] =	ssyncset.done $0x0  }
0x44: {  	s19 =	sadd.s32 $0x1, s19;
	[sflag:s17] =	ssyncadd.s32 $0xFFFFC000  }
0x45: {  	p0 =	sne.s32 s19, s7;
	[bflag:$0x0] =	sbarrier.arrive $0xFFFF  }
0x46: {  	[hbm:s18], [sflag:s5] =	dma.local [spmem:s11], $0x2800  }
.Ltmp1:
0x47: {  	_ =	swait.ge [sflag:s12], $0x2800;
	(pc) =	sbr.rel @p0 .LBB2_1-.Ltmp1, $3  }
0x48: {  	[sflag:s12] =	ssyncset.done $0x0  }
0x49: {  	[sflag:s12] =	ssyncadd.s32 $0xFFFFD800  }
0x4a: {  	[bflag:$0x0] =	sbarrier.arrive $0xFFFF;
	_ =	sdelay $0x1  }
0x4b: {  	_ =	sfence.sel $0x180000  }
0x4c: {  	[bflag:$0x0] =	sbarrier.arrive $0xFFFF  }
0x4d: {  	p0 =	sne.s32 s0, $0x0;
	_ =	strace $0x90000047  }
0x4e: {  	s0 =	sadd.s32 @!p0 $0x100000, s1;
	[bflag:$0x2] =	sbarrier.arrive $0xFFFF  }
0x4f: {  	[sflag:s0] =	ssyncadd.tile.s32 @!p0 $0x1;
	_ =	shalt  }
.Lfunc_end2:
_tile_overlayer_lowered:
.L_overlay_start_2:
0x50: {  	(tag) =	ssettag $0x2  }
0x51: {  	s0 =	rddreg [dreg:$0x0];
	s2 =	stileid.u32  }
0x52: {  	s1 =	rddreg [dreg:$0x1];
	p0 =	sne.s32 s2, $0x0  }
0x53: {  	s3 =	rddreg [dreg:$0x2];
	[bflag:$0x3] =	sbarrier.arrive $0xFFFF;
	s2 =	simm.s32 @!p0 $0x1C03  }
0x54: {  	[timem:s3], [sflag:s2] =	dma.local @!p0 [hbm:s0], s1  }
0x55: {  	s0 =	simm.s32 @!p0 $0x3  }
0x56: {  	_ =	swait.ge @!p0 [sflag:s0], s1  }
0x57: {  	s1 =	ssub.s32 @!p0 $0x0, s1;
	[sflag:s0] =	ssyncset.done @!p0 $0x0  }
0x58: {  	[sflag:s0] =	ssyncadd.s32 @!p0 s1  }
0x59: {  	[bflag:$0x3] =	sbarrier.arrive $0xFFFF  }
0x5a: {  	_ =	shalt  }

</sc_bundles>
